<compile_context>
chip_gen: v7x
topology: tpu7x:2x2x1
jax: 0.10.2.dev20260603
libtpu: 0.0.44.dev20260713+nightly
codegen_flags: <defaults>
</compile_context>

<pallas_src>
import jax
import jax.numpy as jnp
from jax import lax
from jax.experimental import pallas as pl
from jax.experimental.pallas import tpu as pltpu
from jax.experimental.pallas import tpu_sc as plsc

GRID = 256
NPTS = 2097152
CH = 4
L = 16

_info = plsc.get_sparse_core_info()
_NC, _NS = _info.num_cores, _info.num_subcores
NW = _NC * _NS
PTS_PER_TILE = NPTS // NW

_CP = pltpu.CompilerParams(needs_layout_passes=False, use_tc_tiling_on_sc=False)
_MESH = dict(core_axis_name="c", subcore_axis_name="s")

NFLOAT = GRID * GRID * GRID * CH
NBLK = NFLOAT // 512
BLK_PER_TILE = NBLK // NW
K1_CHUNK = 64
K1_NCHUNK = BLK_PER_TILE // K1_CHUNK
K1_NGRP = K1_CHUNK * 32


def _fmt_body(av_hbm, t_hbm, in_v, out_v):
    wid = lax.axis_index("s") * _NC + lax.axis_index("c")
    base = wid * BLK_PER_TILE * 512
    lanes = lax.iota(jnp.int32, L)
    ibase = (lanes & 3) * 128 + (lanes >> 2)

    def chunk_body(k, carry):
        off = base + k * (K1_CHUNK * 512)
        pltpu.sync_copy(av_hbm.at[pl.ds(off, K1_CHUNK * 512)], in_v)

        def blk(b, c2):
            b512 = b * 512
            for i in range(32):
                idx = (b512 + i * 4) + ibase
                out_v[pl.ds(b512 + i * L, L)] = plsc.load_gather(in_v, [idx])
            return c2

        lax.fori_loop(0, K1_CHUNK, blk, 0)
        pltpu.sync_copy(out_v, t_hbm.at[pl.ds(off, K1_CHUNK * 512)])
        return carry

    lax.fori_loop(0, K1_NCHUNK, chunk_body, 0)


CHUNK = 512
NCHUNK = PTS_PER_TILE // CHUNK
NGRP = CHUNK // L
GSLICE = 128
NGS = CHUNK // GSLICE
NTAB = 8
XY_OFF = (0, 128, 32768, 32896)


def _tile_body(pts_hbm, vg_hbm, out_hbm, pts_v, idx_v, fr_v, par_v, gat_v, out_v, sem):
    wid = lax.axis_index("s") * _NC + lax.axis_index("c")
    base = wid * PTS_PER_TILE
    lanes = lax.iota(jnp.int32, L)
    zero = jnp.zeros((L,), jnp.int32)

    def chunk_body(ci, carry):
        off = base + ci * CHUNK
        pltpu.sync_copy(pts_hbm.at[pl.ds(off * 4, CHUNK * 4)], pts_v)

        def idx_body(g, c2):
            s = g * L
            pbase = (s >> 7) * 512 + (s & 127)
            px = pts_v[pl.ds(pbase, L)]
            py = pts_v[pl.ds(pbase + 128, L)]
            pz = pts_v[pl.ds(pbase + 256, L)]
            gx = px * 127.5 + 127.5
            gy = py * 127.5 + 127.5
            gz = pz * 127.5 + 127.5
            x0 = gx.astype(jnp.int32)
            y0 = gy.astype(jnp.int32)
            z0 = gz.astype(jnp.int32)
            fx = gx - x0.astype(jnp.float32)
            fy = gy - y0.astype(jnp.float32)
            fz = gz - z0.astype(jnp.float32)
            x0 = jnp.minimum(jnp.maximum(x0, 0), GRID - 2)
            y0 = jnp.minimum(jnp.maximum(y0, 0), GRID - 2)
            z0 = jnp.minimum(jnp.maximum(z0, 0), GRID - 2)
            f = (x0 << 16) | (y0 << 8) | z0
            par = f & 1
            ra = f >> 1
            rb = ra + par
            sl = pl.ds(s, L)
            for t in range(4):
                idx_v[2 * t, sl] = ra + XY_OFF[t]
                idx_v[2 * t + 1, sl] = rb + XY_OFF[t]
            fr_v[0, sl] = fx
            fr_v[1, sl] = fy
            fr_v[2, sl] = fz
            par_v[sl] = par << 2
            return c2

        lax.fori_loop(0, NGRP, idx_body, 0)

        copies = []
        for t in range(NTAB):
            for j in range(NGS):
                copies.append(
                    pltpu.async_copy(
                        vg_hbm.at[idx_v.at[t, pl.ds(j * GSLICE, GSLICE)]],
                        gat_v.at[t, pl.ds(j * GSLICE, GSLICE)],
                        sem,
                    )
                )
        for cp in copies:
            cp.wait()

        def comb_body(g, c2):
            s = g * L
            rows = s + lanes
            sl = pl.ds(s, L)
            fx = fr_v[0, sl]
            fy = fr_v[1, sl]
            fz = fr_v[2, sl]
            par4 = par_v[sl]
            ex = 1.0 - fx
            ey = 1.0 - fy
            ez = 1.0 - fz
            wxy = (ex * ey, ex * fy, fx * ey, fx * fy)
            wa = tuple(w * ez for w in wxy)
            wb = tuple(w * fz for w in wxy)
            for ch in range(CH):
                sa = par4 + ch
                sb = (zero + (4 + ch)) - par4
                acc = wa[0] * plsc.load_gather(gat_v.at[0], [rows, sa])
                acc = acc + wb[0] * plsc.load_gather(gat_v.at[1], [rows, sb])
                for t in range(1, 4):
                    acc = acc + wa[t] * plsc.load_gather(gat_v.at[2 * t], [rows, sa])
                    acc = acc + wb[t] * plsc.load_gather(
                        gat_v.at[2 * t + 1], [rows, sb]
                    )
                o = ((g >> 3) * 4 + ch) * 128 + ((g & 7) * L)
                out_v[pl.ds(o, L)] = acc
            return c2

        lax.fori_loop(0, NGRP, comb_body, 0)
        pltpu.sync_copy(out_v, out_hbm.at[pl.ds(off * 4, CHUNK * 4)])
        return carry

    lax.fori_loop(0, NCHUNK, chunk_body, 0)


@jax.jit
def kernel(points, voxel_grid):
    av = voxel_grid.reshape(GRID, GRID, 2, 128, CH)
    av = av.transpose(0, 1, 2, 4, 3).reshape(NFLOAT)
    fmt = pl.kernel(
        _fmt_body,
        out_type=jax.ShapeDtypeStruct((NFLOAT,), jnp.float32),
        mesh=plsc.VectorSubcoreMesh(**_MESH),
        scratch_types=[
            pltpu.VMEM((K1_CHUNK * 512,), jnp.float32),
            pltpu.VMEM((K1_CHUNK * 512,), jnp.float32),
        ],
        compiler_params=_CP,
    )
    table = fmt(av).reshape(NFLOAT // 8, 8)

    pp = jnp.pad(points, ((0, 0), (0, 1)))
    pts = pp.reshape(NPTS // 128, 128, 4).transpose(0, 2, 1).reshape(NPTS * 4)
    run = pl.kernel(
        _tile_body,
        out_type=jax.ShapeDtypeStruct((NPTS * 4,), jnp.float32),
        mesh=plsc.VectorSubcoreMesh(**_MESH),
        scratch_types=[
            pltpu.VMEM((CHUNK * 4,), jnp.float32),
            pltpu.VMEM((NTAB, CHUNK), jnp.int32),
            pltpu.VMEM((3, CHUNK), jnp.float32),
            pltpu.VMEM((CHUNK,), jnp.int32),
            pltpu.VMEM((NTAB, CHUNK, 2 * CH), jnp.float32),
            pltpu.VMEM((CHUNK * 4,), jnp.float32),
            pltpu.SemaphoreType.DMA,
        ],
        compiler_params=_CP,
    )
    out = run(pts, table)
    return out.reshape(NPTS // 128, CH, 128).transpose(0, 2, 1).reshape(NPTS, CH)

# --- scband reference (transcript-rebuilt; emitter-appended) ---
"""Pipeline reference for scband-plenoxel-grid-44770739093770 (READ-ONLY COPY).

The authoritative reference and input builder live on the scoring server;
editing this copy changes nothing except your own understanding.
"""

import jax, jax.numpy as jnp
import numpy as np

GRID_SIZE = 256
N_POINTS = 2097152
BBOX_MIN = jnp.array([-1.0, -1.0, -1.0], dtype=jnp.float32)
BBOX_MAX = jnp.array([1.0, 1.0, 1.0], dtype=jnp.float32)


def setup_inputs(seed: int = 0) -> dict:
    key = jax.random.key(seed)
    k1, k2 = jax.random.split(key)
    points = jax.random.uniform(k1, (N_POINTS, 3), dtype=jnp.float32)
    voxel_grid = jax.random.uniform(
        k2, (GRID_SIZE, GRID_SIZE, GRID_SIZE, 4), dtype=jnp.float32,
        minval=-0.1, maxval=0.1)
    return {"points": points, "voxel_grid": voxel_grid}


def reference(points, voxel_grid):
    # Faithful translation of PlenoxelGrid.trilinear_interpolate
    normalized_points = (points - BBOX_MIN) / (BBOX_MAX - BBOX_MIN)
    grid_coords = normalized_points * (GRID_SIZE - 1)
    grid_coords_int = jnp.floor(grid_coords).astype(jnp.int32)
    grid_coords_frac = grid_coords - grid_coords_int.astype(jnp.float32)
    grid_coords_int = jnp.clip(grid_coords_int, 0, GRID_SIZE - 2)
    x0 = grid_coords_int[..., 0]
    y0 = grid_coords_int[..., 1]
    z0 = grid_coords_int[..., 2]
    x1, y1, z1 = x0 + 1, y0 + 1, z0 + 1
    dx = grid_coords_frac[..., 0:1]
    dy = grid_coords_frac[..., 1:2]
    dz = grid_coords_frac[..., 2:3]
    c000 = voxel_grid[x0, y0, z0]
    c001 = voxel_grid[x0, y0, z1]
    c010 = voxel_grid[x0, y1, z0]
    c011 = voxel_grid[x0, y1, z1]
    c100 = voxel_grid[x1, y0, z0]
    c101 = voxel_grid[x1, y0, z1]
    c110 = voxel_grid[x1, y1, z0]
    c111 = voxel_grid[x1, y1, z1]
    c00 = c000 * (1 - dx) + c100 * dx
    c01 = c001 * (1 - dx) + c101 * dx
    c10 = c010 * (1 - dx) + c110 * dx
    c11 = c011 * (1 - dx) + c111 * dx
    c0 = c00 * (1 - dy) + c10 * dy
    c1 = c01 * (1 - dy) + c11 * dy
    result = c0 * (1 - dz) + c1 * dz
    return result

if __name__ == "__main__":
    import jax
    _d = setup_inputs()
    print(jax.jit(kernel)(*tuple(_d.values())))

</pallas_src>

<mosaic_0001>
#map = affine_map<(d0, d1) -> (0)>
module attributes {stable_mosaic.version = 14 : i64} {
  func.func @_fmt_body(%arg0: i32, %arg1: i32, %arg2: memref<67108864xf32, #tpu.memory_space<hbm>>, %arg3: memref<67108864xf32, #tpu.memory_space<hbm>>, %arg4: memref<32768xf32, #tpu.memory_space<vmem>>, %arg5: memref<32768xf32, #tpu.memory_space<vmem>>) attributes {dimension_semantics = [#tpu.dimension_semantics<core_parallel>, #tpu.dimension_semantics<subcore_parallel>], iteration_bounds = array<i64: 2, 16>, scalar_prefetch = 0 : i64, scratch_operands = 2 : i64, tpu.core_type = #tpu.core_type<sc_vector_subcore>, window_params = [{transform_indices = #map}, {transform_indices = #map}]} {
    %mul3A = arith.constant 2 : i32
    %mul3A_0 = arith.muli %arg1, %mul3A : i32
    %add3A = arith.addi %mul3A_0, %arg0 : i32
    %mul3A_1 = arith.constant 4096 : i32
    %mul3A_2 = arith.muli %add3A, %mul3A_1 : i32
    %mul3A_3 = arith.constant 512 : i32
    %mul3A_4 = arith.muli %mul3A_2, %mul3A_3 : i32
    %iota3A = tpu.iota {dimensions = array<i32: 0>} : vector<16xi32>
    %and3A = arith.constant 3 : i32
    %and3A_5 = vector.broadcast %and3A : i32 to vector<16xi32>
    %and3A_6 = arith.andi %iota3A, %and3A_5 : vector<16xi32>
    %mul3A_7 = arith.constant 128 : i32
    %mul3A_8 = vector.broadcast %mul3A_7 : i32 to vector<16xi32>
    %mul3A_9 = arith.muli %and3A_6, %mul3A_8 : vector<16xi32>
    %shift_right_arithmetic3A = arith.constant 2 : i32
    %shift_right_arithmetic3A_10 = vector.broadcast %shift_right_arithmetic3A : i32 to vector<16xi32>
    %shift_right_arithmetic3A_11 = arith.shrsi %iota3A, %shift_right_arithmetic3A_10 : vector<16xi32>
    %add3A_12 = arith.addi %mul3A_9, %shift_right_arithmetic3A_11 : vector<16xi32>
    %scan3A = arith.constant 0 : i32
    %scan3A_13 = arith.constant 0 : i32
    %scan3A_14 = arith.constant 64 : i32
    %scan3A_15 = arith.addi %scan3A_13, %scan3A_14 : i32
    %scan3A_16 = arith.constant 1 : i32
    scf.for %scan3A_18 = %scan3A_13 to %scan3A_15 step %scan3A_16  : i32 {
      %mul3A_19 = arith.constant 32768 : i32
      %mul3A_20 = arith.muli %scan3A_18, %mul3A_19 : i32
      %add3A_21 = arith.addi %mul3A_4, %mul3A_20 : i32
      "tpu.region"() ({
        %run_scoped3A = tpu.sem_alloc : memref<!tpu.dma_semaphore, #tpu.memory_space<semaphore_mem>>
        %dma_start3A = tpu.memref_slice %arg2[%add3A_21] : memref<67108864xf32, #tpu.memory_space<hbm>> -> memref<32768xf32, #tpu.memory_space<hbm>>
        %dma_start3A_28 = tpu.memref_slice %arg2[%add3A_21] : memref<67108864xf32, #tpu.memory_space<hbm>> -> memref<32768xf32, #tpu.memory_space<hbm>>
        tpu.enqueue_dma source(%dma_start3A_28 : memref<32768xf32, #tpu.memory_space<hbm>>) target(%arg4 : memref<32768xf32, #tpu.memory_space<vmem>>) target_semaphore(%run_scoped3A : memref<!tpu.dma_semaphore, #tpu.memory_space<semaphore_mem>>)
        %dma_wait3A = tpu.memref_slice %arg2[%add3A_21] : memref<67108864xf32, #tpu.memory_space<hbm>> -> memref<32768xf32, #tpu.memory_space<hbm>>
        %dma_wait3A_29 = tpu.memref_slice %arg2[%add3A_21] : memref<67108864xf32, #tpu.memory_space<hbm>> -> memref<32768xf32, #tpu.memory_space<hbm>>
        tpu.wait_dma2 semaphore(%run_scoped3A : memref<!tpu.dma_semaphore, #tpu.memory_space<semaphore_mem>>) src(%dma_wait3A_29 : memref<32768xf32, #tpu.memory_space<hbm>>) dst(%arg4 : memref<32768xf32, #tpu.memory_space<vmem>>)
        tpu.yield
      }) : () -> ()
      %scan3A_22 = arith.constant 0 : i32
      %scan3A_23 = arith.constant 0 : i32
      %scan3A_24 = arith.constant 64 : i32
      %scan3A_25 = arith.addi %scan3A_23, %scan3A_24 : i32
      %scan3A_26 = arith.constant 1 : i32
      scf.for %scan3A_28 = %scan3A_23 to %scan3A_25 step %scan3A_26  : i32 {
        %mul3A_29 = arith.constant 512 : i32
        %mul3A_30 = arith.muli %scan3A_28, %mul3A_29 : i32
        %add3A_31 = arith.constant 0 : i32
        %add3A_32 = arith.addi %mul3A_30, %add3A_31 : i32
        %add3A_33 = vector.broadcast %add3A_32 : i32 to vector<16xi32>
        %add3A_34 = arith.addi %add3A_33, %add3A_12 : vector<16xi32>
        %gather3A = tpu.vector_load_idx %arg4[%add3A_34] : memref<32768xf32, #tpu.memory_space<vmem>>[vector<16xi32>], vector<16xf32>,
        %add3A_35 = arith.constant 0 : i32
        %add3A_36 = arith.addi %mul3A_30, %add3A_35 : i32
        %swap3A = arith.index_cast %add3A_36 : i32 to index
        %swap3A_37 = tpu.vector_load %arg5[%swap3A] {strides = array<i32>} : memref<32768xf32, #tpu.memory_space<vmem>>, vector<16xf32>,
        tpu.vector_store %arg5[%swap3A], %gather3A {strides = array<i32>} : memref<32768xf32, #tpu.memory_space<vmem>>, vector<16xf32>,
        %add3A_38 = arith.constant 4 : i32
        %add3A_39 = arith.addi %mul3A_30, %add3A_38 : i32
        %add3A_40 = vector.broadcast %add3A_39 : i32 to vector<16xi32>
        %add3A_41 = arith.addi %add3A_40, %add3A_12 : vector<16xi32>
        %gather3A_42 = tpu.vector_load_idx %arg4[%add3A_41] : memref<32768xf32, #tpu.memory_space<vmem>>[vector<16xi32>], vector<16xf32>,
        %add3A_43 = arith.constant 16 : i32
        %add3A_44 = arith.addi %mul3A_30, %add3A_43 : i32
        %swap3A_45 = arith.index_cast %add3A_44 : i32 to index
        %swap3A_46 = tpu.vector_load %arg5[%swap3A_45] {strides = array<i32>} : memref<32768xf32, #tpu.memory_space<vmem>>, vector<16xf32>,
        tpu.vector_store %arg5[%swap3A_45], %gather3A_42 {strides = array<i32>} : memref<32768xf32, #tpu.memory_space<vmem>>, vector<16xf32>,
        %add3A_47 = arith.constant 8 : i32
        %add3A_48 = arith.addi %mul3A_30, %add3A_47 : i32
        %add3A_49 = vector.broadcast %add3A_48 : i32 to vector<16xi32>
        %add3A_50 = arith.addi %add3A_49, %add3A_12 : vector<16xi32>
        %gather3A_51 = tpu.vector_load_idx %arg4[%add3A_50] : memref<32768xf32, #tpu.memory_space<vmem>>[vector<16xi32>], vector<16xf32>,
        %add3A_52 = arith.constant 32 : i32
        %add3A_53 = arith.addi %mul3A_30, %add3A_52 : i32
        %swap3A_54 = arith.index_cast %add3A_53 : i32 to index
        %swap3A_55 = tpu.vector_load %arg5[%swap3A_54] {strides = array<i32>} : memref<32768xf32, #tpu.memory_space<vmem>>, vector<16xf32>,
        tpu.vector_store %arg5[%swap3A_54], %gather3A_51 {strides = array<i32>} : memref<32768xf32, #tpu.memory_space<vmem>>, vector<16xf32>,
        %add3A_56 = arith.constant 12 : i32
        %add3A_57 = arith.addi %mul3A_30, %add3A_56 : i32
        %add3A_58 = vector.broadcast %add3A_57 : i32 to vector<16xi32>
        %add3A_59 = arith.addi %add3A_58, %add3A_12 : vector<16xi32>
        %gather3A_60 = tpu.vector_load_idx %arg4[%add3A_59] : memref<32768xf32, #tpu.memory_space<vmem>>[vector<16xi32>], vector<16xf32>,
        %add3A_61 = arith.constant 48 : i32
        %add3A_62 = arith.addi %mul3A_30, %add3A_61 : i32
        %swap3A_63 = arith.index_cast %add3A_62 : i32 to index
        %swap3A_64 = tpu.vector_load %arg5[%swap3A_63] {strides = array<i32>} : memref<32768xf32, #tpu.memory_space<vmem>>, vector<16xf32>,
        tpu.vector_store %arg5[%swap3A_63], %gather3A_60 {strides = array<i32>} : memref<32768xf32, #tpu.memory_space<vmem>>, vector<16xf32>,
        %add3A_65 = arith.constant 16 : i32
        %add3A_66 = arith.addi %mul3A_30, %add3A_65 : i32
        %add3A_67 = vector.broadcast %add3A_66 : i32 to vector<16xi32>
        %add3A_68 = arith.addi %add3A_67, %add3A_12 : vector<16xi32>
        %gather3A_69 = tpu.vector_load_idx %arg4[%add3A_68] : memref<32768xf32, #tpu.memory_space<vmem>>[vector<16xi32>], vector<16xf32>,
        %add3A_70 = arith.constant 64 : i32
        %add3A_71 = arith.addi %mul3A_30, %add3A_70 : i32
        %swap3A_72 = arith.index_cast %add3A_71 : i32 to index
        %swap3A_73 = tpu.vector_load %arg5[%swap3A_72] {strides = array<i32>} : memref<32768xf32, #tpu.memory_space<vmem>>, vector<16xf32>,
        tpu.vector_store %arg5[%swap3A_72], %gather3A_69 {strides = array<i32>} : memref<32768xf32, #tpu.memory_space<vmem>>, vector<16xf32>,
        %add3A_74 = arith.constant 20 : i32
        %add3A_75 = arith.addi %mul3A_30, %add3A_74 : i32
        %add3A_76 = vector.broadcast %add3A_75 : i32 to vector<16xi32>
        %add3A_77 = arith.addi %add3A_76, %add3A_12 : vector<16xi32>
        %gather3A_78 = tpu.vector_load_idx %arg4[%add3A_77] : memref<32768xf32, #tpu.memory_space<vmem>>[vector<16xi32>], vector<16xf32>,
        %add3A_79 = arith.constant 80 : i32
        %add3A_80 = arith.addi %mul3A_30, %add3A_79 : i32
        %swap3A_81 = arith.index_cast %add3A_80 : i32 to index
        %swap3A_82 = tpu.vector_load %arg5[%swap3A_81] {strides = array<i32>} : memref<32768xf32, #tpu.memory_space<vmem>>, vector<16xf32>,
        tpu.vector_store %arg5[%swap3A_81], %gather3A_78 {strides = array<i32>} : memref<32768xf32, #tpu.memory_space<vmem>>, vector<16xf32>,
        %add3A_83 = arith.constant 24 : i32
        %add3A_84 = arith.addi %mul3A_30, %add3A_83 : i32
        %add3A_85 = vector.broadcast %add3A_84 : i32 to vector<16xi32>
        %add3A_86 = arith.addi %add3A_85, %add3A_12 : vector<16xi32>
        %gather3A_87 = tpu.vector_load_idx %arg4[%add3A_86] : memref<32768xf32, #tpu.memory_space<vmem>>[vector<16xi32>], vector<16xf32>,
        %add3A_88 = arith.constant 96 : i32
        %add3A_89 = arith.addi %mul3A_30, %add3A_88 : i32
        %swap3A_90 = arith.index_cast %add3A_89 : i32 to index
        %swap3A_91 = tpu.vector_load %arg5[%swap3A_90] {strides = array<i32>} : memref<32768xf32, #tpu.memory_space<vmem>>, vector<16xf32>,
        tpu.vector_store %arg5[%swap3A_90], %gather3A_87 {strides = array<i32>} : memref<32768xf32, #tpu.memory_space<vmem>>, vector<16xf32>,
        %add3A_92 = arith.constant 28 : i32
        %add3A_93 = arith.addi %mul3A_30, %add3A_92 : i32
        %add3A_94 = vector.broadcast %add3A_93 : i32 to vector<16xi32>
        %add3A_95 = arith.addi %add3A_94, %add3A_12 : vector<16xi32>
        %gather3A_96 = tpu.vector_load_idx %arg4[%add3A_95] : memref<32768xf32, #tpu.memory_space<vmem>>[vector<16xi32>], vector<16xf32>,
        %add3A_97 = arith.constant 112 : i32
        %add3A_98 = arith.addi %mul3A_30, %add3A_97 : i32
        %swap3A_99 = arith.index_cast %add3A_98 : i32 to index
        %swap3A_100 = tpu.vector_load %arg5[%swap3A_99] {strides = array<i32>} : memref<32768xf32, #tpu.memory_space<vmem>>, vector<16xf32>,
        tpu.vector_store %arg5[%swap3A_99], %gather3A_96 {strides = array<i32>} : memref<32768xf32, #tpu.memory_space<vmem>>, vector<16xf32>,
        %add3A_101 = arith.constant 32 : i32
        %add3A_102 = arith.addi %mul3A_30, %add3A_101 : i32
        %add3A_103 = vector.broadcast %add3A_102 : i32 to vector<16xi32>
        %add3A_104 = arith.addi %add3A_103, %add3A_12 : vector<16xi32>
        %gather3A_105 = tpu.vector_load_idx %arg4[%add3A_104] : memref<32768xf32, #tpu.memory_space<vmem>>[vector<16xi32>], vector<16xf32>,
        %add3A_106 = arith.constant 128 : i32
        %add3A_107 = arith.addi %mul3A_30, %add3A_106 : i32
        %swap3A_108 = arith.index_cast %add3A_107 : i32 to index
        %swap3A_109 = tpu.vector_load %arg5[%swap3A_108] {strides = array<i32>} : memref<32768xf32, #tpu.memory_space<vmem>>, vector<16xf32>,
        tpu.vector_store %arg5[%swap3A_108], %gather3A_105 {strides = array<i32>} : memref<32768xf32, #tpu.memory_space<vmem>>, vector<16xf32>,
        %add3A_110 = arith.constant 36 : i32
        %add3A_111 = arith.addi %mul3A_30, %add3A_110 : i32
        %add3A_112 = vector.broadcast %add3A_111 : i32 to vector<16xi32>
        %add3A_113 = arith.addi %add3A_112, %add3A_12 : vector<16xi32>
        %gather3A_114 = tpu.vector_load_idx %arg4[%add3A_113] : memref<32768xf32, #tpu.memory_space<vmem>>[vector<16xi32>], vector<16xf32>,
        %add3A_115 = arith.constant 144 : i32
        %add3A_116 = arith.addi %mul3A_30, %add3A_115 : i32
        %swap3A_117 = arith.index_cast %add3A_116 : i32 to index
        %swap3A_118 = tpu.vector_load %arg5[%swap3A_117] {strides = array<i32>} : memref<32768xf32, #tpu.memory_space<vmem>>, vector<16xf32>,
        tpu.vector_store %arg5[%swap3A_117], %gather3A_114 {strides = array<i32>} : memref<32768xf32, #tpu.memory_space<vmem>>, vector<16xf32>,
        %add3A_119 = arith.constant 40 : i32
        %add3A_120 = arith.addi %mul3A_30, %add3A_119 : i32
        %add3A_121 = vector.broadcast %add3A_120 : i32 to vector<16xi32>
        %add3A_122 = arith.addi %add3A_121, %add3A_12 : vector<16xi32>
        %gather3A_123 = tpu.vector_load_idx %arg4[%add3A_122] : memref<32768xf32, #tpu.memory_space<vmem>>[vector<16xi32>], vector<16xf32>,
        %add3A_124 = arith.constant 160 : i32
        %add3A_125 = arith.addi %mul3A_30, %add3A_124 : i32
        %swap3A_126 = arith.index_cast %add3A_125 : i32 to index
        %swap3A_127 = tpu.vector_load %arg5[%swap3A_126] {strides = array<i32>} : memref<32768xf32, #tpu.memory_space<vmem>>, vector<16xf32>,
        tpu.vector_store %arg5[%swap3A_126], %gather3A_123 {strides = array<i32>} : memref<32768xf32, #tpu.memory_space<vmem>>, vector<16xf32>,
        %add3A_128 = arith.constant 44 : i32
        %add3A_129 = arith.addi %mul3A_30, %add3A_128 : i32
        %add3A_130 = vector.broadcast %add3A_129 : i32 to vector<16xi32>
        %add3A_131 = arith.addi %add3A_130, %add3A_12 : vector<16xi32>
        %gather3A_132 = tpu.vector_load_idx %arg4[%add3A_131] : memref<32768xf32, #tpu.memory_space<vmem>>[vector<16xi32>], vector<16xf32>,
        %add3A_133 = arith.constant 176 : i32
        %add3A_134 = arith.addi %mul3A_30, %add3A_133 : i32
        %swap3A_135 = arith.index_cast %add3A_134 : i32 to index
        %swap3A_136 = tpu.vector_load %arg5[%swap3A_135] {strides = array<i32>} : memref<32768xf32, #tpu.memory_space<vmem>>, vector<16xf32>,
        tpu.vector_store %arg5[%swap3A_135], %gather3A_132 {strides = array<i32>} : memref<32768xf32, #tpu.memory_space<vmem>>, vector<16xf32>,
        %add3A_137 = arith.constant 48 : i32
        %add3A_138 = arith.addi %mul3A_30, %add3A_137 : i32
        %add3A_139 = vector.broadcast %add3A_138 : i32 to vector<16xi32>
        %add3A_140 = arith.addi %add3A_139, %add3A_12 : vector<16xi32>
        %gather3A_141 = tpu.vector_load_idx %arg4[%add3A_140] : memref<32768xf32, #tpu.memory_space<vmem>>[vector<16xi32>], vector<16xf32>,
        %add3A_142 = arith.constant 192 : i32
        %add3A_143 = arith.addi %mul3A_30, %add3A_142 : i32
        %swap3A_144 = arith.index_cast %add3A_143 : i32 to index
        %swap3A_145 = tpu.vector_load %arg5[%swap3A_144] {strides = array<i32>} : memref<32768xf32, #tpu.memory_space<vmem>>, vector<16xf32>,
        tpu.vector_store %arg5[%swap3A_144], %gather3A_141 {strides = array<i32>} : memref<32768xf32, #tpu.memory_space<vmem>>, vector<16xf32>,
        %add3A_146 = arith.constant 52 : i32
        %add3A_147 = arith.addi %mul3A_30, %add3A_146 : i32
        %add3A_148 = vector.broadcast %add3A_147 : i32 to vector<16xi32>
        %add3A_149 = arith.addi %add3A_148, %add3A_12 : vector<16xi32>
        %gather3A_150 = tpu.vector_load_idx %arg4[%add3A_149] : memref<32768xf32, #tpu.memory_space<vmem>>[vector<16xi32>], vector<16xf32>,
        %add3A_151 = arith.constant 208 : i32
        %add3A_152 = arith.addi %mul3A_30, %add3A_151 : i32
        %swap3A_153 = arith.index_cast %add3A_152 : i32 to index
        %swap3A_154 = tpu.vector_load %arg5[%swap3A_153] {strides = array<i32>} : memref<32768xf32, #tpu.memory_space<vmem>>, vector<16xf32>,
        tpu.vector_store %arg5[%swap3A_153], %gather3A_150 {strides = array<i32>} : memref<32768xf32, #tpu.memory_space<vmem>>, vector<16xf32>,
        %add3A_155 = arith.constant 56 : i32
        %add3A_156 = arith.addi %mul3A_30, %add3A_155 : i32
        %add3A_157 = vector.broadcast %add3A_156 : i32 to vector<16xi32>
        %add3A_158 = arith.addi %add3A_157, %add3A_12 : vector<16xi32>
        %gather3A_159 = tpu.vector_load_idx %arg4[%add3A_158] : memref<32768xf32, #tpu.memory_space<vmem>>[vector<16xi32>], vector<16xf32>,
        %add3A_160 = arith.constant 224 : i32
        %add3A_161 = arith.addi %mul3A_30, %add3A_160 : i32
        %swap3A_162 = arith.index_cast %add3A_161 : i32 to index
        %swap3A_163 = tpu.vector_load %arg5[%swap3A_162] {strides = array<i32>} : memref<32768xf32, #tpu.memory_space<vmem>>, vector<16xf32>,
        tpu.vector_store %arg5[%swap3A_162], %gather3A_159 {strides = array<i32>} : memref<32768xf32, #tpu.memory_space<vmem>>, vector<16xf32>,
        %add3A_164 = arith.constant 60 : i32
        %add3A_165 = arith.addi %mul3A_30, %add3A_164 : i32
        %add3A_166 = vector.broadcast %add3A_165 : i32 to vector<16xi32>
        %add3A_167 = arith.addi %add3A_166, %add3A_12 : vector<16xi32>
        %gather3A_168 = tpu.vector_load_idx %arg4[%add3A_167] : memref<32768xf32, #tpu.memory_space<vmem>>[vector<16xi32>], vector<16xf32>,
        %add3A_169 = arith.constant 240 : i32
        %add3A_170 = arith.addi %mul3A_30, %add3A_169 : i32
        %swap3A_171 = arith.index_cast %add3A_170 : i32 to index
        %swap3A_172 = tpu.vector_load %arg5[%swap3A_171] {strides = array<i32>} : memref<32768xf32, #tpu.memory_space<vmem>>, vector<16xf32>,
        tpu.vector_store %arg5[%swap3A_171], %gather3A_168 {strides = array<i32>} : memref<32768xf32, #tpu.memory_space<vmem>>, vector<16xf32>,
        %add3A_173 = arith.constant 64 : i32
        %add3A_174 = arith.addi %mul3A_30, %add3A_173 : i32
        %add3A_175 = vector.broadcast %add3A_174 : i32 to vector<16xi32>
        %add3A_176 = arith.addi %add3A_175, %add3A_12 : vector<16xi32>
        %gather3A_177 = tpu.vector_load_idx %arg4[%add3A_176] : memref<32768xf32, #tpu.memory_space<vmem>>[vector<16xi32>], vector<16xf32>,
        %add3A_178 = arith.constant 256 : i32
        %add3A_179 = arith.addi %mul3A_30, %add3A_178 : i32
        %swap3A_180 = arith.index_cast %add3A_179 : i32 to index
        %swap3A_181 = tpu.vector_load %arg5[%swap3A_180] {strides = array<i32>} : memref<32768xf32, #tpu.memory_space<vmem>>, vector<16xf32>,
        tpu.vector_store %arg5[%swap3A_180], %gather3A_177 {strides = array<i32>} : memref<32768xf32, #tpu.memory_space<vmem>>, vector<16xf32>,
        %add3A_182 = arith.constant 68 : i32
        %add3A_183 = arith.addi %mul3A_30, %add3A_182 : i32
        %add3A_184 = vector.broadcast %add3A_183 : i32 to vector<16xi32>
        %add3A_185 = arith.addi %add3A_184, %add3A_12 : vector<16xi32>
        %gather3A_186 = tpu.vector_load_idx %arg4[%add3A_185] : memref<32768xf32, #tpu.memory_space<vmem>>[vector<16xi32>], vector<16xf32>,
        %add3A_187 = arith.constant 272 : i32
        %add3A_188 = arith.addi %mul3A_30, %add3A_187 : i32
        %swap3A_189 = arith.index_cast %add3A_188 : i32 to index
        %swap3A_190 = tpu.vector_load %arg5[%swap3A_189] {strides = array<i32>} : memref<32768xf32, #tpu.memory_space<vmem>>, vector<16xf32>,
        tpu.vector_store %arg5[%swap3A_189], %gather3A_186 {strides = array<i32>} : memref<32768xf32, #tpu.memory_space<vmem>>, vector<16xf32>,
        %add3A_191 = arith.constant 72 : i32
        %add3A_192 = arith.addi %mul3A_30, %add3A_191 : i32
        %add3A_193 = vector.broadcast %add3A_192 : i32 to vector<16xi32>
        %add3A_194 = arith.addi %add3A_193, %add3A_12 : vector<16xi32>
        %gather3A_195 = tpu.vector_load_idx %arg4[%add3A_194] : memref<32768xf32, #tpu.memory_space<vmem>>[vector<16xi32>], vector<16xf32>,
        %add3A_196 = arith.constant 288 : i32
        %add3A_197 = arith.addi %mul3A_30, %add3A_196 : i32
        %swap3A_198 = arith.index_cast %add3A_197 : i32 to index
        %swap3A_199 = tpu.vector_load %arg5[%swap3A_198] {strides = array<i32>} : memref<32768xf32, #tpu.memory_space<vmem>>, vector<16xf32>,
        tpu.vector_store %arg5[%swap3A_198], %gather3A_195 {strides = array<i32>} : memref<32768xf32, #tpu.memory_space<vmem>>, vector<16xf32>,
        %add3A_200 = arith.constant 76 : i32
        %add3A_201 = arith.addi %mul3A_30, %add3A_200 : i32
        %add3A_202 = vector.broadcast %add3A_201 : i32 to vector<16xi32>
        %add3A_203 = arith.addi %add3A_202, %add3A_12 : vector<16xi32>
        %gather3A_204 = tpu.vector_load_idx %arg4[%add3A_203] : memref<32768xf32, #tpu.memory_space<vmem>>[vector<16xi32>], vector<16xf32>,
        %add3A_205 = arith.constant 304 : i32
        %add3A_206 = arith.addi %mul3A_30, %add3A_205 : i32
        %swap3A_207 = arith.index_cast %add3A_206 : i32 to index
        %swap3A_208 = tpu.vector_load %arg5[%swap3A_207] {strides = array<i32>} : memref<32768xf32, #tpu.memory_space<vmem>>, vector<16xf32>,
        tpu.vector_store %arg5[%swap3A_207], %gather3A_204 {strides = array<i32>} : memref<32768xf32, #tpu.memory_space<vmem>>, vector<16xf32>,
        %add3A_209 = arith.constant 80 : i32
        %add3A_210 = arith.addi %mul3A_30, %add3A_209 : i32
        %add3A_211 = vector.broadcast %add3A_210 : i32 to vector<16xi32>
        %add3A_212 = arith.addi %add3A_211, %add3A_12 : vector<16xi32>
        %gather3A_213 = tpu.vector_load_idx %arg4[%add3A_212] : memref<32768xf32, #tpu.memory_space<vmem>>[vector<16xi32>], vector<16xf32>,
        %add3A_214 = arith.constant 320 : i32
        %add3A_215 = arith.addi %mul3A_30, %add3A_214 : i32
        %swap3A_216 = arith.index_cast %add3A_215 : i32 to index
        %swap3A_217 = tpu.vector_load %arg5[%swap3A_216] {strides = array<i32>} : memref<32768xf32, #tpu.memory_space<vmem>>, vector<16xf32>,
        tpu.vector_store %arg5[%swap3A_216], %gather3A_213 {strides = array<i32>} : memref<32768xf32, #tpu.memory_space<vmem>>, vector<16xf32>,
        %add3A_218 = arith.constant 84 : i32
        %add3A_219 = arith.addi %mul3A_30, %add3A_218 : i32
        %add3A_220 = vector.broadcast %add3A_219 : i32 to vector<16xi32>
        %add3A_221 = arith.addi %add3A_220, %add3A_12 : vector<16xi32>
        %gather3A_222 = tpu.vector_load_idx %arg4[%add3A_221] : memref<32768xf32, #tpu.memory_space<vmem>>[vector<16xi32>], vector<16xf32>,
        %add3A_223 = arith.constant 336 : i32
        %add3A_224 = arith.addi %mul3A_30, %add3A_223 : i32
        %swap3A_225 = arith.index_cast %add3A_224 : i32 to index
        %swap3A_226 = tpu.vector_load %arg5[%swap3A_225] {strides = array<i32>} : memref<32768xf32, #tpu.memory_space<vmem>>, vector<16xf32>,
        tpu.vector_store %arg5[%swap3A_225], %gather3A_222 {strides = array<i32>} : memref<32768xf32, #tpu.memory_space<vmem>>, vector<16xf32>,
        %add3A_227 = arith.constant 88 : i32
        %add3A_228 = arith.addi %mul3A_30, %add3A_227 : i32
        %add3A_229 = vector.broadcast %add3A_228 : i32 to vector<16xi32>
        %add3A_230 = arith.addi %add3A_229, %add3A_12 : vector<16xi32>
        %gather3A_231 = tpu.vector_load_idx %arg4[%add3A_230] : memref<32768xf32, #tpu.memory_space<vmem>>[vector<16xi32>], vector<16xf32>,
        %add3A_232 = arith.constant 352 : i32
        %add3A_233 = arith.addi %mul3A_30, %add3A_232 : i32
        %swap3A_234 = arith.index_cast %add3A_233 : i32 to index
        %swap3A_235 = tpu.vector_load %arg5[%swap3A_234] {strides = array<i32>} : memref<32768xf32, #tpu.memory_space<vmem>>, vector<16xf32>,
        tpu.vector_store %arg5[%swap3A_234], %gather3A_231 {strides = array<i32>} : memref<32768xf32, #tpu.memory_space<vmem>>, vector<16xf32>,
        %add3A_236 = arith.constant 92 : i32
        %add3A_237 = arith.addi %mul3A_30, %add3A_236 : i32
        %add3A_238 = vector.broadcast %add3A_237 : i32 to vector<16xi32>
        %add3A_239 = arith.addi %add3A_238, %add3A_12 : vector<16xi32>
        %gather3A_240 = tpu.vector_load_idx %arg4[%add3A_239] : memref<32768xf32, #tpu.memory_space<vmem>>[vector<16xi32>], vector<16xf32>,
        %add3A_241 = arith.constant 368 : i32
        %add3A_242 = arith.addi %mul3A_30, %add3A_241 : i32
        %swap3A_243 = arith.index_cast %add3A_242 : i32 to index
        %swap3A_244 = tpu.vector_load %arg5[%swap3A_243] {strides = array<i32>} : memref<32768xf32, #tpu.memory_space<vmem>>, vector<16xf32>,
        tpu.vector_store %arg5[%swap3A_243], %gather3A_240 {strides = array<i32>} : memref<32768xf32, #tpu.memory_space<vmem>>, vector<16xf32>,
        %add3A_245 = arith.constant 96 : i32
        %add3A_246 = arith.addi %mul3A_30, %add3A_245 : i32
        %add3A_247 = vector.broadcast %add3A_246 : i32 to vector<16xi32>
        %add3A_248 = arith.addi %add3A_247, %add3A_12 : vector<16xi32>
        %gather3A_249 = tpu.vector_load_idx %arg4[%add3A_248] : memref<32768xf32, #tpu.memory_space<vmem>>[vector<16xi32>], vector<16xf32>,
        %add3A_250 = arith.constant 384 : i32
        %add3A_251 = arith.addi %mul3A_30, %add3A_250 : i32
        %swap3A_252 = arith.index_cast %add3A_251 : i32 to index
        %swap3A_253 = tpu.vector_load %arg5[%swap3A_252] {strides = array<i32>} : memref<32768xf32, #tpu.memory_space<vmem>>, vector<16xf32>,
        tpu.vector_store %arg5[%swap3A_252], %gather3A_249 {strides = array<i32>} : memref<32768xf32, #tpu.memory_space<vmem>>, vector<16xf32>,
        %add3A_254 = arith.constant 100 : i32
        %add3A_255 = arith.addi %mul3A_30, %add3A_254 : i32
        %add3A_256 = vector.broadcast %add3A_255 : i32 to vector<16xi32>
        %add3A_257 = arith.addi %add3A_256, %add3A_12 : vector<16xi32>
        %gather3A_258 = tpu.vector_load_idx %arg4[%add3A_257] : memref<32768xf32, #tpu.memory_space<vmem>>[vector<16xi32>], vector<16xf32>,
        %add3A_259 = arith.constant 400 : i32
        %add3A_260 = arith.addi %mul3A_30, %add3A_259 : i32
        %swap3A_261 = arith.index_cast %add3A_260 : i32 to index
        %swap3A_262 = tpu.vector_load %arg5[%swap3A_261] {strides = array<i32>} : memref<32768xf32, #tpu.memory_space<vmem>>, vector<16xf32>,
        tpu.vector_store %arg5[%swap3A_261], %gather3A_258 {strides = array<i32>} : memref<32768xf32, #tpu.memory_space<vmem>>, vector<16xf32>,
        %add3A_263 = arith.constant 104 : i32
        %add3A_264 = arith.addi %mul3A_30, %add3A_263 : i32
        %add3A_265 = vector.broadcast %add3A_264 : i32 to vector<16xi32>
        %add3A_266 = arith.addi %add3A_265, %add3A_12 : vector<16xi32>
        %gather3A_267 = tpu.vector_load_idx %arg4[%add3A_266] : memref<32768xf32, #tpu.memory_space<vmem>>[vector<16xi32>], vector<16xf32>,
        %add3A_268 = arith.constant 416 : i32
        %add3A_269 = arith.addi %mul3A_30, %add3A_268 : i32
        %swap3A_270 = arith.index_cast %add3A_269 : i32 to index
        %swap3A_271 = tpu.vector_load %arg5[%swap3A_270] {strides = array<i32>} : memref<32768xf32, #tpu.memory_space<vmem>>, vector<16xf32>,
        tpu.vector_store %arg5[%swap3A_270], %gather3A_267 {strides = array<i32>} : memref<32768xf32, #tpu.memory_space<vmem>>, vector<16xf32>,
        %add3A_272 = arith.constant 108 : i32
        %add3A_273 = arith.addi %mul3A_30, %add3A_272 : i32
        %add3A_274 = vector.broadcast %add3A_273 : i32 to vector<16xi32>
        %add3A_275 = arith.addi %add3A_274, %add3A_12 : vector<16xi32>
        %gather3A_276 = tpu.vector_load_idx %arg4[%add3A_275] : memref<32768xf32, #tpu.memory_space<vmem>>[vector<16xi32>], vector<16xf32>,
        %add3A_277 = arith.constant 432 : i32
        %add3A_278 = arith.addi %mul3A_30, %add3A_277 : i32
        %swap3A_279 = arith.index_cast %add3A_278 : i32 to index
        %swap3A_280 = tpu.vector_load %arg5[%swap3A_279] {strides = array<i32>} : memref<32768xf32, #tpu.memory_space<vmem>>, vector<16xf32>,
        tpu.vector_store %arg5[%swap3A_279], %gather3A_276 {strides = array<i32>} : memref<32768xf32, #tpu.memory_space<vmem>>, vector<16xf32>,
        %add3A_281 = arith.constant 112 : i32
        %add3A_282 = arith.addi %mul3A_30, %add3A_281 : i32
        %add3A_283 = vector.broadcast %add3A_282 : i32 to vector<16xi32>
        %add3A_284 = arith.addi %add3A_283, %add3A_12 : vector<16xi32>
        %gather3A_285 = tpu.vector_load_idx %arg4[%add3A_284] : memref<32768xf32, #tpu.memory_space<vmem>>[vector<16xi32>], vector<16xf32>,
        %add3A_286 = arith.constant 448 : i32
        %add3A_287 = arith.addi %mul3A_30, %add3A_286 : i32
        %swap3A_288 = arith.index_cast %add3A_287 : i32 to index
        %swap3A_289 = tpu.vector_load %arg5[%swap3A_288] {strides = array<i32>} : memref<32768xf32, #tpu.memory_space<vmem>>, vector<16xf32>,
        tpu.vector_store %arg5[%swap3A_288], %gather3A_285 {strides = array<i32>} : memref<32768xf32, #tpu.memory_space<vmem>>, vector<16xf32>,
        %add3A_290 = arith.constant 116 : i32
        %add3A_291 = arith.addi %mul3A_30, %add3A_290 : i32
        %add3A_292 = vector.broadcast %add3A_291 : i32 to vector<16xi32>
        %add3A_293 = arith.addi %add3A_292, %add3A_12 : vector<16xi32>
        %gather3A_294 = tpu.vector_load_idx %arg4[%add3A_293] : memref<32768xf32, #tpu.memory_space<vmem>>[vector<16xi32>], vector<16xf32>,
        %add3A_295 = arith.constant 464 : i32
        %add3A_296 = arith.addi %mul3A_30, %add3A_295 : i32
        %swap3A_297 = arith.index_cast %add3A_296 : i32 to index
        %swap3A_298 = tpu.vector_load %arg5[%swap3A_297] {strides = array<i32>} : memref<32768xf32, #tpu.memory_space<vmem>>, vector<16xf32>,
        tpu.vector_store %arg5[%swap3A_297], %gather3A_294 {strides = array<i32>} : memref<32768xf32, #tpu.memory_space<vmem>>, vector<16xf32>,
        %add3A_299 = arith.constant 120 : i32
        %add3A_300 = arith.addi %mul3A_30, %add3A_299 : i32
        %add3A_301 = vector.broadcast %add3A_300 : i32 to vector<16xi32>
        %add3A_302 = arith.addi %add3A_301, %add3A_12 : vector<16xi32>
        %gather3A_303 = tpu.vector_load_idx %arg4[%add3A_302] : memref<32768xf32, #tpu.memory_space<vmem>>[vector<16xi32>], vector<16xf32>,
        %add3A_304 = arith.constant 480 : i32
        %add3A_305 = arith.addi %mul3A_30, %add3A_304 : i32
        %swap3A_306 = arith.index_cast %add3A_305 : i32 to index
        %swap3A_307 = tpu.vector_load %arg5[%swap3A_306] {strides = array<i32>} : memref<32768xf32, #tpu.memory_space<vmem>>, vector<16xf32>,
        tpu.vector_store %arg5[%swap3A_306], %gather3A_303 {strides = array<i32>} : memref<32768xf32, #tpu.memory_space<vmem>>, vector<16xf32>,
        %add3A_308 = arith.constant 124 : i32
        %add3A_309 = arith.addi %mul3A_30, %add3A_308 : i32
        %add3A_310 = vector.broadcast %add3A_309 : i32 to vector<16xi32>
        %add3A_311 = arith.addi %add3A_310, %add3A_12 : vector<16xi32>
        %gather3A_312 = tpu.vector_load_idx %arg4[%add3A_311] : memref<32768xf32, #tpu.memory_space<vmem>>[vector<16xi32>], vector<16xf32>,
        %add3A_313 = arith.constant 496 : i32
        %add3A_314 = arith.addi %mul3A_30, %add3A_313 : i32
        %swap3A_315 = arith.index_cast %add3A_314 : i32 to index
        %swap3A_316 = tpu.vector_load %arg5[%swap3A_315] {strides = array<i32>} : memref<32768xf32, #tpu.memory_space<vmem>>, vector<16xf32>,
        tpu.vector_store %arg5[%swap3A_315], %gather3A_312 {strides = array<i32>} : memref<32768xf32, #tpu.memory_space<vmem>>, vector<16xf32>,
      }
      %scan3A_27 = arith.constant 64 : i32
      "tpu.region"() ({
        %run_scoped3A = tpu.sem_alloc : memref<!tpu.dma_semaphore, #tpu.memory_space<semaphore_mem>>
        %dma_start3A = tpu.memref_slice %arg3[%add3A_21] : memref<67108864xf32, #tpu.memory_space<hbm>> -> memref<32768xf32, #tpu.memory_space<hbm>>
        %dma_start3A_28 = tpu.memref_slice %arg3[%add3A_21] : memref<67108864xf32, #tpu.memory_space<hbm>> -> memref<32768xf32, #tpu.memory_space<hbm>>
        tpu.enqueue_dma source(%arg5 : memref<32768xf32, #tpu.memory_space<vmem>>) target(%dma_start3A_28 : memref<32768xf32, #tpu.memory_space<hbm>>) target_semaphore(%run_scoped3A : memref<!tpu.dma_semaphore, #tpu.memory_space<semaphore_mem>>)
        %dma_wait3A = tpu.memref_slice %arg3[%add3A_21] : memref<67108864xf32, #tpu.memory_space<hbm>> -> memref<32768xf32, #tpu.memory_space<hbm>>
        %dma_wait3A_29 = tpu.memref_slice %arg3[%add3A_21] : memref<67108864xf32, #tpu.memory_space<hbm>> -> memref<32768xf32, #tpu.memory_space<hbm>>
        tpu.wait_dma2 semaphore(%run_scoped3A : memref<!tpu.dma_semaphore, #tpu.memory_space<semaphore_mem>>) src(%arg5 : memref<32768xf32, #tpu.memory_space<vmem>>) dst(%dma_wait3A_29 : memref<32768xf32, #tpu.memory_space<hbm>>)
        tpu.yield
      }) : () -> ()
    }
    %scan3A_17 = arith.constant 64 : i32
    return
  }
}

#map = affine_map<(d0, d1) -> (0)>
#map1 = affine_map<(d0, d1) -> (0, 0)>
module attributes {stable_mosaic.version = 14 : i64} {
  func.func @_tile_body(%arg0: i32, %arg1: i32, %arg2: memref<8388608xf32, #tpu.memory_space<hbm>>, %arg3: memref<8388608x8xf32, #tpu.memory_space<hbm>>, %arg4: memref<8388608xf32, #tpu.memory_space<hbm>>, %arg5: memref<2048xf32, #tpu.memory_space<vmem>>, %arg6: memref<8x512xi32, #tpu.memory_space<vmem>>, %arg7: memref<3x512xf32, #tpu.memory_space<vmem>>, %arg8: memref<512xi32, #tpu.memory_space<vmem>>, %arg9: memref<8x512x8xf32, #tpu.memory_space<vmem>>, %arg10: memref<2048xf32, #tpu.memory_space<vmem>>, %arg11: memref<!tpu.dma_semaphore, #tpu.memory_space<semaphore_mem>>) attributes {dimension_semantics = [#tpu.dimension_semantics<core_parallel>, #tpu.dimension_semantics<subcore_parallel>], iteration_bounds = array<i64: 2, 16>, scalar_prefetch = 0 : i64, scratch_operands = 7 : i64, tpu.core_type = #tpu.core_type<sc_vector_subcore>, window_params = [{transform_indices = #map}, {transform_indices = #map1}, {transform_indices = #map}]} {
    %mul3A = arith.constant 2 : i32
    %mul3A_0 = arith.muli %arg1, %mul3A : i32
    %add3A = arith.addi %mul3A_0, %arg0 : i32
    %mul3A_1 = arith.constant 65536 : i32
    %mul3A_2 = arith.muli %add3A, %mul3A_1 : i32
    %iota3A = tpu.iota {dimensions = array<i32: 0>} : vector<16xi32>
    %broadcast_in_dim3A = arith.constant 0 : i32
    %broadcast_in_dim3A_3 = vector.broadcast %broadcast_in_dim3A : i32 to vector<16xi32>
    %scan3A = arith.constant 0 : i32
    %scan3A_4 = arith.constant 0 : i32
    %scan3A_5 = arith.constant 128 : i32
    %scan3A_6 = arith.addi %scan3A_4, %scan3A_5 : i32
    %scan3A_7 = arith.constant 1 : i32
    scf.for %scan3A_9 = %scan3A_4 to %scan3A_6 step %scan3A_7  : i32 {
      %mul3A_10 = arith.constant 512 : i32
      %mul3A_11 = arith.muli %scan3A_9, %mul3A_10 : i32
      %add3A_12 = arith.addi %mul3A_2, %mul3A_11 : i32
      %mul3A_13 = arith.constant 4 : i32
      %mul3A_14 = arith.muli %add3A_12, %mul3A_13 : i32
      "tpu.region"() ({
        %run_scoped3A = tpu.sem_alloc : memref<!tpu.dma_semaphore, #tpu.memory_space<semaphore_mem>>
        %dma_start3A_795 = tpu.memref_slice %arg2[%mul3A_14] : memref<8388608xf32, #tpu.memory_space<hbm>> -> memref<2048xf32, #tpu.memory_space<hbm>>
        %dma_start3A_796 = tpu.memref_slice %arg2[%mul3A_14] : memref<8388608xf32, #tpu.memory_space<hbm>> -> memref<2048xf32, #tpu.memory_space<hbm>>
        tpu.enqueue_dma source(%dma_start3A_796 : memref<2048xf32, #tpu.memory_space<hbm>>) target(%arg5 : memref<2048xf32, #tpu.memory_space<vmem>>) target_semaphore(%run_scoped3A : memref<!tpu.dma_semaphore, #tpu.memory_space<semaphore_mem>>)
        %dma_wait3A_797 = tpu.memref_slice %arg2[%mul3A_14] : memref<8388608xf32, #tpu.memory_space<hbm>> -> memref<2048xf32, #tpu.memory_space<hbm>>
        %dma_wait3A_798 = tpu.memref_slice %arg2[%mul3A_14] : memref<8388608xf32, #tpu.memory_space<hbm>> -> memref<2048xf32, #tpu.memory_space<hbm>>
        tpu.wait_dma2 semaphore(%run_scoped3A : memref<!tpu.dma_semaphore, #tpu.memory_space<semaphore_mem>>) src(%dma_wait3A_798 : memref<2048xf32, #tpu.memory_space<hbm>>) dst(%arg5 : memref<2048xf32, #tpu.memory_space<vmem>>)
        tpu.yield
      }) : () -> ()
      %scan3A_15 = arith.constant 0 : i32
      %scan3A_16 = arith.constant 0 : i32
      %scan3A_17 = arith.constant 32 : i32
      %scan3A_18 = arith.addi %scan3A_16, %scan3A_17 : i32
      %scan3A_19 = arith.constant 1 : i32
      scf.for %scan3A_795 = %scan3A_16 to %scan3A_18 step %scan3A_19  : i32 {
        %mul3A_796 = arith.constant 16 : i32
        %mul3A_797 = arith.muli %scan3A_795, %mul3A_796 : i32
        %shift_right_arithmetic3A = arith.constant 7 : i32
        %shift_right_arithmetic3A_798 = arith.shrsi %mul3A_797, %shift_right_arithmetic3A : i32
        %mul3A_799 = arith.constant 512 : i32
        %mul3A_800 = arith.muli %shift_right_arithmetic3A_798, %mul3A_799 : i32
        %and3A = arith.constant 127 : i32
        %and3A_801 = arith.andi %mul3A_797, %and3A : i32
        %add3A_802 = arith.addi %mul3A_800, %and3A_801 : i32
        %get3A = arith.index_cast %add3A_802 : i32 to index
        %get3A_803 = tpu.vector_load %arg5[%get3A] {strides = array<i32>} : memref<2048xf32, #tpu.memory_space<vmem>>, vector<16xf32>,
        %add3A_804 = arith.constant 128 : i32
        %add3A_805 = arith.addi %add3A_802, %add3A_804 : i32
        %get3A_806 = arith.index_cast %add3A_805 : i32 to index
        %get3A_807 = tpu.vector_load %arg5[%get3A_806] {strides = array<i32>} : memref<2048xf32, #tpu.memory_space<vmem>>, vector<16xf32>,
        %add3A_808 = arith.constant 256 : i32
        %add3A_809 = arith.addi %add3A_802, %add3A_808 : i32
        %get3A_810 = arith.index_cast %add3A_809 : i32 to index
        %get3A_811 = tpu.vector_load %arg5[%get3A_810] {strides = array<i32>} : memref<2048xf32, #tpu.memory_space<vmem>>, vector<16xf32>,
        %mul3A_812 = arith.constant 1.275000e+02 : f32
        %mul3A_813 = vector.broadcast %mul3A_812 : f32 to vector<16xf32>
        %mul3A_814 = arith.mulf %get3A_803, %mul3A_813 : vector<16xf32>
        %add3A_815 = arith.constant 1.275000e+02 : f32
        %add3A_816 = vector.broadcast %add3A_815 : f32 to vector<16xf32>
        %add3A_817 = arith.addf %mul3A_814, %add3A_816 : vector<16xf32>
        %mul3A_818 = arith.constant 1.275000e+02 : f32
        %mul3A_819 = vector.broadcast %mul3A_818 : f32 to vector<16xf32>
        %mul3A_820 = arith.mulf %get3A_807, %mul3A_819 : vector<16xf32>
        %add3A_821 = arith.constant 1.275000e+02 : f32
        %add3A_822 = vector.broadcast %add3A_821 : f32 to vector<16xf32>
        %add3A_823 = arith.addf %mul3A_820, %add3A_822 : vector<16xf32>
        %mul3A_824 = arith.constant 1.275000e+02 : f32
        %mul3A_825 = vector.broadcast %mul3A_824 : f32 to vector<16xf32>
        %mul3A_826 = arith.mulf %get3A_811, %mul3A_825 : vector<16xf32>
        %add3A_827 = arith.constant 1.275000e+02 : f32
        %add3A_828 = vector.broadcast %add3A_827 : f32 to vector<16xf32>
        %add3A_829 = arith.addf %mul3A_826, %add3A_828 : vector<16xf32>
        %convert_element_type3A = arith.fptosi %add3A_817 : vector<16xf32> to vector<16xi32>
        %convert_element_type3A_830 = arith.fptosi %add3A_823 : vector<16xf32> to vector<16xi32>
        %convert_element_type3A_831 = arith.fptosi %add3A_829 : vector<16xf32> to vector<16xi32>
        %convert_element_type3A_832 = arith.sitofp %convert_element_type3A : vector<16xi32> to vector<16xf32>
        %sub3A = arith.subf %add3A_817, %convert_element_type3A_832 : vector<16xf32>
        %convert_element_type3A_833 = arith.sitofp %convert_element_type3A_830 : vector<16xi32> to vector<16xf32>
        %sub3A_834 = arith.subf %add3A_823, %convert_element_type3A_833 : vector<16xf32>
        %convert_element_type3A_835 = arith.sitofp %convert_element_type3A_831 : vector<16xi32> to vector<16xf32>
        %sub3A_836 = arith.subf %add3A_829, %convert_element_type3A_835 : vector<16xf32>
        %max3A = arith.constant 0 : i32
        %max3A_837 = vector.broadcast %max3A : i32 to vector<16xi32>
        %max3A_838 = arith.maxsi %convert_element_type3A, %max3A_837 : vector<16xi32>
        %min3A = arith.constant 254 : i32
        %min3A_839 = vector.broadcast %min3A : i32 to vector<16xi32>
        %min3A_840 = arith.minsi %max3A_838, %min3A_839 : vector<16xi32>
        %max3A_841 = arith.constant 0 : i32
        %max3A_842 = vector.broadcast %max3A_841 : i32 to vector<16xi32>
        %max3A_843 = arith.maxsi %convert_element_type3A_830, %max3A_842 : vector<16xi32>
        %min3A_844 = arith.constant 254 : i32
        %min3A_845 = vector.broadcast %min3A_844 : i32 to vector<16xi32>
        %min3A_846 = arith.minsi %max3A_843, %min3A_845 : vector<16xi32>
        %max3A_847 = arith.constant 0 : i32
        %max3A_848 = vector.broadcast %max3A_847 : i32 to vector<16xi32>
        %max3A_849 = arith.maxsi %convert_element_type3A_831, %max3A_848 : vector<16xi32>
        %min3A_850 = arith.constant 254 : i32
        %min3A_851 = vector.broadcast %min3A_850 : i32 to vector<16xi32>
        %min3A_852 = arith.minsi %max3A_849, %min3A_851 : vector<16xi32>
        %shift_left3A = arith.constant 16 : i32
        %shift_left3A_853 = vector.broadcast %shift_left3A : i32 to vector<16xi32>
        %shift_left3A_854 = arith.shli %min3A_840, %shift_left3A_853 : vector<16xi32>
        %shift_left3A_855 = arith.constant 8 : i32
        %shift_left3A_856 = vector.broadcast %shift_left3A_855 : i32 to vector<16xi32>
        %shift_left3A_857 = arith.shli %min3A_846, %shift_left3A_856 : vector<16xi32>
        %or3A = arith.ori %shift_left3A_854, %shift_left3A_857 : vector<16xi32>
        %or3A_858 = arith.ori %or3A, %min3A_852 : vector<16xi32>
        %and3A_859 = arith.constant 1 : i32
        %and3A_860 = vector.broadcast %and3A_859 : i32 to vector<16xi32>
        %and3A_861 = arith.andi %or3A_858, %and3A_860 : vector<16xi32>
        %shift_right_arithmetic3A_862 = arith.constant 1 : i32
        %shift_right_arithmetic3A_863 = vector.broadcast %shift_right_arithmetic3A_862 : i32 to vector<16xi32>
        %shift_right_arithmetic3A_864 = arith.shrsi %or3A_858, %shift_right_arithmetic3A_863 : vector<16xi32>
        %add3A_865 = arith.addi %shift_right_arithmetic3A_864, %and3A_861 : vector<16xi32>
        %add3A_866 = arith.constant 0 : i32
        %add3A_867 = vector.broadcast %add3A_866 : i32 to vector<16xi32>
        %add3A_868 = arith.addi %shift_right_arithmetic3A_864, %add3A_867 : vector<16xi32>
        %swap3A = arith.constant 0 : i32
        %swap3A_869 = arith.index_cast %swap3A : i32 to index
        %swap3A_870 = arith.index_cast %mul3A_797 : i32 to index
        %swap3A_871 = tpu.vector_load %arg6[%swap3A_869, %swap3A_870] {strides = array<i32>} : memref<8x512xi32, #tpu.memory_space<vmem>>, vector<16xi32>,
        tpu.vector_store %arg6[%swap3A_869, %swap3A_870], %add3A_868 {strides = array<i32>} : memref<8x512xi32, #tpu.memory_space<vmem>>, vector<16xi32>,
        %add3A_872 = arith.constant 0 : i32
        %add3A_873 = vector.broadcast %add3A_872 : i32 to vector<16xi32>
        %add3A_874 = arith.addi %add3A_865, %add3A_873 : vector<16xi32>
        %swap3A_875 = arith.constant 1 : i32
        %swap3A_876 = arith.index_cast %swap3A_875 : i32 to index
        %swap3A_877 = arith.index_cast %mul3A_797 : i32 to index
        %swap3A_878 = tpu.vector_load %arg6[%swap3A_876, %swap3A_877] {strides = array<i32>} : memref<8x512xi32, #tpu.memory_space<vmem>>, vector<16xi32>,
        tpu.vector_store %arg6[%swap3A_876, %swap3A_877], %add3A_874 {strides = array<i32>} : memref<8x512xi32, #tpu.memory_space<vmem>>, vector<16xi32>,
        %add3A_879 = arith.constant 128 : i32
        %add3A_880 = vector.broadcast %add3A_879 : i32 to vector<16xi32>
        %add3A_881 = arith.addi %shift_right_arithmetic3A_864, %add3A_880 : vector<16xi32>
        %swap3A_882 = arith.constant 2 : i32
        %swap3A_883 = arith.index_cast %swap3A_882 : i32 to index
        %swap3A_884 = arith.index_cast %mul3A_797 : i32 to index
        %swap3A_885 = tpu.vector_load %arg6[%swap3A_883, %swap3A_884] {strides = array<i32>} : memref<8x512xi32, #tpu.memory_space<vmem>>, vector<16xi32>,
        tpu.vector_store %arg6[%swap3A_883, %swap3A_884], %add3A_881 {strides = array<i32>} : memref<8x512xi32, #tpu.memory_space<vmem>>, vector<16xi32>,
        %add3A_886 = arith.constant 128 : i32
        %add3A_887 = vector.broadcast %add3A_886 : i32 to vector<16xi32>
        %add3A_888 = arith.addi %add3A_865, %add3A_887 : vector<16xi32>
        %swap3A_889 = arith.constant 3 : i32
        %swap3A_890 = arith.index_cast %swap3A_889 : i32 to index
        %swap3A_891 = arith.index_cast %mul3A_797 : i32 to index
        %swap3A_892 = tpu.vector_load %arg6[%swap3A_890, %swap3A_891] {strides = array<i32>} : memref<8x512xi32, #tpu.memory_space<vmem>>, vector<16xi32>,
        tpu.vector_store %arg6[%swap3A_890, %swap3A_891], %add3A_888 {strides = array<i32>} : memref<8x512xi32, #tpu.memory_space<vmem>>, vector<16xi32>,
        %add3A_893 = arith.constant 32768 : i32
        %add3A_894 = vector.broadcast %add3A_893 : i32 to vector<16xi32>
        %add3A_895 = arith.addi %shift_right_arithmetic3A_864, %add3A_894 : vector<16xi32>
        %swap3A_896 = arith.constant 4 : i32
        %swap3A_897 = arith.index_cast %swap3A_896 : i32 to index
        %swap3A_898 = arith.index_cast %mul3A_797 : i32 to index
        %swap3A_899 = tpu.vector_load %arg6[%swap3A_897, %swap3A_898] {strides = array<i32>} : memref<8x512xi32, #tpu.memory_space<vmem>>, vector<16xi32>,
        tpu.vector_store %arg6[%swap3A_897, %swap3A_898], %add3A_895 {strides = array<i32>} : memref<8x512xi32, #tpu.memory_space<vmem>>, vector<16xi32>,
        %add3A_900 = arith.constant 32768 : i32
        %add3A_901 = vector.broadcast %add3A_900 : i32 to vector<16xi32>
        %add3A_902 = arith.addi %add3A_865, %add3A_901 : vector<16xi32>
        %swap3A_903 = arith.constant 5 : i32
        %swap3A_904 = arith.index_cast %swap3A_903 : i32 to index
        %swap3A_905 = arith.index_cast %mul3A_797 : i32 to index
        %swap3A_906 = tpu.vector_load %arg6[%swap3A_904, %swap3A_905] {strides = array<i32>} : memref<8x512xi32, #tpu.memory_space<vmem>>, vector<16xi32>,
        tpu.vector_store %arg6[%swap3A_904, %swap3A_905], %add3A_902 {strides = array<i32>} : memref<8x512xi32, #tpu.memory_space<vmem>>, vector<16xi32>,
        %add3A_907 = arith.constant 32896 : i32
        %add3A_908 = vector.broadcast %add3A_907 : i32 to vector<16xi32>
        %add3A_909 = arith.addi %shift_right_arithmetic3A_864, %add3A_908 : vector<16xi32>
        %swap3A_910 = arith.constant 6 : i32
        %swap3A_911 = arith.index_cast %swap3A_910 : i32 to index
        %swap3A_912 = arith.index_cast %mul3A_797 : i32 to index
        %swap3A_913 = tpu.vector_load %arg6[%swap3A_911, %swap3A_912] {strides = array<i32>} : memref<8x512xi32, #tpu.memory_space<vmem>>, vector<16xi32>,
        tpu.vector_store %arg6[%swap3A_911, %swap3A_912], %add3A_909 {strides = array<i32>} : memref<8x512xi32, #tpu.memory_space<vmem>>, vector<16xi32>,
        %add3A_914 = arith.constant 32896 : i32
        %add3A_915 = vector.broadcast %add3A_914 : i32 to vector<16xi32>
        %add3A_916 = arith.addi %add3A_865, %add3A_915 : vector<16xi32>
        %swap3A_917 = arith.constant 7 : i32
        %swap3A_918 = arith.index_cast %swap3A_917 : i32 to index
        %swap3A_919 = arith.index_cast %mul3A_797 : i32 to index
        %swap3A_920 = tpu.vector_load %arg6[%swap3A_918, %swap3A_919] {strides = array<i32>} : memref<8x512xi32, #tpu.memory_space<vmem>>, vector<16xi32>,
        tpu.vector_store %arg6[%swap3A_918, %swap3A_919], %add3A_916 {strides = array<i32>} : memref<8x512xi32, #tpu.memory_space<vmem>>, vector<16xi32>,
        %swap3A_921 = arith.constant 0 : i32
        %swap3A_922 = arith.index_cast %swap3A_921 : i32 to index
        %swap3A_923 = arith.index_cast %mul3A_797 : i32 to index
        %swap3A_924 = tpu.vector_load %arg7[%swap3A_922, %swap3A_923] {strides = array<i32>} : memref<3x512xf32, #tpu.memory_space<vmem>>, vector<16xf32>,
        tpu.vector_store %arg7[%swap3A_922, %swap3A_923], %sub3A {strides = array<i32>} : memref<3x512xf32, #tpu.memory_space<vmem>>, vector<16xf32>,
        %swap3A_925 = arith.constant 1 : i32
        %swap3A_926 = arith.index_cast %swap3A_925 : i32 to index
        %swap3A_927 = arith.index_cast %mul3A_797 : i32 to index
        %swap3A_928 = tpu.vector_load %arg7[%swap3A_926, %swap3A_927] {strides = array<i32>} : memref<3x512xf32, #tpu.memory_space<vmem>>, vector<16xf32>,
        tpu.vector_store %arg7[%swap3A_926, %swap3A_927], %sub3A_834 {strides = array<i32>} : memref<3x512xf32, #tpu.memory_space<vmem>>, vector<16xf32>,
        %swap3A_929 = arith.constant 2 : i32
        %swap3A_930 = arith.index_cast %swap3A_929 : i32 to index
        %swap3A_931 = arith.index_cast %mul3A_797 : i32 to index
        %swap3A_932 = tpu.vector_load %arg7[%swap3A_930, %swap3A_931] {strides = array<i32>} : memref<3x512xf32, #tpu.memory_space<vmem>>, vector<16xf32>,
        tpu.vector_store %arg7[%swap3A_930, %swap3A_931], %sub3A_836 {strides = array<i32>} : memref<3x512xf32, #tpu.memory_space<vmem>>, vector<16xf32>,
        %shift_left3A_933 = arith.constant 2 : i32
        %shift_left3A_934 = vector.broadcast %shift_left3A_933 : i32 to vector<16xi32>
        %shift_left3A_935 = arith.shli %and3A_861, %shift_left3A_934 : vector<16xi32>
        %swap3A_936 = arith.index_cast %mul3A_797 : i32 to index
        %swap3A_937 = tpu.vector_load %arg8[%swap3A_936] {strides = array<i32>} : memref<512xi32, #tpu.memory_space<vmem>>, vector<16xi32>,
        tpu.vector_store %arg8[%swap3A_936], %shift_left3A_935 {strides = array<i32>} : memref<512xi32, #tpu.memory_space<vmem>>, vector<16xi32>,
      }
      %scan3A_20 = arith.constant 32 : i32
      %dma_start3A = arith.constant 0 : i32
      %dma_start3A_21 = arith.constant 0 : i32
      %dma_start3A_22 = arith.constant 0 : i32
      %dma_start3A_23 = arith.constant 0 : i32
      %dma_start3A_24 = tpu.memref_slice %arg9[%dma_start3A_21, %dma_start3A_22, %dma_start3A_23] : memref<8x512x8xf32, #tpu.memory_space<vmem>> -> memref<1x128x8xf32, #tpu.memory_space<vmem>>
      %dma_start3A_25 = tpu.memref_squeeze %dma_start3A_24 : memref<1x128x8xf32, #tpu.memory_space<vmem>> -> memref<128x8xf32, #tpu.memory_space<vmem>>
      %dma_start3A_26 = arith.constant 0 : i32
      %dma_start3A_27 = tpu.memref_slice %arg6[%dma_start3A, %dma_start3A_26] : memref<8x512xi32, #tpu.memory_space<vmem>> -> memref<1x128xi32, #tpu.memory_space<vmem>>
      %dma_start3A_28 = tpu.memref_squeeze %dma_start3A_27 : memref<1x128xi32, #tpu.memory_space<vmem>> -> memref<128xi32, #tpu.memory_space<vmem>>
      %dma_start3A_29 = arith.constant 0 : i32
      %dma_start3A_30 = arith.constant 0 : i32
      %dma_start3A_31 = tpu.memref_slice %arg3[%dma_start3A_29, %dma_start3A_30] : memref<8388608x8xf32, #tpu.memory_space<hbm>> -> memref<8388608x8xf32, #tpu.memory_space<hbm>>
      tpu.enqueue_indirect_dma source(%dma_start3A_31 : memref<8388608x8xf32, #tpu.memory_space<hbm>>) target(%dma_start3A_25 : memref<128x8xf32, #tpu.memory_space<vmem>>) offsets(%dma_start3A_28 : memref<128xi32, #tpu.memory_space<vmem>>) semaphore(%arg11 : memref<!tpu.dma_semaphore, #tpu.memory_space<semaphore_mem>>)
      %dma_start3A_32 = arith.constant 0 : i32
      %dma_start3A_33 = arith.constant 0 : i32
      %dma_start3A_34 = arith.constant 128 : i32
      %dma_start3A_35 = arith.constant 0 : i32
      %dma_start3A_36 = tpu.memref_slice %arg9[%dma_start3A_33, %dma_start3A_34, %dma_start3A_35] : memref<8x512x8xf32, #tpu.memory_space<vmem>> -> memref<1x128x8xf32, #tpu.memory_space<vmem>>
      %dma_start3A_37 = tpu.memref_squeeze %dma_start3A_36 : memref<1x128x8xf32, #tpu.memory_space<vmem>> -> memref<128x8xf32, #tpu.memory_space<vmem>>
      %dma_start3A_38 = arith.constant 128 : i32
      %dma_start3A_39 = tpu.memref_slice %arg6[%dma_start3A_32, %dma_start3A_38] : memref<8x512xi32, #tpu.memory_space<vmem>> -> memref<1x128xi32, #tpu.memory_space<vmem>>
      %dma_start3A_40 = tpu.memref_squeeze %dma_start3A_39 : memref<1x128xi32, #tpu.memory_space<vmem>> -> memref<128xi32, #tpu.memory_space<vmem>>
      %dma_start3A_41 = arith.constant 0 : i32
      %dma_start3A_42 = arith.constant 0 : i32
      %dma_start3A_43 = tpu.memref_slice %arg3[%dma_start3A_41, %dma_start3A_42] : memref<8388608x8xf32, #tpu.memory_space<hbm>> -> memref<8388608x8xf32, #tpu.memory_space<hbm>>
      tpu.enqueue_indirect_dma source(%dma_start3A_43 : memref<8388608x8xf32, #tpu.memory_space<hbm>>) target(%dma_start3A_37 : memref<128x8xf32, #tpu.memory_space<vmem>>) offsets(%dma_start3A_40 : memref<128xi32, #tpu.memory_space<vmem>>) semaphore(%arg11 : memref<!tpu.dma_semaphore, #tpu.memory_space<semaphore_mem>>)
      %dma_start3A_44 = arith.constant 0 : i32
      %dma_start3A_45 = arith.constant 0 : i32
      %dma_start3A_46 = arith.constant 256 : i32
      %dma_start3A_47 = arith.constant 0 : i32
      %dma_start3A_48 = tpu.memref_slice %arg9[%dma_start3A_45, %dma_start3A_46, %dma_start3A_47] : memref<8x512x8xf32, #tpu.memory_space<vmem>> -> memref<1x128x8xf32, #tpu.memory_space<vmem>>
      %dma_start3A_49 = tpu.memref_squeeze %dma_start3A_48 : memref<1x128x8xf32, #tpu.memory_space<vmem>> -> memref<128x8xf32, #tpu.memory_space<vmem>>
      %dma_start3A_50 = arith.constant 256 : i32
      %dma_start3A_51 = tpu.memref_slice %arg6[%dma_start3A_44, %dma_start3A_50] : memref<8x512xi32, #tpu.memory_space<vmem>> -> memref<1x128xi32, #tpu.memory_space<vmem>>
      %dma_start3A_52 = tpu.memref_squeeze %dma_start3A_51 : memref<1x128xi32, #tpu.memory_space<vmem>> -> memref<128xi32, #tpu.memory_space<vmem>>
      %dma_start3A_53 = arith.constant 0 : i32
      %dma_start3A_54 = arith.constant 0 : i32
      %dma_start3A_55 = tpu.memref_slice %arg3[%dma_start3A_53, %dma_start3A_54] : memref<8388608x8xf32, #tpu.memory_space<hbm>> -> memref<8388608x8xf32, #tpu.memory_space<hbm>>
      tpu.enqueue_indirect_dma source(%dma_start3A_55 : memref<8388608x8xf32, #tpu.memory_space<hbm>>) target(%dma_start3A_49 : memref<128x8xf32, #tpu.memory_space<vmem>>) offsets(%dma_start3A_52 : memref<128xi32, #tpu.memory_space<vmem>>) semaphore(%arg11 : memref<!tpu.dma_semaphore, #tpu.memory_space<semaphore_mem>>)
      %dma_start3A_56 = arith.constant 0 : i32
      %dma_start3A_57 = arith.constant 0 : i32
      %dma_start3A_58 = arith.constant 384 : i32
      %dma_start3A_59 = arith.constant 0 : i32
      %dma_start3A_60 = tpu.memref_slice %arg9[%dma_start3A_57, %dma_start3A_58, %dma_start3A_59] : memref<8x512x8xf32, #tpu.memory_space<vmem>> -> memref<1x128x8xf32, #tpu.memory_space<vmem>>
      %dma_start3A_61 = tpu.memref_squeeze %dma_start3A_60 : memref<1x128x8xf32, #tpu.memory_space<vmem>> -> memref<128x8xf32, #tpu.memory_space<vmem>>
      %dma_start3A_62 = arith.constant 384 : i32
      %dma_start3A_63 = tpu.memref_slice %arg6[%dma_start3A_56, %dma_start3A_62] : memref<8x512xi32, #tpu.memory_space<vmem>> -> memref<1x128xi32, #tpu.memory_space<vmem>>
      %dma_start3A_64 = tpu.memref_squeeze %dma_start3A_63 : memref<1x128xi32, #tpu.memory_space<vmem>> -> memref<128xi32, #tpu.memory_space<vmem>>
      %dma_start3A_65 = arith.constant 0 : i32
      %dma_start3A_66 = arith.constant 0 : i32
      %dma_start3A_67 = tpu.memref_slice %arg3[%dma_start3A_65, %dma_start3A_66] : memref<8388608x8xf32, #tpu.memory_space<hbm>> -> memref<8388608x8xf32, #tpu.memory_space<hbm>>
      tpu.enqueue_indirect_dma source(%dma_start3A_67 : memref<8388608x8xf32, #tpu.memory_space<hbm>>) target(%dma_start3A_61 : memref<128x8xf32, #tpu.memory_space<vmem>>) offsets(%dma_start3A_64 : memref<128xi32, #tpu.memory_space<vmem>>) semaphore(%arg11 : memref<!tpu.dma_semaphore, #tpu.memory_space<semaphore_mem>>)
      %dma_start3A_68 = arith.constant 1 : i32
      %dma_start3A_69 = arith.constant 1 : i32
      %dma_start3A_70 = arith.constant 0 : i32
      %dma_start3A_71 = arith.constant 0 : i32
      %dma_start3A_72 = tpu.memref_slice %arg9[%dma_start3A_69, %dma_start3A_70, %dma_start3A_71] : memref<8x512x8xf32, #tpu.memory_space<vmem>> -> memref<1x128x8xf32, #tpu.memory_space<vmem>>
      %dma_start3A_73 = tpu.memref_squeeze %dma_start3A_72 : memref<1x128x8xf32, #tpu.memory_space<vmem>> -> memref<128x8xf32, #tpu.memory_space<vmem>>
      %dma_start3A_74 = arith.constant 0 : i32
      %dma_start3A_75 = tpu.memref_slice %arg6[%dma_start3A_68, %dma_start3A_74] : memref<8x512xi32, #tpu.memory_space<vmem>> -> memref<1x128xi32, #tpu.memory_space<vmem>>
      %dma_start3A_76 = tpu.memref_squeeze %dma_start3A_75 : memref<1x128xi32, #tpu.memory_space<vmem>> -> memref<128xi32, #tpu.memory_space<vmem>>
      %dma_start3A_77 = arith.constant 0 : i32
      %dma_start3A_78 = arith.constant 0 : i32
      %dma_start3A_79 = tpu.memref_slice %arg3[%dma_start3A_77, %dma_start3A_78] : memref<8388608x8xf32, #tpu.memory_space<hbm>> -> memref<8388608x8xf32, #tpu.memory_space<hbm>>
      tpu.enqueue_indirect_dma source(%dma_start3A_79 : memref<8388608x8xf32, #tpu.memory_space<hbm>>) target(%dma_start3A_73 : memref<128x8xf32, #tpu.memory_space<vmem>>) offsets(%dma_start3A_76 : memref<128xi32, #tpu.memory_space<vmem>>) semaphore(%arg11 : memref<!tpu.dma_semaphore, #tpu.memory_space<semaphore_mem>>)
      %dma_start3A_80 = arith.constant 1 : i32
      %dma_start3A_81 = arith.constant 1 : i32
      %dma_start3A_82 = arith.constant 128 : i32
      %dma_start3A_83 = arith.constant 0 : i32
      %dma_start3A_84 = tpu.memref_slice %arg9[%dma_start3A_81, %dma_start3A_82, %dma_start3A_83] : memref<8x512x8xf32, #tpu.memory_space<vmem>> -> memref<1x128x8xf32, #tpu.memory_space<vmem>>
      %dma_start3A_85 = tpu.memref_squeeze %dma_start3A_84 : memref<1x128x8xf32, #tpu.memory_space<vmem>> -> memref<128x8xf32, #tpu.memory_space<vmem>>
      %dma_start3A_86 = arith.constant 128 : i32
      %dma_start3A_87 = tpu.memref_slice %arg6[%dma_start3A_80, %dma_start3A_86] : memref<8x512xi32, #tpu.memory_space<vmem>> -> memref<1x128xi32, #tpu.memory_space<vmem>>
      %dma_start3A_88 = tpu.memref_squeeze %dma_start3A_87 : memref<1x128xi32, #tpu.memory_space<vmem>> -> memref<128xi32, #tpu.memory_space<vmem>>
      %dma_start3A_89 = arith.constant 0 : i32
      %dma_start3A_90 = arith.constant 0 : i32
      %dma_start3A_91 = tpu.memref_slice %arg3[%dma_start3A_89, %dma_start3A_90] : memref<8388608x8xf32, #tpu.memory_space<hbm>> -> memref<8388608x8xf32, #tpu.memory_space<hbm>>
      tpu.enqueue_indirect_dma source(%dma_start3A_91 : memref<8388608x8xf32, #tpu.memory_space<hbm>>) target(%dma_start3A_85 : memref<128x8xf32, #tpu.memory_space<vmem>>) offsets(%dma_start3A_88 : memref<128xi32, #tpu.memory_space<vmem>>) semaphore(%arg11 : memref<!tpu.dma_semaphore, #tpu.memory_space<semaphore_mem>>)
      %dma_start3A_92 = arith.constant 1 : i32
      %dma_start3A_93 = arith.constant 1 : i32
      %dma_start3A_94 = arith.constant 256 : i32
      %dma_start3A_95 = arith.constant 0 : i32
      %dma_start3A_96 = tpu.memref_slice %arg9[%dma_start3A_93, %dma_start3A_94, %dma_start3A_95] : memref<8x512x8xf32, #tpu.memory_space<vmem>> -> memref<1x128x8xf32, #tpu.memory_space<vmem>>
      %dma_start3A_97 = tpu.memref_squeeze %dma_start3A_96 : memref<1x128x8xf32, #tpu.memory_space<vmem>> -> memref<128x8xf32, #tpu.memory_space<vmem>>
      %dma_start3A_98 = arith.constant 256 : i32
      %dma_start3A_99 = tpu.memref_slice %arg6[%dma_start3A_92, %dma_start3A_98] : memref<8x512xi32, #tpu.memory_space<vmem>> -> memref<1x128xi32, #tpu.memory_space<vmem>>
      %dma_start3A_100 = tpu.memref_squeeze %dma_start3A_99 : memref<1x128xi32, #tpu.memory_space<vmem>> -> memref<128xi32, #tpu.memory_space<vmem>>
      %dma_start3A_101 = arith.constant 0 : i32
      %dma_start3A_102 = arith.constant 0 : i32
      %dma_start3A_103 = tpu.memref_slice %arg3[%dma_start3A_101, %dma_start3A_102] : memref<8388608x8xf32, #tpu.memory_space<hbm>> -> memref<8388608x8xf32, #tpu.memory_space<hbm>>
      tpu.enqueue_indirect_dma source(%dma_start3A_103 : memref<8388608x8xf32, #tpu.memory_space<hbm>>) target(%dma_start3A_97 : memref<128x8xf32, #tpu.memory_space<vmem>>) offsets(%dma_start3A_100 : memref<128xi32, #tpu.memory_space<vmem>>) semaphore(%arg11 : memref<!tpu.dma_semaphore, #tpu.memory_space<semaphore_mem>>)
      %dma_start3A_104 = arith.constant 1 : i32
      %dma_start3A_105 = arith.constant 1 : i32
      %dma_start3A_106 = arith.constant 384 : i32
      %dma_start3A_107 = arith.constant 0 : i32
      %dma_start3A_108 = tpu.memref_slice %arg9[%dma_start3A_105, %dma_start3A_106, %dma_start3A_107] : memref<8x512x8xf32, #tpu.memory_space<vmem>> -> memref<1x128x8xf32, #tpu.memory_space<vmem>>
      %dma_start3A_109 = tpu.memref_squeeze %dma_start3A_108 : memref<1x128x8xf32, #tpu.memory_space<vmem>> -> memref<128x8xf32, #tpu.memory_space<vmem>>
      %dma_start3A_110 = arith.constant 384 : i32
      %dma_start3A_111 = tpu.memref_slice %arg6[%dma_start3A_104, %dma_start3A_110] : memref<8x512xi32, #tpu.memory_space<vmem>> -> memref<1x128xi32, #tpu.memory_space<vmem>>
      %dma_start3A_112 = tpu.memref_squeeze %dma_start3A_111 : memref<1x128xi32, #tpu.memory_space<vmem>> -> memref<128xi32, #tpu.memory_space<vmem>>
      %dma_start3A_113 = arith.constant 0 : i32
      %dma_start3A_114 = arith.constant 0 : i32
      %dma_start3A_115 = tpu.memref_slice %arg3[%dma_start3A_113, %dma_start3A_114] : memref<8388608x8xf32, #tpu.memory_space<hbm>> -> memref<8388608x8xf32, #tpu.memory_space<hbm>>
      tpu.enqueue_indirect_dma source(%dma_start3A_115 : memref<8388608x8xf32, #tpu.memory_space<hbm>>) target(%dma_start3A_109 : memref<128x8xf32, #tpu.memory_space<vmem>>) offsets(%dma_start3A_112 : memref<128xi32, #tpu.memory_space<vmem>>) semaphore(%arg11 : memref<!tpu.dma_semaphore, #tpu.memory_space<semaphore_mem>>)
      %dma_start3A_116 = arith.constant 2 : i32
      %dma_start3A_117 = arith.constant 2 : i32
      %dma_start3A_118 = arith.constant 0 : i32
      %dma_start3A_119 = arith.constant 0 : i32
      %dma_start3A_120 = tpu.memref_slice %arg9[%dma_start3A_117, %dma_start3A_118, %dma_start3A_119] : memref<8x512x8xf32, #tpu.memory_space<vmem>> -> memref<1x128x8xf32, #tpu.memory_space<vmem>>
      %dma_start3A_121 = tpu.memref_squeeze %dma_start3A_120 : memref<1x128x8xf32, #tpu.memory_space<vmem>> -> memref<128x8xf32, #tpu.memory_space<vmem>>
      %dma_start3A_122 = arith.constant 0 : i32
      %dma_start3A_123 = tpu.memref_slice %arg6[%dma_start3A_116, %dma_start3A_122] : memref<8x512xi32, #tpu.memory_space<vmem>> -> memref<1x128xi32, #tpu.memory_space<vmem>>
      %dma_start3A_124 = tpu.memref_squeeze %dma_start3A_123 : memref<1x128xi32, #tpu.memory_space<vmem>> -> memref<128xi32, #tpu.memory_space<vmem>>
      %dma_start3A_125 = arith.constant 0 : i32
      %dma_start3A_126 = arith.constant 0 : i32
      %dma_start3A_127 = tpu.memref_slice %arg3[%dma_start3A_125, %dma_start3A_126] : memref<8388608x8xf32, #tpu.memory_space<hbm>> -> memref<8388608x8xf32, #tpu.memory_space<hbm>>
      tpu.enqueue_indirect_dma source(%dma_start3A_127 : memref<8388608x8xf32, #tpu.memory_space<hbm>>) target(%dma_start3A_121 : memref<128x8xf32, #tpu.memory_space<vmem>>) offsets(%dma_start3A_124 : memref<128xi32, #tpu.memory_space<vmem>>) semaphore(%arg11 : memref<!tpu.dma_semaphore, #tpu.memory_space<semaphore_mem>>)
      %dma_start3A_128 = arith.constant 2 : i32
      %dma_start3A_129 = arith.constant 2 : i32
      %dma_start3A_130 = arith.constant 128 : i32
      %dma_start3A_131 = arith.constant 0 : i32
      %dma_start3A_132 = tpu.memref_slice %arg9[%dma_start3A_129, %dma_start3A_130, %dma_start3A_131] : memref<8x512x8xf32, #tpu.memory_space<vmem>> -> memref<1x128x8xf32, #tpu.memory_space<vmem>>
      %dma_start3A_133 = tpu.memref_squeeze %dma_start3A_132 : memref<1x128x8xf32, #tpu.memory_space<vmem>> -> memref<128x8xf32, #tpu.memory_space<vmem>>
      %dma_start3A_134 = arith.constant 128 : i32
      %dma_start3A_135 = tpu.memref_slice %arg6[%dma_start3A_128, %dma_start3A_134] : memref<8x512xi32, #tpu.memory_space<vmem>> -> memref<1x128xi32, #tpu.memory_space<vmem>>
      %dma_start3A_136 = tpu.memref_squeeze %dma_start3A_135 : memref<1x128xi32, #tpu.memory_space<vmem>> -> memref<128xi32, #tpu.memory_space<vmem>>
      %dma_start3A_137 = arith.constant 0 : i32
      %dma_start3A_138 = arith.constant 0 : i32
      %dma_start3A_139 = tpu.memref_slice %arg3[%dma_start3A_137, %dma_start3A_138] : memref<8388608x8xf32, #tpu.memory_space<hbm>> -> memref<8388608x8xf32, #tpu.memory_space<hbm>>
      tpu.enqueue_indirect_dma source(%dma_start3A_139 : memref<8388608x8xf32, #tpu.memory_space<hbm>>) target(%dma_start3A_133 : memref<128x8xf32, #tpu.memory_space<vmem>>) offsets(%dma_start3A_136 : memref<128xi32, #tpu.memory_space<vmem>>) semaphore(%arg11 : memref<!tpu.dma_semaphore, #tpu.memory_space<semaphore_mem>>)
      %dma_start3A_140 = arith.constant 2 : i32
      %dma_start3A_141 = arith.constant 2 : i32
      %dma_start3A_142 = arith.constant 256 : i32
      %dma_start3A_143 = arith.constant 0 : i32
      %dma_start3A_144 = tpu.memref_slice %arg9[%dma_start3A_141, %dma_start3A_142, %dma_start3A_143] : memref<8x512x8xf32, #tpu.memory_space<vmem>> -> memref<1x128x8xf32, #tpu.memory_space<vmem>>
      %dma_start3A_145 = tpu.memref_squeeze %dma_start3A_144 : memref<1x128x8xf32, #tpu.memory_space<vmem>> -> memref<128x8xf32, #tpu.memory_space<vmem>>
      %dma_start3A_146 = arith.constant 256 : i32
      %dma_start3A_147 = tpu.memref_slice %arg6[%dma_start3A_140, %dma_start3A_146] : memref<8x512xi32, #tpu.memory_space<vmem>> -> memref<1x128xi32, #tpu.memory_space<vmem>>
      %dma_start3A_148 = tpu.memref_squeeze %dma_start3A_147 : memref<1x128xi32, #tpu.memory_space<vmem>> -> memref<128xi32, #tpu.memory_space<vmem>>
      %dma_start3A_149 = arith.constant 0 : i32
      %dma_start3A_150 = arith.constant 0 : i32
      %dma_start3A_151 = tpu.memref_slice %arg3[%dma_start3A_149, %dma_start3A_150] : memref<8388608x8xf32, #tpu.memory_space<hbm>> -> memref<8388608x8xf32, #tpu.memory_space<hbm>>
      tpu.enqueue_indirect_dma source(%dma_start3A_151 : memref<8388608x8xf32, #tpu.memory_space<hbm>>) target(%dma_start3A_145 : memref<128x8xf32, #tpu.memory_space<vmem>>) offsets(%dma_start3A_148 : memref<128xi32, #tpu.memory_space<vmem>>) semaphore(%arg11 : memref<!tpu.dma_semaphore, #tpu.memory_space<semaphore_mem>>)
      %dma_start3A_152 = arith.constant 2 : i32
      %dma_start3A_153 = arith.constant 2 : i32
      %dma_start3A_154 = arith.constant 384 : i32
      %dma_start3A_155 = arith.constant 0 : i32
      %dma_start3A_156 = tpu.memref_slice %arg9[%dma_start3A_153, %dma_start3A_154, %dma_start3A_155] : memref<8x512x8xf32, #tpu.memory_space<vmem>> -> memref<1x128x8xf32, #tpu.memory_space<vmem>>
      %dma_start3A_157 = tpu.memref_squeeze %dma_start3A_156 : memref<1x128x8xf32, #tpu.memory_space<vmem>> -> memref<128x8xf32, #tpu.memory_space<vmem>>
      %dma_start3A_158 = arith.constant 384 : i32
      %dma_start3A_159 = tpu.memref_slice %arg6[%dma_start3A_152, %dma_start3A_158] : memref<8x512xi32, #tpu.memory_space<vmem>> -> memref<1x128xi32, #tpu.memory_space<vmem>>
      %dma_start3A_160 = tpu.memref_squeeze %dma_start3A_159 : memref<1x128xi32, #tpu.memory_space<vmem>> -> memref<128xi32, #tpu.memory_space<vmem>>
      %dma_start3A_161 = arith.constant 0 : i32
      %dma_start3A_162 = arith.constant 0 : i32
      %dma_start3A_163 = tpu.memref_slice %arg3[%dma_start3A_161, %dma_start3A_162] : memref<8388608x8xf32, #tpu.memory_space<hbm>> -> memref<8388608x8xf32, #tpu.memory_space<hbm>>
      tpu.enqueue_indirect_dma source(%dma_start3A_163 : memref<8388608x8xf32, #tpu.memory_space<hbm>>) target(%dma_start3A_157 : memref<128x8xf32, #tpu.memory_space<vmem>>) offsets(%dma_start3A_160 : memref<128xi32, #tpu.memory_space<vmem>>) semaphore(%arg11 : memref<!tpu.dma_semaphore, #tpu.memory_space<semaphore_mem>>)
      %dma_start3A_164 = arith.constant 3 : i32
      %dma_start3A_165 = arith.constant 3 : i32
      %dma_start3A_166 = arith.constant 0 : i32
      %dma_start3A_167 = arith.constant 0 : i32
      %dma_start3A_168 = tpu.memref_slice %arg9[%dma_start3A_165, %dma_start3A_166, %dma_start3A_167] : memref<8x512x8xf32, #tpu.memory_space<vmem>> -> memref<1x128x8xf32, #tpu.memory_space<vmem>>
      %dma_start3A_169 = tpu.memref_squeeze %dma_start3A_168 : memref<1x128x8xf32, #tpu.memory_space<vmem>> -> memref<128x8xf32, #tpu.memory_space<vmem>>
      %dma_start3A_170 = arith.constant 0 : i32
      %dma_start3A_171 = tpu.memref_slice %arg6[%dma_start3A_164, %dma_start3A_170] : memref<8x512xi32, #tpu.memory_space<vmem>> -> memref<1x128xi32, #tpu.memory_space<vmem>>
      %dma_start3A_172 = tpu.memref_squeeze %dma_start3A_171 : memref<1x128xi32, #tpu.memory_space<vmem>> -> memref<128xi32, #tpu.memory_space<vmem>>
      %dma_start3A_173 = arith.constant 0 : i32
      %dma_start3A_174 = arith.constant 0 : i32
      %dma_start3A_175 = tpu.memref_slice %arg3[%dma_start3A_173, %dma_start3A_174] : memref<8388608x8xf32, #tpu.memory_space<hbm>> -> memref<8388608x8xf32, #tpu.memory_space<hbm>>
      tpu.enqueue_indirect_dma source(%dma_start3A_175 : memref<8388608x8xf32, #tpu.memory_space<hbm>>) target(%dma_start3A_169 : memref<128x8xf32, #tpu.memory_space<vmem>>) offsets(%dma_start3A_172 : memref<128xi32, #tpu.memory_space<vmem>>) semaphore(%arg11 : memref<!tpu.dma_semaphore, #tpu.memory_space<semaphore_mem>>)
      %dma_start3A_176 = arith.constant 3 : i32
      %dma_start3A_177 = arith.constant 3 : i32
      %dma_start3A_178 = arith.constant 128 : i32
      %dma_start3A_179 = arith.constant 0 : i32
      %dma_start3A_180 = tpu.memref_slice %arg9[%dma_start3A_177, %dma_start3A_178, %dma_start3A_179] : memref<8x512x8xf32, #tpu.memory_space<vmem>> -> memref<1x128x8xf32, #tpu.memory_space<vmem>>
      %dma_start3A_181 = tpu.memref_squeeze %dma_start3A_180 : memref<1x128x8xf32, #tpu.memory_space<vmem>> -> memref<128x8xf32, #tpu.memory_space<vmem>>
      %dma_start3A_182 = arith.constant 128 : i32
      %dma_start3A_183 = tpu.memref_slice %arg6[%dma_start3A_176, %dma_start3A_182] : memref<8x512xi32, #tpu.memory_space<vmem>> -> memref<1x128xi32, #tpu.memory_space<vmem>>
      %dma_start3A_184 = tpu.memref_squeeze %dma_start3A_183 : memref<1x128xi32, #tpu.memory_space<vmem>> -> memref<128xi32, #tpu.memory_space<vmem>>
      %dma_start3A_185 = arith.constant 0 : i32
      %dma_start3A_186 = arith.constant 0 : i32
      %dma_start3A_187 = tpu.memref_slice %arg3[%dma_start3A_185, %dma_start3A_186] : memref<8388608x8xf32, #tpu.memory_space<hbm>> -> memref<8388608x8xf32, #tpu.memory_space<hbm>>
      tpu.enqueue_indirect_dma source(%dma_start3A_187 : memref<8388608x8xf32, #tpu.memory_space<hbm>>) target(%dma_start3A_181 : memref<128x8xf32, #tpu.memory_space<vmem>>) offsets(%dma_start3A_184 : memref<128xi32, #tpu.memory_space<vmem>>) semaphore(%arg11 : memref<!tpu.dma_semaphore, #tpu.memory_space<semaphore_mem>>)
      %dma_start3A_188 = arith.constant 3 : i32
      %dma_start3A_189 = arith.constant 3 : i32
      %dma_start3A_190 = arith.constant 256 : i32
      %dma_start3A_191 = arith.constant 0 : i32
      %dma_start3A_192 = tpu.memref_slice %arg9[%dma_start3A_189, %dma_start3A_190, %dma_start3A_191] : memref<8x512x8xf32, #tpu.memory_space<vmem>> -> memref<1x128x8xf32, #tpu.memory_space<vmem>>
      %dma_start3A_193 = tpu.memref_squeeze %dma_start3A_192 : memref<1x128x8xf32, #tpu.memory_space<vmem>> -> memref<128x8xf32, #tpu.memory_space<vmem>>
      %dma_start3A_194 = arith.constant 256 : i32
      %dma_start3A_195 = tpu.memref_slice %arg6[%dma_start3A_188, %dma_start3A_194] : memref<8x512xi32, #tpu.memory_space<vmem>> -> memref<1x128xi32, #tpu.memory_space<vmem>>
      %dma_start3A_196 = tpu.memref_squeeze %dma_start3A_195 : memref<1x128xi32, #tpu.memory_space<vmem>> -> memref<128xi32, #tpu.memory_space<vmem>>
      %dma_start3A_197 = arith.constant 0 : i32
      %dma_start3A_198 = arith.constant 0 : i32
      %dma_start3A_199 = tpu.memref_slice %arg3[%dma_start3A_197, %dma_start3A_198] : memref<8388608x8xf32, #tpu.memory_space<hbm>> -> memref<8388608x8xf32, #tpu.memory_space<hbm>>
      tpu.enqueue_indirect_dma source(%dma_start3A_199 : memref<8388608x8xf32, #tpu.memory_space<hbm>>) target(%dma_start3A_193 : memref<128x8xf32, #tpu.memory_space<vmem>>) offsets(%dma_start3A_196 : memref<128xi32, #tpu.memory_space<vmem>>) semaphore(%arg11 : memref<!tpu.dma_semaphore, #tpu.memory_space<semaphore_mem>>)
      %dma_start3A_200 = arith.constant 3 : i32
      %dma_start3A_201 = arith.constant 3 : i32
      %dma_start3A_202 = arith.constant 384 : i32
      %dma_start3A_203 = arith.constant 0 : i32
      %dma_start3A_204 = tpu.memref_slice %arg9[%dma_start3A_201, %dma_start3A_202, %dma_start3A_203] : memref<8x512x8xf32, #tpu.memory_space<vmem>> -> memref<1x128x8xf32, #tpu.memory_space<vmem>>
      %dma_start3A_205 = tpu.memref_squeeze %dma_start3A_204 : memref<1x128x8xf32, #tpu.memory_space<vmem>> -> memref<128x8xf32, #tpu.memory_space<vmem>>
      %dma_start3A_206 = arith.constant 384 : i32
      %dma_start3A_207 = tpu.memref_slice %arg6[%dma_start3A_200, %dma_start3A_206] : memref<8x512xi32, #tpu.memory_space<vmem>> -> memref<1x128xi32, #tpu.memory_space<vmem>>
      %dma_start3A_208 = tpu.memref_squeeze %dma_start3A_207 : memref<1x128xi32, #tpu.memory_space<vmem>> -> memref<128xi32, #tpu.memory_space<vmem>>
      %dma_start3A_209 = arith.constant 0 : i32
      %dma_start3A_210 = arith.constant 0 : i32
      %dma_start3A_211 = tpu.memref_slice %arg3[%dma_start3A_209, %dma_start3A_210] : memref<8388608x8xf32, #tpu.memory_space<hbm>> -> memref<8388608x8xf32, #tpu.memory_space<hbm>>
      tpu.enqueue_indirect_dma source(%dma_start3A_211 : memref<8388608x8xf32, #tpu.memory_space<hbm>>) target(%dma_start3A_205 : memref<128x8xf32, #tpu.memory_space<vmem>>) offsets(%dma_start3A_208 : memref<128xi32, #tpu.memory_space<vmem>>) semaphore(%arg11 : memref<!tpu.dma_semaphore, #tpu.memory_space<semaphore_mem>>)
      %dma_start3A_212 = arith.constant 4 : i32
      %dma_start3A_213 = arith.constant 4 : i32
      %dma_start3A_214 = arith.constant 0 : i32
      %dma_start3A_215 = arith.constant 0 : i32
      %dma_start3A_216 = tpu.memref_slice %arg9[%dma_start3A_213, %dma_start3A_214, %dma_start3A_215] : memref<8x512x8xf32, #tpu.memory_space<vmem>> -> memref<1x128x8xf32, #tpu.memory_space<vmem>>
      %dma_start3A_217 = tpu.memref_squeeze %dma_start3A_216 : memref<1x128x8xf32, #tpu.memory_space<vmem>> -> memref<128x8xf32, #tpu.memory_space<vmem>>
      %dma_start3A_218 = arith.constant 0 : i32
      %dma_start3A_219 = tpu.memref_slice %arg6[%dma_start3A_212, %dma_start3A_218] : memref<8x512xi32, #tpu.memory_space<vmem>> -> memref<1x128xi32, #tpu.memory_space<vmem>>
      %dma_start3A_220 = tpu.memref_squeeze %dma_start3A_219 : memref<1x128xi32, #tpu.memory_space<vmem>> -> memref<128xi32, #tpu.memory_space<vmem>>
      %dma_start3A_221 = arith.constant 0 : i32
      %dma_start3A_222 = arith.constant 0 : i32
      %dma_start3A_223 = tpu.memref_slice %arg3[%dma_start3A_221, %dma_start3A_222] : memref<8388608x8xf32, #tpu.memory_space<hbm>> -> memref<8388608x8xf32, #tpu.memory_space<hbm>>
      tpu.enqueue_indirect_dma source(%dma_start3A_223 : memref<8388608x8xf32, #tpu.memory_space<hbm>>) target(%dma_start3A_217 : memref<128x8xf32, #tpu.memory_space<vmem>>) offsets(%dma_start3A_220 : memref<128xi32, #tpu.memory_space<vmem>>) semaphore(%arg11 : memref<!tpu.dma_semaphore, #tpu.memory_space<semaphore_mem>>)
      %dma_start3A_224 = arith.constant 4 : i32
      %dma_start3A_225 = arith.constant 4 : i32
      %dma_start3A_226 = arith.constant 128 : i32
      %dma_start3A_227 = arith.constant 0 : i32
      %dma_start3A_228 = tpu.memref_slice %arg9[%dma_start3A_225, %dma_start3A_226, %dma_start3A_227] : memref<8x512x8xf32, #tpu.memory_space<vmem>> -> memref<1x128x8xf32, #tpu.memory_space<vmem>>
      %dma_start3A_229 = tpu.memref_squeeze %dma_start3A_228 : memref<1x128x8xf32, #tpu.memory_space<vmem>> -> memref<128x8xf32, #tpu.memory_space<vmem>>
      %dma_start3A_230 = arith.constant 128 : i32
      %dma_start3A_231 = tpu.memref_slice %arg6[%dma_start3A_224, %dma_start3A_230] : memref<8x512xi32, #tpu.memory_space<vmem>> -> memref<1x128xi32, #tpu.memory_space<vmem>>
      %dma_start3A_232 = tpu.memref_squeeze %dma_start3A_231 : memref<1x128xi32, #tpu.memory_space<vmem>> -> memref<128xi32, #tpu.memory_space<vmem>>
      %dma_start3A_233 = arith.constant 0 : i32
      %dma_start3A_234 = arith.constant 0 : i32
      %dma_start3A_235 = tpu.memref_slice %arg3[%dma_start3A_233, %dma_start3A_234] : memref<8388608x8xf32, #tpu.memory_space<hbm>> -> memref<8388608x8xf32, #tpu.memory_space<hbm>>
      tpu.enqueue_indirect_dma source(%dma_start3A_235 : memref<8388608x8xf32, #tpu.memory_space<hbm>>) target(%dma_start3A_229 : memref<128x8xf32, #tpu.memory_space<vmem>>) offsets(%dma_start3A_232 : memref<128xi32, #tpu.memory_space<vmem>>) semaphore(%arg11 : memref<!tpu.dma_semaphore, #tpu.memory_space<semaphore_mem>>)
      %dma_start3A_236 = arith.constant 4 : i32
      %dma_start3A_237 = arith.constant 4 : i32
      %dma_start3A_238 = arith.constant 256 : i32
      %dma_start3A_239 = arith.constant 0 : i32
      %dma_start3A_240 = tpu.memref_slice %arg9[%dma_start3A_237, %dma_start3A_238, %dma_start3A_239] : memref<8x512x8xf32, #tpu.memory_space<vmem>> -> memref<1x128x8xf32, #tpu.memory_space<vmem>>
      %dma_start3A_241 = tpu.memref_squeeze %dma_start3A_240 : memref<1x128x8xf32, #tpu.memory_space<vmem>> -> memref<128x8xf32, #tpu.memory_space<vmem>>
      %dma_start3A_242 = arith.constant 256 : i32
      %dma_start3A_243 = tpu.memref_slice %arg6[%dma_start3A_236, %dma_start3A_242] : memref<8x512xi32, #tpu.memory_space<vmem>> -> memref<1x128xi32, #tpu.memory_space<vmem>>
      %dma_start3A_244 = tpu.memref_squeeze %dma_start3A_243 : memref<1x128xi32, #tpu.memory_space<vmem>> -> memref<128xi32, #tpu.memory_space<vmem>>
      %dma_start3A_245 = arith.constant 0 : i32
      %dma_start3A_246 = arith.constant 0 : i32
      %dma_start3A_247 = tpu.memref_slice %arg3[%dma_start3A_245, %dma_start3A_246] : memref<8388608x8xf32, #tpu.memory_space<hbm>> -> memref<8388608x8xf32, #tpu.memory_space<hbm>>
      tpu.enqueue_indirect_dma source(%dma_start3A_247 : memref<8388608x8xf32, #tpu.memory_space<hbm>>) target(%dma_start3A_241 : memref<128x8xf32, #tpu.memory_space<vmem>>) offsets(%dma_start3A_244 : memref<128xi32, #tpu.memory_space<vmem>>) semaphore(%arg11 : memref<!tpu.dma_semaphore, #tpu.memory_space<semaphore_mem>>)
      %dma_start3A_248 = arith.constant 4 : i32
      %dma_start3A_249 = arith.constant 4 : i32
      %dma_start3A_250 = arith.constant 384 : i32
      %dma_start3A_251 = arith.constant 0 : i32
      %dma_start3A_252 = tpu.memref_slice %arg9[%dma_start3A_249, %dma_start3A_250, %dma_start3A_251] : memref<8x512x8xf32, #tpu.memory_space<vmem>> -> memref<1x128x8xf32, #tpu.memory_space<vmem>>
      %dma_start3A_253 = tpu.memref_squeeze %dma_start3A_252 : memref<1x128x8xf32, #tpu.memory_space<vmem>> -> memref<128x8xf32, #tpu.memory_space<vmem>>
      %dma_start3A_254 = arith.constant 384 : i32
      %dma_start3A_255 = tpu.memref_slice %arg6[%dma_start3A_248, %dma_start3A_254] : memref<8x512xi32, #tpu.memory_space<vmem>> -> memref<1x128xi32, #tpu.memory_space<vmem>>
      %dma_start3A_256 = tpu.memref_squeeze %dma_start3A_255 : memref<1x128xi32, #tpu.memory_space<vmem>> -> memref<128xi32, #tpu.memory_space<vmem>>
      %dma_start3A_257 = arith.constant 0 : i32
      %dma_start3A_258 = arith.constant 0 : i32
      %dma_start3A_259 = tpu.memref_slice %arg3[%dma_start3A_257, %dma_start3A_258] : memref<8388608x8xf32, #tpu.memory_space<hbm>> -> memref<8388608x8xf32, #tpu.memory_space<hbm>>
      tpu.enqueue_indirect_dma source(%dma_start3A_259 : memref<8388608x8xf32, #tpu.memory_space<hbm>>) target(%dma_start3A_253 : memref<128x8xf32, #tpu.memory_space<vmem>>) offsets(%dma_start3A_256 : memref<128xi32, #tpu.memory_space<vmem>>) semaphore(%arg11 : memref<!tpu.dma_semaphore, #tpu.memory_space<semaphore_mem>>)
      %dma_start3A_260 = arith.constant 5 : i32
      %dma_start3A_261 = arith.constant 5 : i32
      %dma_start3A_262 = arith.constant 0 : i32
      %dma_start3A_263 = arith.constant 0 : i32
      %dma_start3A_264 = tpu.memref_slice %arg9[%dma_start3A_261, %dma_start3A_262, %dma_start3A_263] : memref<8x512x8xf32, #tpu.memory_space<vmem>> -> memref<1x128x8xf32, #tpu.memory_space<vmem>>
      %dma_start3A_265 = tpu.memref_squeeze %dma_start3A_264 : memref<1x128x8xf32, #tpu.memory_space<vmem>> -> memref<128x8xf32, #tpu.memory_space<vmem>>
      %dma_start3A_266 = arith.constant 0 : i32
      %dma_start3A_267 = tpu.memref_slice %arg6[%dma_start3A_260, %dma_start3A_266] : memref<8x512xi32, #tpu.memory_space<vmem>> -> memref<1x128xi32, #tpu.memory_space<vmem>>
      %dma_start3A_268 = tpu.memref_squeeze %dma_start3A_267 : memref<1x128xi32, #tpu.memory_space<vmem>> -> memref<128xi32, #tpu.memory_space<vmem>>
      %dma_start3A_269 = arith.constant 0 : i32
      %dma_start3A_270 = arith.constant 0 : i32
      %dma_start3A_271 = tpu.memref_slice %arg3[%dma_start3A_269, %dma_start3A_270] : memref<8388608x8xf32, #tpu.memory_space<hbm>> -> memref<8388608x8xf32, #tpu.memory_space<hbm>>
      tpu.enqueue_indirect_dma source(%dma_start3A_271 : memref<8388608x8xf32, #tpu.memory_space<hbm>>) target(%dma_start3A_265 : memref<128x8xf32, #tpu.memory_space<vmem>>) offsets(%dma_start3A_268 : memref<128xi32, #tpu.memory_space<vmem>>) semaphore(%arg11 : memref<!tpu.dma_semaphore, #tpu.memory_space<semaphore_mem>>)
      %dma_start3A_272 = arith.constant 5 : i32
      %dma_start3A_273 = arith.constant 5 : i32
      %dma_start3A_274 = arith.constant 128 : i32
      %dma_start3A_275 = arith.constant 0 : i32
      %dma_start3A_276 = tpu.memref_slice %arg9[%dma_start3A_273, %dma_start3A_274, %dma_start3A_275] : memref<8x512x8xf32, #tpu.memory_space<vmem>> -> memref<1x128x8xf32, #tpu.memory_space<vmem>>
      %dma_start3A_277 = tpu.memref_squeeze %dma_start3A_276 : memref<1x128x8xf32, #tpu.memory_space<vmem>> -> memref<128x8xf32, #tpu.memory_space<vmem>>
      %dma_start3A_278 = arith.constant 128 : i32
      %dma_start3A_279 = tpu.memref_slice %arg6[%dma_start3A_272, %dma_start3A_278] : memref<8x512xi32, #tpu.memory_space<vmem>> -> memref<1x128xi32, #tpu.memory_space<vmem>>
      %dma_start3A_280 = tpu.memref_squeeze %dma_start3A_279 : memref<1x128xi32, #tpu.memory_space<vmem>> -> memref<128xi32, #tpu.memory_space<vmem>>
      %dma_start3A_281 = arith.constant 0 : i32
      %dma_start3A_282 = arith.constant 0 : i32
      %dma_start3A_283 = tpu.memref_slice %arg3[%dma_start3A_281, %dma_start3A_282] : memref<8388608x8xf32, #tpu.memory_space<hbm>> -> memref<8388608x8xf32, #tpu.memory_space<hbm>>
      tpu.enqueue_indirect_dma source(%dma_start3A_283 : memref<8388608x8xf32, #tpu.memory_space<hbm>>) target(%dma_start3A_277 : memref<128x8xf32, #tpu.memory_space<vmem>>) offsets(%dma_start3A_280 : memref<128xi32, #tpu.memory_space<vmem>>) semaphore(%arg11 : memref<!tpu.dma_semaphore, #tpu.memory_space<semaphore_mem>>)
      %dma_start3A_284 = arith.constant 5 : i32
      %dma_start3A_285 = arith.constant 5 : i32
      %dma_start3A_286 = arith.constant 256 : i32
      %dma_start3A_287 = arith.constant 0 : i32
      %dma_start3A_288 = tpu.memref_slice %arg9[%dma_start3A_285, %dma_start3A_286, %dma_start3A_287] : memref<8x512x8xf32, #tpu.memory_space<vmem>> -> memref<1x128x8xf32, #tpu.memory_space<vmem>>
      %dma_start3A_289 = tpu.memref_squeeze %dma_start3A_288 : memref<1x128x8xf32, #tpu.memory_space<vmem>> -> memref<128x8xf32, #tpu.memory_space<vmem>>
      %dma_start3A_290 = arith.constant 256 : i32
      %dma_start3A_291 = tpu.memref_slice %arg6[%dma_start3A_284, %dma_start3A_290] : memref<8x512xi32, #tpu.memory_space<vmem>> -> memref<1x128xi32, #tpu.memory_space<vmem>>
      %dma_start3A_292 = tpu.memref_squeeze %dma_start3A_291 : memref<1x128xi32, #tpu.memory_space<vmem>> -> memref<128xi32, #tpu.memory_space<vmem>>
      %dma_start3A_293 = arith.constant 0 : i32
      %dma_start3A_294 = arith.constant 0 : i32
      %dma_start3A_295 = tpu.memref_slice %arg3[%dma_start3A_293, %dma_start3A_294] : memref<8388608x8xf32, #tpu.memory_space<hbm>> -> memref<8388608x8xf32, #tpu.memory_space<hbm>>
      tpu.enqueue_indirect_dma source(%dma_start3A_295 : memref<8388608x8xf32, #tpu.memory_space<hbm>>) target(%dma_start3A_289 : memref<128x8xf32, #tpu.memory_space<vmem>>) offsets(%dma_start3A_292 : memref<128xi32, #tpu.memory_space<vmem>>) semaphore(%arg11 : memref<!tpu.dma_semaphore, #tpu.memory_space<semaphore_mem>>)
      %dma_start3A_296 = arith.constant 5 : i32
      %dma_start3A_297 = arith.constant 5 : i32
      %dma_start3A_298 = arith.constant 384 : i32
      %dma_start3A_299 = arith.constant 0 : i32
      %dma_start3A_300 = tpu.memref_slice %arg9[%dma_start3A_297, %dma_start3A_298, %dma_start3A_299] : memref<8x512x8xf32, #tpu.memory_space<vmem>> -> memref<1x128x8xf32, #tpu.memory_space<vmem>>
      %dma_start3A_301 = tpu.memref_squeeze %dma_start3A_300 : memref<1x128x8xf32, #tpu.memory_space<vmem>> -> memref<128x8xf32, #tpu.memory_space<vmem>>
      %dma_start3A_302 = arith.constant 384 : i32
      %dma_start3A_303 = tpu.memref_slice %arg6[%dma_start3A_296, %dma_start3A_302] : memref<8x512xi32, #tpu.memory_space<vmem>> -> memref<1x128xi32, #tpu.memory_space<vmem>>
      %dma_start3A_304 = tpu.memref_squeeze %dma_start3A_303 : memref<1x128xi32, #tpu.memory_space<vmem>> -> memref<128xi32, #tpu.memory_space<vmem>>
      %dma_start3A_305 = arith.constant 0 : i32
      %dma_start3A_306 = arith.constant 0 : i32
      %dma_start3A_307 = tpu.memref_slice %arg3[%dma_start3A_305, %dma_start3A_306] : memref<8388608x8xf32, #tpu.memory_space<hbm>> -> memref<8388608x8xf32, #tpu.memory_space<hbm>>
      tpu.enqueue_indirect_dma source(%dma_start3A_307 : memref<8388608x8xf32, #tpu.memory_space<hbm>>) target(%dma_start3A_301 : memref<128x8xf32, #tpu.memory_space<vmem>>) offsets(%dma_start3A_304 : memref<128xi32, #tpu.memory_space<vmem>>) semaphore(%arg11 : memref<!tpu.dma_semaphore, #tpu.memory_space<semaphore_mem>>)
      %dma_start3A_308 = arith.constant 6 : i32
      %dma_start3A_309 = arith.constant 6 : i32
      %dma_start3A_310 = arith.constant 0 : i32
      %dma_start3A_311 = arith.constant 0 : i32
      %dma_start3A_312 = tpu.memref_slice %arg9[%dma_start3A_309, %dma_start3A_310, %dma_start3A_311] : memref<8x512x8xf32, #tpu.memory_space<vmem>> -> memref<1x128x8xf32, #tpu.memory_space<vmem>>
      %dma_start3A_313 = tpu.memref_squeeze %dma_start3A_312 : memref<1x128x8xf32, #tpu.memory_space<vmem>> -> memref<128x8xf32, #tpu.memory_space<vmem>>
      %dma_start3A_314 = arith.constant 0 : i32
      %dma_start3A_315 = tpu.memref_slice %arg6[%dma_start3A_308, %dma_start3A_314] : memref<8x512xi32, #tpu.memory_space<vmem>> -> memref<1x128xi32, #tpu.memory_space<vmem>>
      %dma_start3A_316 = tpu.memref_squeeze %dma_start3A_315 : memref<1x128xi32, #tpu.memory_space<vmem>> -> memref<128xi32, #tpu.memory_space<vmem>>
      %dma_start3A_317 = arith.constant 0 : i32
      %dma_start3A_318 = arith.constant 0 : i32
      %dma_start3A_319 = tpu.memref_slice %arg3[%dma_start3A_317, %dma_start3A_318] : memref<8388608x8xf32, #tpu.memory_space<hbm>> -> memref<8388608x8xf32, #tpu.memory_space<hbm>>
      tpu.enqueue_indirect_dma source(%dma_start3A_319 : memref<8388608x8xf32, #tpu.memory_space<hbm>>) target(%dma_start3A_313 : memref<128x8xf32, #tpu.memory_space<vmem>>) offsets(%dma_start3A_316 : memref<128xi32, #tpu.memory_space<vmem>>) semaphore(%arg11 : memref<!tpu.dma_semaphore, #tpu.memory_space<semaphore_mem>>)
      %dma_start3A_320 = arith.constant 6 : i32
      %dma_start3A_321 = arith.constant 6 : i32
      %dma_start3A_322 = arith.constant 128 : i32
      %dma_start3A_323 = arith.constant 0 : i32
      %dma_start3A_324 = tpu.memref_slice %arg9[%dma_start3A_321, %dma_start3A_322, %dma_start3A_323] : memref<8x512x8xf32, #tpu.memory_space<vmem>> -> memref<1x128x8xf32, #tpu.memory_space<vmem>>
      %dma_start3A_325 = tpu.memref_squeeze %dma_start3A_324 : memref<1x128x8xf32, #tpu.memory_space<vmem>> -> memref<128x8xf32, #tpu.memory_space<vmem>>
      %dma_start3A_326 = arith.constant 128 : i32
      %dma_start3A_327 = tpu.memref_slice %arg6[%dma_start3A_320, %dma_start3A_326] : memref<8x512xi32, #tpu.memory_space<vmem>> -> memref<1x128xi32, #tpu.memory_space<vmem>>
      %dma_start3A_328 = tpu.memref_squeeze %dma_start3A_327 : memref<1x128xi32, #tpu.memory_space<vmem>> -> memref<128xi32, #tpu.memory_space<vmem>>
      %dma_start3A_329 = arith.constant 0 : i32
      %dma_start3A_330 = arith.constant 0 : i32
      %dma_start3A_331 = tpu.memref_slice %arg3[%dma_start3A_329, %dma_start3A_330] : memref<8388608x8xf32, #tpu.memory_space<hbm>> -> memref<8388608x8xf32, #tpu.memory_space<hbm>>
      tpu.enqueue_indirect_dma source(%dma_start3A_331 : memref<8388608x8xf32, #tpu.memory_space<hbm>>) target(%dma_start3A_325 : memref<128x8xf32, #tpu.memory_space<vmem>>) offsets(%dma_start3A_328 : memref<128xi32, #tpu.memory_space<vmem>>) semaphore(%arg11 : memref<!tpu.dma_semaphore, #tpu.memory_space<semaphore_mem>>)
      %dma_start3A_332 = arith.constant 6 : i32
      %dma_start3A_333 = arith.constant 6 : i32
      %dma_start3A_334 = arith.constant 256 : i32
      %dma_start3A_335 = arith.constant 0 : i32
      %dma_start3A_336 = tpu.memref_slice %arg9[%dma_start3A_333, %dma_start3A_334, %dma_start3A_335] : memref<8x512x8xf32, #tpu.memory_space<vmem>> -> memref<1x128x8xf32, #tpu.memory_space<vmem>>
      %dma_start3A_337 = tpu.memref_squeeze %dma_start3A_336 : memref<1x128x8xf32, #tpu.memory_space<vmem>> -> memref<128x8xf32, #tpu.memory_space<vmem>>
      %dma_start3A_338 = arith.constant 256 : i32
      %dma_start3A_339 = tpu.memref_slice %arg6[%dma_start3A_332, %dma_start3A_338] : memref<8x512xi32, #tpu.memory_space<vmem>> -> memref<1x128xi32, #tpu.memory_space<vmem>>
      %dma_start3A_340 = tpu.memref_squeeze %dma_start3A_339 : memref<1x128xi32, #tpu.memory_space<vmem>> -> memref<128xi32, #tpu.memory_space<vmem>>
      %dma_start3A_341 = arith.constant 0 : i32
      %dma_start3A_342 = arith.constant 0 : i32
      %dma_start3A_343 = tpu.memref_slice %arg3[%dma_start3A_341, %dma_start3A_342] : memref<8388608x8xf32, #tpu.memory_space<hbm>> -> memref<8388608x8xf32, #tpu.memory_space<hbm>>
      tpu.enqueue_indirect_dma source(%dma_start3A_343 : memref<8388608x8xf32, #tpu.memory_space<hbm>>) target(%dma_start3A_337 : memref<128x8xf32, #tpu.memory_space<vmem>>) offsets(%dma_start3A_340 : memref<128xi32, #tpu.memory_space<vmem>>) semaphore(%arg11 : memref<!tpu.dma_semaphore, #tpu.memory_space<semaphore_mem>>)
      %dma_start3A_344 = arith.constant 6 : i32
      %dma_start3A_345 = arith.constant 6 : i32
      %dma_start3A_346 = arith.constant 384 : i32
      %dma_start3A_347 = arith.constant 0 : i32
      %dma_start3A_348 = tpu.memref_slice %arg9[%dma_start3A_345, %dma_start3A_346, %dma_start3A_347] : memref<8x512x8xf32, #tpu.memory_space<vmem>> -> memref<1x128x8xf32, #tpu.memory_space<vmem>>
      %dma_start3A_349 = tpu.memref_squeeze %dma_start3A_348 : memref<1x128x8xf32, #tpu.memory_space<vmem>> -> memref<128x8xf32, #tpu.memory_space<vmem>>
      %dma_start3A_350 = arith.constant 384 : i32
      %dma_start3A_351 = tpu.memref_slice %arg6[%dma_start3A_344, %dma_start3A_350] : memref<8x512xi32, #tpu.memory_space<vmem>> -> memref<1x128xi32, #tpu.memory_space<vmem>>
      %dma_start3A_352 = tpu.memref_squeeze %dma_start3A_351 : memref<1x128xi32, #tpu.memory_space<vmem>> -> memref<128xi32, #tpu.memory_space<vmem>>
      %dma_start3A_353 = arith.constant 0 : i32
      %dma_start3A_354 = arith.constant 0 : i32
      %dma_start3A_355 = tpu.memref_slice %arg3[%dma_start3A_353, %dma_start3A_354] : memref<8388608x8xf32, #tpu.memory_space<hbm>> -> memref<8388608x8xf32, #tpu.memory_space<hbm>>
      tpu.enqueue_indirect_dma source(%dma_start3A_355 : memref<8388608x8xf32, #tpu.memory_space<hbm>>) target(%dma_start3A_349 : memref<128x8xf32, #tpu.memory_space<vmem>>) offsets(%dma_start3A_352 : memref<128xi32, #tpu.memory_space<vmem>>) semaphore(%arg11 : memref<!tpu.dma_semaphore, #tpu.memory_space<semaphore_mem>>)
      %dma_start3A_356 = arith.constant 7 : i32
      %dma_start3A_357 = arith.constant 7 : i32
      %dma_start3A_358 = arith.constant 0 : i32
      %dma_start3A_359 = arith.constant 0 : i32
      %dma_start3A_360 = tpu.memref_slice %arg9[%dma_start3A_357, %dma_start3A_358, %dma_start3A_359] : memref<8x512x8xf32, #tpu.memory_space<vmem>> -> memref<1x128x8xf32, #tpu.memory_space<vmem>>
      %dma_start3A_361 = tpu.memref_squeeze %dma_start3A_360 : memref<1x128x8xf32, #tpu.memory_space<vmem>> -> memref<128x8xf32, #tpu.memory_space<vmem>>
      %dma_start3A_362 = arith.constant 0 : i32
      %dma_start3A_363 = tpu.memref_slice %arg6[%dma_start3A_356, %dma_start3A_362] : memref<8x512xi32, #tpu.memory_space<vmem>> -> memref<1x128xi32, #tpu.memory_space<vmem>>
      %dma_start3A_364 = tpu.memref_squeeze %dma_start3A_363 : memref<1x128xi32, #tpu.memory_space<vmem>> -> memref<128xi32, #tpu.memory_space<vmem>>
      %dma_start3A_365 = arith.constant 0 : i32
      %dma_start3A_366 = arith.constant 0 : i32
      %dma_start3A_367 = tpu.memref_slice %arg3[%dma_start3A_365, %dma_start3A_366] : memref<8388608x8xf32, #tpu.memory_space<hbm>> -> memref<8388608x8xf32, #tpu.memory_space<hbm>>
      tpu.enqueue_indirect_dma source(%dma_start3A_367 : memref<8388608x8xf32, #tpu.memory_space<hbm>>) target(%dma_start3A_361 : memref<128x8xf32, #tpu.memory_space<vmem>>) offsets(%dma_start3A_364 : memref<128xi32, #tpu.memory_space<vmem>>) semaphore(%arg11 : memref<!tpu.dma_semaphore, #tpu.memory_space<semaphore_mem>>)
      %dma_start3A_368 = arith.constant 7 : i32
      %dma_start3A_369 = arith.constant 7 : i32
      %dma_start3A_370 = arith.constant 128 : i32
      %dma_start3A_371 = arith.constant 0 : i32
      %dma_start3A_372 = tpu.memref_slice %arg9[%dma_start3A_369, %dma_start3A_370, %dma_start3A_371] : memref<8x512x8xf32, #tpu.memory_space<vmem>> -> memref<1x128x8xf32, #tpu.memory_space<vmem>>
      %dma_start3A_373 = tpu.memref_squeeze %dma_start3A_372 : memref<1x128x8xf32, #tpu.memory_space<vmem>> -> memref<128x8xf32, #tpu.memory_space<vmem>>
      %dma_start3A_374 = arith.constant 128 : i32
      %dma_start3A_375 = tpu.memref_slice %arg6[%dma_start3A_368, %dma_start3A_374] : memref<8x512xi32, #tpu.memory_space<vmem>> -> memref<1x128xi32, #tpu.memory_space<vmem>>
      %dma_start3A_376 = tpu.memref_squeeze %dma_start3A_375 : memref<1x128xi32, #tpu.memory_space<vmem>> -> memref<128xi32, #tpu.memory_space<vmem>>
      %dma_start3A_377 = arith.constant 0 : i32
      %dma_start3A_378 = arith.constant 0 : i32
      %dma_start3A_379 = tpu.memref_slice %arg3[%dma_start3A_377, %dma_start3A_378] : memref<8388608x8xf32, #tpu.memory_space<hbm>> -> memref<8388608x8xf32, #tpu.memory_space<hbm>>
      tpu.enqueue_indirect_dma source(%dma_start3A_379 : memref<8388608x8xf32, #tpu.memory_space<hbm>>) target(%dma_start3A_373 : memref<128x8xf32, #tpu.memory_space<vmem>>) offsets(%dma_start3A_376 : memref<128xi32, #tpu.memory_space<vmem>>) semaphore(%arg11 : memref<!tpu.dma_semaphore, #tpu.memory_space<semaphore_mem>>)
      %dma_start3A_380 = arith.constant 7 : i32
      %dma_start3A_381 = arith.constant 7 : i32
      %dma_start3A_382 = arith.constant 256 : i32
      %dma_start3A_383 = arith.constant 0 : i32
      %dma_start3A_384 = tpu.memref_slice %arg9[%dma_start3A_381, %dma_start3A_382, %dma_start3A_383] : memref<8x512x8xf32, #tpu.memory_space<vmem>> -> memref<1x128x8xf32, #tpu.memory_space<vmem>>
      %dma_start3A_385 = tpu.memref_squeeze %dma_start3A_384 : memref<1x128x8xf32, #tpu.memory_space<vmem>> -> memref<128x8xf32, #tpu.memory_space<vmem>>
      %dma_start3A_386 = arith.constant 256 : i32
      %dma_start3A_387 = tpu.memref_slice %arg6[%dma_start3A_380, %dma_start3A_386] : memref<8x512xi32, #tpu.memory_space<vmem>> -> memref<1x128xi32, #tpu.memory_space<vmem>>
      %dma_start3A_388 = tpu.memref_squeeze %dma_start3A_387 : memref<1x128xi32, #tpu.memory_space<vmem>> -> memref<128xi32, #tpu.memory_space<vmem>>
      %dma_start3A_389 = arith.constant 0 : i32
      %dma_start3A_390 = arith.constant 0 : i32
      %dma_start3A_391 = tpu.memref_slice %arg3[%dma_start3A_389, %dma_start3A_390] : memref<8388608x8xf32, #tpu.memory_space<hbm>> -> memref<8388608x8xf32, #tpu.memory_space<hbm>>
      tpu.enqueue_indirect_dma source(%dma_start3A_391 : memref<8388608x8xf32, #tpu.memory_space<hbm>>) target(%dma_start3A_385 : memref<128x8xf32, #tpu.memory_space<vmem>>) offsets(%dma_start3A_388 : memref<128xi32, #tpu.memory_space<vmem>>) semaphore(%arg11 : memref<!tpu.dma_semaphore, #tpu.memory_space<semaphore_mem>>)
      %dma_start3A_392 = arith.constant 7 : i32
      %dma_start3A_393 = arith.constant 7 : i32
      %dma_start3A_394 = arith.constant 384 : i32
      %dma_start3A_395 = arith.constant 0 : i32
      %dma_start3A_396 = tpu.memref_slice %arg9[%dma_start3A_393, %dma_start3A_394, %dma_start3A_395] : memref<8x512x8xf32, #tpu.memory_space<vmem>> -> memref<1x128x8xf32, #tpu.memory_space<vmem>>
      %dma_start3A_397 = tpu.memref_squeeze %dma_start3A_396 : memref<1x128x8xf32, #tpu.memory_space<vmem>> -> memref<128x8xf32, #tpu.memory_space<vmem>>
      %dma_start3A_398 = arith.constant 384 : i32
      %dma_start3A_399 = tpu.memref_slice %arg6[%dma_start3A_392, %dma_start3A_398] : memref<8x512xi32, #tpu.memory_space<vmem>> -> memref<1x128xi32, #tpu.memory_space<vmem>>
      %dma_start3A_400 = tpu.memref_squeeze %dma_start3A_399 : memref<1x128xi32, #tpu.memory_space<vmem>> -> memref<128xi32, #tpu.memory_space<vmem>>
      %dma_start3A_401 = arith.constant 0 : i32
      %dma_start3A_402 = arith.constant 0 : i32
      %dma_start3A_403 = tpu.memref_slice %arg3[%dma_start3A_401, %dma_start3A_402] : memref<8388608x8xf32, #tpu.memory_space<hbm>> -> memref<8388608x8xf32, #tpu.memory_space<hbm>>
      tpu.enqueue_indirect_dma source(%dma_start3A_403 : memref<8388608x8xf32, #tpu.memory_space<hbm>>) target(%dma_start3A_397 : memref<128x8xf32, #tpu.memory_space<vmem>>) offsets(%dma_start3A_400 : memref<128xi32, #tpu.memory_space<vmem>>) semaphore(%arg11 : memref<!tpu.dma_semaphore, #tpu.memory_space<semaphore_mem>>)
      %dma_wait3A = arith.constant 0 : i32
      %dma_wait3A_404 = arith.constant 0 : i32
      %dma_wait3A_405 = arith.constant 0 : i32
      %dma_wait3A_406 = arith.constant 0 : i32
      %dma_wait3A_407 = tpu.memref_slice %arg9[%dma_wait3A_404, %dma_wait3A_405, %dma_wait3A_406] : memref<8x512x8xf32, #tpu.memory_space<vmem>> -> memref<1x128x8xf32, #tpu.memory_space<vmem>>
      %dma_wait3A_408 = tpu.memref_squeeze %dma_wait3A_407 : memref<1x128x8xf32, #tpu.memory_space<vmem>> -> memref<128x8xf32, #tpu.memory_space<vmem>>
      %dma_wait3A_409 = arith.constant 0 : i32
      %dma_wait3A_410 = tpu.memref_slice %arg6[%dma_wait3A, %dma_wait3A_409] : memref<8x512xi32, #tpu.memory_space<vmem>> -> memref<1x128xi32, #tpu.memory_space<vmem>>
      %dma_wait3A_411 = tpu.memref_squeeze %dma_wait3A_410 : memref<1x128xi32, #tpu.memory_space<vmem>> -> memref<128xi32, #tpu.memory_space<vmem>>
      %dma_wait3A_412 = arith.constant 0 : i32
      %dma_wait3A_413 = arith.constant 0 : i32
      %dma_wait3A_414 = tpu.memref_slice %arg3[%dma_wait3A_412, %dma_wait3A_413] : memref<8388608x8xf32, #tpu.memory_space<hbm>> -> memref<8388608x8xf32, #tpu.memory_space<hbm>>
      tpu.wait_indirect_dma semaphore(%arg11 : memref<!tpu.dma_semaphore, #tpu.memory_space<semaphore_mem>>) src(%dma_wait3A_414 : memref<8388608x8xf32, #tpu.memory_space<hbm>>) dst(%dma_wait3A_408 : memref<128x8xf32, #tpu.memory_space<vmem>>)
      %dma_wait3A_415 = arith.constant 0 : i32
      %dma_wait3A_416 = arith.constant 0 : i32
      %dma_wait3A_417 = arith.constant 128 : i32
      %dma_wait3A_418 = arith.constant 0 : i32
      %dma_wait3A_419 = tpu.memref_slice %arg9[%dma_wait3A_416, %dma_wait3A_417, %dma_wait3A_418] : memref<8x512x8xf32, #tpu.memory_space<vmem>> -> memref<1x128x8xf32, #tpu.memory_space<vmem>>
      %dma_wait3A_420 = tpu.memref_squeeze %dma_wait3A_419 : memref<1x128x8xf32, #tpu.memory_space<vmem>> -> memref<128x8xf32, #tpu.memory_space<vmem>>
      %dma_wait3A_421 = arith.constant 128 : i32
      %dma_wait3A_422 = tpu.memref_slice %arg6[%dma_wait3A_415, %dma_wait3A_421] : memref<8x512xi32, #tpu.memory_space<vmem>> -> memref<1x128xi32, #tpu.memory_space<vmem>>
      %dma_wait3A_423 = tpu.memref_squeeze %dma_wait3A_422 : memref<1x128xi32, #tpu.memory_space<vmem>> -> memref<128xi32, #tpu.memory_space<vmem>>
      %dma_wait3A_424 = arith.constant 0 : i32
      %dma_wait3A_425 = arith.constant 0 : i32
      %dma_wait3A_426 = tpu.memref_slice %arg3[%dma_wait3A_424, %dma_wait3A_425] : memref<8388608x8xf32, #tpu.memory_space<hbm>> -> memref<8388608x8xf32, #tpu.memory_space<hbm>>
      tpu.wait_indirect_dma semaphore(%arg11 : memref<!tpu.dma_semaphore, #tpu.memory_space<semaphore_mem>>) src(%dma_wait3A_426 : memref<8388608x8xf32, #tpu.memory_space<hbm>>) dst(%dma_wait3A_420 : memref<128x8xf32, #tpu.memory_space<vmem>>)
      %dma_wait3A_427 = arith.constant 0 : i32
      %dma_wait3A_428 = arith.constant 0 : i32
      %dma_wait3A_429 = arith.constant 256 : i32
      %dma_wait3A_430 = arith.constant 0 : i32
      %dma_wait3A_431 = tpu.memref_slice %arg9[%dma_wait3A_428, %dma_wait3A_429, %dma_wait3A_430] : memref<8x512x8xf32, #tpu.memory_space<vmem>> -> memref<1x128x8xf32, #tpu.memory_space<vmem>>
      %dma_wait3A_432 = tpu.memref_squeeze %dma_wait3A_431 : memref<1x128x8xf32, #tpu.memory_space<vmem>> -> memref<128x8xf32, #tpu.memory_space<vmem>>
      %dma_wait3A_433 = arith.constant 256 : i32
      %dma_wait3A_434 = tpu.memref_slice %arg6[%dma_wait3A_427, %dma_wait3A_433] : memref<8x512xi32, #tpu.memory_space<vmem>> -> memref<1x128xi32, #tpu.memory_space<vmem>>
      %dma_wait3A_435 = tpu.memref_squeeze %dma_wait3A_434 : memref<1x128xi32, #tpu.memory_space<vmem>> -> memref<128xi32, #tpu.memory_space<vmem>>
      %dma_wait3A_436 = arith.constant 0 : i32
      %dma_wait3A_437 = arith.constant 0 : i32
      %dma_wait3A_438 = tpu.memref_slice %arg3[%dma_wait3A_436, %dma_wait3A_437] : memref<8388608x8xf32, #tpu.memory_space<hbm>> -> memref<8388608x8xf32, #tpu.memory_space<hbm>>
      tpu.wait_indirect_dma semaphore(%arg11 : memref<!tpu.dma_semaphore, #tpu.memory_space<semaphore_mem>>) src(%dma_wait3A_438 : memref<8388608x8xf32, #tpu.memory_space<hbm>>) dst(%dma_wait3A_432 : memref<128x8xf32, #tpu.memory_space<vmem>>)
      %dma_wait3A_439 = arith.constant 0 : i32
      %dma_wait3A_440 = arith.constant 0 : i32
      %dma_wait3A_441 = arith.constant 384 : i32
      %dma_wait3A_442 = arith.constant 0 : i32
      %dma_wait3A_443 = tpu.memref_slice %arg9[%dma_wait3A_440, %dma_wait3A_441, %dma_wait3A_442] : memref<8x512x8xf32, #tpu.memory_space<vmem>> -> memref<1x128x8xf32, #tpu.memory_space<vmem>>
      %dma_wait3A_444 = tpu.memref_squeeze %dma_wait3A_443 : memref<1x128x8xf32, #tpu.memory_space<vmem>> -> memref<128x8xf32, #tpu.memory_space<vmem>>
      %dma_wait3A_445 = arith.constant 384 : i32
      %dma_wait3A_446 = tpu.memref_slice %arg6[%dma_wait3A_439, %dma_wait3A_445] : memref<8x512xi32, #tpu.memory_space<vmem>> -> memref<1x128xi32, #tpu.memory_space<vmem>>
      %dma_wait3A_447 = tpu.memref_squeeze %dma_wait3A_446 : memref<1x128xi32, #tpu.memory_space<vmem>> -> memref<128xi32, #tpu.memory_space<vmem>>
      %dma_wait3A_448 = arith.constant 0 : i32
      %dma_wait3A_449 = arith.constant 0 : i32
      %dma_wait3A_450 = tpu.memref_slice %arg3[%dma_wait3A_448, %dma_wait3A_449] : memref<8388608x8xf32, #tpu.memory_space<hbm>> -> memref<8388608x8xf32, #tpu.memory_space<hbm>>
      tpu.wait_indirect_dma semaphore(%arg11 : memref<!tpu.dma_semaphore, #tpu.memory_space<semaphore_mem>>) src(%dma_wait3A_450 : memref<8388608x8xf32, #tpu.memory_space<hbm>>) dst(%dma_wait3A_444 : memref<128x8xf32, #tpu.memory_space<vmem>>)
      %dma_wait3A_451 = arith.constant 1 : i32
      %dma_wait3A_452 = arith.constant 1 : i32
      %dma_wait3A_453 = arith.constant 0 : i32
      %dma_wait3A_454 = arith.constant 0 : i32
      %dma_wait3A_455 = tpu.memref_slice %arg9[%dma_wait3A_452, %dma_wait3A_453, %dma_wait3A_454] : memref<8x512x8xf32, #tpu.memory_space<vmem>> -> memref<1x128x8xf32, #tpu.memory_space<vmem>>
      %dma_wait3A_456 = tpu.memref_squeeze %dma_wait3A_455 : memref<1x128x8xf32, #tpu.memory_space<vmem>> -> memref<128x8xf32, #tpu.memory_space<vmem>>
      %dma_wait3A_457 = arith.constant 0 : i32
      %dma_wait3A_458 = tpu.memref_slice %arg6[%dma_wait3A_451, %dma_wait3A_457] : memref<8x512xi32, #tpu.memory_space<vmem>> -> memref<1x128xi32, #tpu.memory_space<vmem>>
      %dma_wait3A_459 = tpu.memref_squeeze %dma_wait3A_458 : memref<1x128xi32, #tpu.memory_space<vmem>> -> memref<128xi32, #tpu.memory_space<vmem>>
      %dma_wait3A_460 = arith.constant 0 : i32
      %dma_wait3A_461 = arith.constant 0 : i32
      %dma_wait3A_462 = tpu.memref_slice %arg3[%dma_wait3A_460, %dma_wait3A_461] : memref<8388608x8xf32, #tpu.memory_space<hbm>> -> memref<8388608x8xf32, #tpu.memory_space<hbm>>
      tpu.wait_indirect_dma semaphore(%arg11 : memref<!tpu.dma_semaphore, #tpu.memory_space<semaphore_mem>>) src(%dma_wait3A_462 : memref<8388608x8xf32, #tpu.memory_space<hbm>>) dst(%dma_wait3A_456 : memref<128x8xf32, #tpu.memory_space<vmem>>)
      %dma_wait3A_463 = arith.constant 1 : i32
      %dma_wait3A_464 = arith.constant 1 : i32
      %dma_wait3A_465 = arith.constant 128 : i32
      %dma_wait3A_466 = arith.constant 0 : i32
      %dma_wait3A_467 = tpu.memref_slice %arg9[%dma_wait3A_464, %dma_wait3A_465, %dma_wait3A_466] : memref<8x512x8xf32, #tpu.memory_space<vmem>> -> memref<1x128x8xf32, #tpu.memory_space<vmem>>
      %dma_wait3A_468 = tpu.memref_squeeze %dma_wait3A_467 : memref<1x128x8xf32, #tpu.memory_space<vmem>> -> memref<128x8xf32, #tpu.memory_space<vmem>>
      %dma_wait3A_469 = arith.constant 128 : i32
      %dma_wait3A_470 = tpu.memref_slice %arg6[%dma_wait3A_463, %dma_wait3A_469] : memref<8x512xi32, #tpu.memory_space<vmem>> -> memref<1x128xi32, #tpu.memory_space<vmem>>
      %dma_wait3A_471 = tpu.memref_squeeze %dma_wait3A_470 : memref<1x128xi32, #tpu.memory_space<vmem>> -> memref<128xi32, #tpu.memory_space<vmem>>
      %dma_wait3A_472 = arith.constant 0 : i32
      %dma_wait3A_473 = arith.constant 0 : i32
      %dma_wait3A_474 = tpu.memref_slice %arg3[%dma_wait3A_472, %dma_wait3A_473] : memref<8388608x8xf32, #tpu.memory_space<hbm>> -> memref<8388608x8xf32, #tpu.memory_space<hbm>>
      tpu.wait_indirect_dma semaphore(%arg11 : memref<!tpu.dma_semaphore, #tpu.memory_space<semaphore_mem>>) src(%dma_wait3A_474 : memref<8388608x8xf32, #tpu.memory_space<hbm>>) dst(%dma_wait3A_468 : memref<128x8xf32, #tpu.memory_space<vmem>>)
      %dma_wait3A_475 = arith.constant 1 : i32
      %dma_wait3A_476 = arith.constant 1 : i32
      %dma_wait3A_477 = arith.constant 256 : i32
      %dma_wait3A_478 = arith.constant 0 : i32
      %dma_wait3A_479 = tpu.memref_slice %arg9[%dma_wait3A_476, %dma_wait3A_477, %dma_wait3A_478] : memref<8x512x8xf32, #tpu.memory_space<vmem>> -> memref<1x128x8xf32, #tpu.memory_space<vmem>>
      %dma_wait3A_480 = tpu.memref_squeeze %dma_wait3A_479 : memref<1x128x8xf32, #tpu.memory_space<vmem>> -> memref<128x8xf32, #tpu.memory_space<vmem>>
      %dma_wait3A_481 = arith.constant 256 : i32
      %dma_wait3A_482 = tpu.memref_slice %arg6[%dma_wait3A_475, %dma_wait3A_481] : memref<8x512xi32, #tpu.memory_space<vmem>> -> memref<1x128xi32, #tpu.memory_space<vmem>>
      %dma_wait3A_483 = tpu.memref_squeeze %dma_wait3A_482 : memref<1x128xi32, #tpu.memory_space<vmem>> -> memref<128xi32, #tpu.memory_space<vmem>>
      %dma_wait3A_484 = arith.constant 0 : i32
      %dma_wait3A_485 = arith.constant 0 : i32
      %dma_wait3A_486 = tpu.memref_slice %arg3[%dma_wait3A_484, %dma_wait3A_485] : memref<8388608x8xf32, #tpu.memory_space<hbm>> -> memref<8388608x8xf32, #tpu.memory_space<hbm>>
      tpu.wait_indirect_dma semaphore(%arg11 : memref<!tpu.dma_semaphore, #tpu.memory_space<semaphore_mem>>) src(%dma_wait3A_486 : memref<8388608x8xf32, #tpu.memory_space<hbm>>) dst(%dma_wait3A_480 : memref<128x8xf32, #tpu.memory_space<vmem>>)
      %dma_wait3A_487 = arith.constant 1 : i32
      %dma_wait3A_488 = arith.constant 1 : i32
      %dma_wait3A_489 = arith.constant 384 : i32
      %dma_wait3A_490 = arith.constant 0 : i32
      %dma_wait3A_491 = tpu.memref_slice %arg9[%dma_wait3A_488, %dma_wait3A_489, %dma_wait3A_490] : memref<8x512x8xf32, #tpu.memory_space<vmem>> -> memref<1x128x8xf32, #tpu.memory_space<vmem>>
      %dma_wait3A_492 = tpu.memref_squeeze %dma_wait3A_491 : memref<1x128x8xf32, #tpu.memory_space<vmem>> -> memref<128x8xf32, #tpu.memory_space<vmem>>
      %dma_wait3A_493 = arith.constant 384 : i32
      %dma_wait3A_494 = tpu.memref_slice %arg6[%dma_wait3A_487, %dma_wait3A_493] : memref<8x512xi32, #tpu.memory_space<vmem>> -> memref<1x128xi32, #tpu.memory_space<vmem>>
      %dma_wait3A_495 = tpu.memref_squeeze %dma_wait3A_494 : memref<1x128xi32, #tpu.memory_space<vmem>> -> memref<128xi32, #tpu.memory_space<vmem>>
      %dma_wait3A_496 = arith.constant 0 : i32
      %dma_wait3A_497 = arith.constant 0 : i32
      %dma_wait3A_498 = tpu.memref_slice %arg3[%dma_wait3A_496, %dma_wait3A_497] : memref<8388608x8xf32, #tpu.memory_space<hbm>> -> memref<8388608x8xf32, #tpu.memory_space<hbm>>
      tpu.wait_indirect_dma semaphore(%arg11 : memref<!tpu.dma_semaphore, #tpu.memory_space<semaphore_mem>>) src(%dma_wait3A_498 : memref<8388608x8xf32, #tpu.memory_space<hbm>>) dst(%dma_wait3A_492 : memref<128x8xf32, #tpu.memory_space<vmem>>)
      %dma_wait3A_499 = arith.constant 2 : i32
      %dma_wait3A_500 = arith.constant 2 : i32
      %dma_wait3A_501 = arith.constant 0 : i32
      %dma_wait3A_502 = arith.constant 0 : i32
      %dma_wait3A_503 = tpu.memref_slice %arg9[%dma_wait3A_500, %dma_wait3A_501, %dma_wait3A_502] : memref<8x512x8xf32, #tpu.memory_space<vmem>> -> memref<1x128x8xf32, #tpu.memory_space<vmem>>
      %dma_wait3A_504 = tpu.memref_squeeze %dma_wait3A_503 : memref<1x128x8xf32, #tpu.memory_space<vmem>> -> memref<128x8xf32, #tpu.memory_space<vmem>>
      %dma_wait3A_505 = arith.constant 0 : i32
      %dma_wait3A_506 = tpu.memref_slice %arg6[%dma_wait3A_499, %dma_wait3A_505] : memref<8x512xi32, #tpu.memory_space<vmem>> -> memref<1x128xi32, #tpu.memory_space<vmem>>
      %dma_wait3A_507 = tpu.memref_squeeze %dma_wait3A_506 : memref<1x128xi32, #tpu.memory_space<vmem>> -> memref<128xi32, #tpu.memory_space<vmem>>
      %dma_wait3A_508 = arith.constant 0 : i32
      %dma_wait3A_509 = arith.constant 0 : i32
      %dma_wait3A_510 = tpu.memref_slice %arg3[%dma_wait3A_508, %dma_wait3A_509] : memref<8388608x8xf32, #tpu.memory_space<hbm>> -> memref<8388608x8xf32, #tpu.memory_space<hbm>>
      tpu.wait_indirect_dma semaphore(%arg11 : memref<!tpu.dma_semaphore, #tpu.memory_space<semaphore_mem>>) src(%dma_wait3A_510 : memref<8388608x8xf32, #tpu.memory_space<hbm>>) dst(%dma_wait3A_504 : memref<128x8xf32, #tpu.memory_space<vmem>>)
      %dma_wait3A_511 = arith.constant 2 : i32
      %dma_wait3A_512 = arith.constant 2 : i32
      %dma_wait3A_513 = arith.constant 128 : i32
      %dma_wait3A_514 = arith.constant 0 : i32
      %dma_wait3A_515 = tpu.memref_slice %arg9[%dma_wait3A_512, %dma_wait3A_513, %dma_wait3A_514] : memref<8x512x8xf32, #tpu.memory_space<vmem>> -> memref<1x128x8xf32, #tpu.memory_space<vmem>>
      %dma_wait3A_516 = tpu.memref_squeeze %dma_wait3A_515 : memref<1x128x8xf32, #tpu.memory_space<vmem>> -> memref<128x8xf32, #tpu.memory_space<vmem>>
      %dma_wait3A_517 = arith.constant 128 : i32
      %dma_wait3A_518 = tpu.memref_slice %arg6[%dma_wait3A_511, %dma_wait3A_517] : memref<8x512xi32, #tpu.memory_space<vmem>> -> memref<1x128xi32, #tpu.memory_space<vmem>>
      %dma_wait3A_519 = tpu.memref_squeeze %dma_wait3A_518 : memref<1x128xi32, #tpu.memory_space<vmem>> -> memref<128xi32, #tpu.memory_space<vmem>>
      %dma_wait3A_520 = arith.constant 0 : i32
      %dma_wait3A_521 = arith.constant 0 : i32
      %dma_wait3A_522 = tpu.memref_slice %arg3[%dma_wait3A_520, %dma_wait3A_521] : memref<8388608x8xf32, #tpu.memory_space<hbm>> -> memref<8388608x8xf32, #tpu.memory_space<hbm>>
      tpu.wait_indirect_dma semaphore(%arg11 : memref<!tpu.dma_semaphore, #tpu.memory_space<semaphore_mem>>) src(%dma_wait3A_522 : memref<8388608x8xf32, #tpu.memory_space<hbm>>) dst(%dma_wait3A_516 : memref<128x8xf32, #tpu.memory_space<vmem>>)
      %dma_wait3A_523 = arith.constant 2 : i32
      %dma_wait3A_524 = arith.constant 2 : i32
      %dma_wait3A_525 = arith.constant 256 : i32
      %dma_wait3A_526 = arith.constant 0 : i32
      %dma_wait3A_527 = tpu.memref_slice %arg9[%dma_wait3A_524, %dma_wait3A_525, %dma_wait3A_526] : memref<8x512x8xf32, #tpu.memory_space<vmem>> -> memref<1x128x8xf32, #tpu.memory_space<vmem>>
      %dma_wait3A_528 = tpu.memref_squeeze %dma_wait3A_527 : memref<1x128x8xf32, #tpu.memory_space<vmem>> -> memref<128x8xf32, #tpu.memory_space<vmem>>
      %dma_wait3A_529 = arith.constant 256 : i32
      %dma_wait3A_530 = tpu.memref_slice %arg6[%dma_wait3A_523, %dma_wait3A_529] : memref<8x512xi32, #tpu.memory_space<vmem>> -> memref<1x128xi32, #tpu.memory_space<vmem>>
      %dma_wait3A_531 = tpu.memref_squeeze %dma_wait3A_530 : memref<1x128xi32, #tpu.memory_space<vmem>> -> memref<128xi32, #tpu.memory_space<vmem>>
      %dma_wait3A_532 = arith.constant 0 : i32
      %dma_wait3A_533 = arith.constant 0 : i32
      %dma_wait3A_534 = tpu.memref_slice %arg3[%dma_wait3A_532, %dma_wait3A_533] : memref<8388608x8xf32, #tpu.memory_space<hbm>> -> memref<8388608x8xf32, #tpu.memory_space<hbm>>
      tpu.wait_indirect_dma semaphore(%arg11 : memref<!tpu.dma_semaphore, #tpu.memory_space<semaphore_mem>>) src(%dma_wait3A_534 : memref<8388608x8xf32, #tpu.memory_space<hbm>>) dst(%dma_wait3A_528 : memref<128x8xf32, #tpu.memory_space<vmem>>)
      %dma_wait3A_535 = arith.constant 2 : i32
      %dma_wait3A_536 = arith.constant 2 : i32
      %dma_wait3A_537 = arith.constant 384 : i32
      %dma_wait3A_538 = arith.constant 0 : i32
      %dma_wait3A_539 = tpu.memref_slice %arg9[%dma_wait3A_536, %dma_wait3A_537, %dma_wait3A_538] : memref<8x512x8xf32, #tpu.memory_space<vmem>> -> memref<1x128x8xf32, #tpu.memory_space<vmem>>
      %dma_wait3A_540 = tpu.memref_squeeze %dma_wait3A_539 : memref<1x128x8xf32, #tpu.memory_space<vmem>> -> memref<128x8xf32, #tpu.memory_space<vmem>>
      %dma_wait3A_541 = arith.constant 384 : i32
      %dma_wait3A_542 = tpu.memref_slice %arg6[%dma_wait3A_535, %dma_wait3A_541] : memref<8x512xi32, #tpu.memory_space<vmem>> -> memref<1x128xi32, #tpu.memory_space<vmem>>
      %dma_wait3A_543 = tpu.memref_squeeze %dma_wait3A_542 : memref<1x128xi32, #tpu.memory_space<vmem>> -> memref<128xi32, #tpu.memory_space<vmem>>
      %dma_wait3A_544 = arith.constant 0 : i32
      %dma_wait3A_545 = arith.constant 0 : i32
      %dma_wait3A_546 = tpu.memref_slice %arg3[%dma_wait3A_544, %dma_wait3A_545] : memref<8388608x8xf32, #tpu.memory_space<hbm>> -> memref<8388608x8xf32, #tpu.memory_space<hbm>>
      tpu.wait_indirect_dma semaphore(%arg11 : memref<!tpu.dma_semaphore, #tpu.memory_space<semaphore_mem>>) src(%dma_wait3A_546 : memref<8388608x8xf32, #tpu.memory_space<hbm>>) dst(%dma_wait3A_540 : memref<128x8xf32, #tpu.memory_space<vmem>>)
      %dma_wait3A_547 = arith.constant 3 : i32
      %dma_wait3A_548 = arith.constant 3 : i32
      %dma_wait3A_549 = arith.constant 0 : i32
      %dma_wait3A_550 = arith.constant 0 : i32
      %dma_wait3A_551 = tpu.memref_slice %arg9[%dma_wait3A_548, %dma_wait3A_549, %dma_wait3A_550] : memref<8x512x8xf32, #tpu.memory_space<vmem>> -> memref<1x128x8xf32, #tpu.memory_space<vmem>>
      %dma_wait3A_552 = tpu.memref_squeeze %dma_wait3A_551 : memref<1x128x8xf32, #tpu.memory_space<vmem>> -> memref<128x8xf32, #tpu.memory_space<vmem>>
      %dma_wait3A_553 = arith.constant 0 : i32
      %dma_wait3A_554 = tpu.memref_slice %arg6[%dma_wait3A_547, %dma_wait3A_553] : memref<8x512xi32, #tpu.memory_space<vmem>> -> memref<1x128xi32, #tpu.memory_space<vmem>>
      %dma_wait3A_555 = tpu.memref_squeeze %dma_wait3A_554 : memref<1x128xi32, #tpu.memory_space<vmem>> -> memref<128xi32, #tpu.memory_space<vmem>>
      %dma_wait3A_556 = arith.constant 0 : i32
      %dma_wait3A_557 = arith.constant 0 : i32
      %dma_wait3A_558 = tpu.memref_slice %arg3[%dma_wait3A_556, %dma_wait3A_557] : memref<8388608x8xf32, #tpu.memory_space<hbm>> -> memref<8388608x8xf32, #tpu.memory_space<hbm>>
      tpu.wait_indirect_dma semaphore(%arg11 : memref<!tpu.dma_semaphore, #tpu.memory_space<semaphore_mem>>) src(%dma_wait3A_558 : memref<8388608x8xf32, #tpu.memory_space<hbm>>) dst(%dma_wait3A_552 : memref<128x8xf32, #tpu.memory_space<vmem>>)
      %dma_wait3A_559 = arith.constant 3 : i32
      %dma_wait3A_560 = arith.constant 3 : i32
      %dma_wait3A_561 = arith.constant 128 : i32
      %dma_wait3A_562 = arith.constant 0 : i32
      %dma_wait3A_563 = tpu.memref_slice %arg9[%dma_wait3A_560, %dma_wait3A_561, %dma_wait3A_562] : memref<8x512x8xf32, #tpu.memory_space<vmem>> -> memref<1x128x8xf32, #tpu.memory_space<vmem>>
      %dma_wait3A_564 = tpu.memref_squeeze %dma_wait3A_563 : memref<1x128x8xf32, #tpu.memory_space<vmem>> -> memref<128x8xf32, #tpu.memory_space<vmem>>
      %dma_wait3A_565 = arith.constant 128 : i32
      %dma_wait3A_566 = tpu.memref_slice %arg6[%dma_wait3A_559, %dma_wait3A_565] : memref<8x512xi32, #tpu.memory_space<vmem>> -> memref<1x128xi32, #tpu.memory_space<vmem>>
      %dma_wait3A_567 = tpu.memref_squeeze %dma_wait3A_566 : memref<1x128xi32, #tpu.memory_space<vmem>> -> memref<128xi32, #tpu.memory_space<vmem>>
      %dma_wait3A_568 = arith.constant 0 : i32
      %dma_wait3A_569 = arith.constant 0 : i32
      %dma_wait3A_570 = tpu.memref_slice %arg3[%dma_wait3A_568, %dma_wait3A_569] : memref<8388608x8xf32, #tpu.memory_space<hbm>> -> memref<8388608x8xf32, #tpu.memory_space<hbm>>
      tpu.wait_indirect_dma semaphore(%arg11 : memref<!tpu.dma_semaphore, #tpu.memory_space<semaphore_mem>>) src(%dma_wait3A_570 : memref<8388608x8xf32, #tpu.memory_space<hbm>>) dst(%dma_wait3A_564 : memref<128x8xf32, #tpu.memory_space<vmem>>)
      %dma_wait3A_571 = arith.constant 3 : i32
      %dma_wait3A_572 = arith.constant 3 : i32
      %dma_wait3A_573 = arith.constant 256 : i32
      %dma_wait3A_574 = arith.constant 0 : i32
      %dma_wait3A_575 = tpu.memref_slice %arg9[%dma_wait3A_572, %dma_wait3A_573, %dma_wait3A_574] : memref<8x512x8xf32, #tpu.memory_space<vmem>> -> memref<1x128x8xf32, #tpu.memory_space<vmem>>
      %dma_wait3A_576 = tpu.memref_squeeze %dma_wait3A_575 : memref<1x128x8xf32, #tpu.memory_space<vmem>> -> memref<128x8xf32, #tpu.memory_space<vmem>>
      %dma_wait3A_577 = arith.constant 256 : i32
      %dma_wait3A_578 = tpu.memref_slice %arg6[%dma_wait3A_571, %dma_wait3A_577] : memref<8x512xi32, #tpu.memory_space<vmem>> -> memref<1x128xi32, #tpu.memory_space<vmem>>
      %dma_wait3A_579 = tpu.memref_squeeze %dma_wait3A_578 : memref<1x128xi32, #tpu.memory_space<vmem>> -> memref<128xi32, #tpu.memory_space<vmem>>
      %dma_wait3A_580 = arith.constant 0 : i32
      %dma_wait3A_581 = arith.constant 0 : i32
      %dma_wait3A_582 = tpu.memref_slice %arg3[%dma_wait3A_580, %dma_wait3A_581] : memref<8388608x8xf32, #tpu.memory_space<hbm>> -> memref<8388608x8xf32, #tpu.memory_space<hbm>>
      tpu.wait_indirect_dma semaphore(%arg11 : memref<!tpu.dma_semaphore, #tpu.memory_space<semaphore_mem>>) src(%dma_wait3A_582 : memref<8388608x8xf32, #tpu.memory_space<hbm>>) dst(%dma_wait3A_576 : memref<128x8xf32, #tpu.memory_space<vmem>>)
      %dma_wait3A_583 = arith.constant 3 : i32
      %dma_wait3A_584 = arith.constant 3 : i32
      %dma_wait3A_585 = arith.constant 384 : i32
      %dma_wait3A_586 = arith.constant 0 : i32
      %dma_wait3A_587 = tpu.memref_slice %arg9[%dma_wait3A_584, %dma_wait3A_585, %dma_wait3A_586] : memref<8x512x8xf32, #tpu.memory_space<vmem>> -> memref<1x128x8xf32, #tpu.memory_space<vmem>>
      %dma_wait3A_588 = tpu.memref_squeeze %dma_wait3A_587 : memref<1x128x8xf32, #tpu.memory_space<vmem>> -> memref<128x8xf32, #tpu.memory_space<vmem>>
      %dma_wait3A_589 = arith.constant 384 : i32
      %dma_wait3A_590 = tpu.memref_slice %arg6[%dma_wait3A_583, %dma_wait3A_589] : memref<8x512xi32, #tpu.memory_space<vmem>> -> memref<1x128xi32, #tpu.memory_space<vmem>>
      %dma_wait3A_591 = tpu.memref_squeeze %dma_wait3A_590 : memref<1x128xi32, #tpu.memory_space<vmem>> -> memref<128xi32, #tpu.memory_space<vmem>>
      %dma_wait3A_592 = arith.constant 0 : i32
      %dma_wait3A_593 = arith.constant 0 : i32
      %dma_wait3A_594 = tpu.memref_slice %arg3[%dma_wait3A_592, %dma_wait3A_593] : memref<8388608x8xf32, #tpu.memory_space<hbm>> -> memref<8388608x8xf32, #tpu.memory_space<hbm>>
      tpu.wait_indirect_dma semaphore(%arg11 : memref<!tpu.dma_semaphore, #tpu.memory_space<semaphore_mem>>) src(%dma_wait3A_594 : memref<8388608x8xf32, #tpu.memory_space<hbm>>) dst(%dma_wait3A_588 : memref<128x8xf32, #tpu.memory_space<vmem>>)
      %dma_wait3A_595 = arith.constant 4 : i32
      %dma_wait3A_596 = arith.constant 4 : i32
      %dma_wait3A_597 = arith.constant 0 : i32
      %dma_wait3A_598 = arith.constant 0 : i32
      %dma_wait3A_599 = tpu.memref_slice %arg9[%dma_wait3A_596, %dma_wait3A_597, %dma_wait3A_598] : memref<8x512x8xf32, #tpu.memory_space<vmem>> -> memref<1x128x8xf32, #tpu.memory_space<vmem>>
      %dma_wait3A_600 = tpu.memref_squeeze %dma_wait3A_599 : memref<1x128x8xf32, #tpu.memory_space<vmem>> -> memref<128x8xf32, #tpu.memory_space<vmem>>
      %dma_wait3A_601 = arith.constant 0 : i32
      %dma_wait3A_602 = tpu.memref_slice %arg6[%dma_wait3A_595, %dma_wait3A_601] : memref<8x512xi32, #tpu.memory_space<vmem>> -> memref<1x128xi32, #tpu.memory_space<vmem>>
      %dma_wait3A_603 = tpu.memref_squeeze %dma_wait3A_602 : memref<1x128xi32, #tpu.memory_space<vmem>> -> memref<128xi32, #tpu.memory_space<vmem>>
      %dma_wait3A_604 = arith.constant 0 : i32
      %dma_wait3A_605 = arith.constant 0 : i32
      %dma_wait3A_606 = tpu.memref_slice %arg3[%dma_wait3A_604, %dma_wait3A_605] : memref<8388608x8xf32, #tpu.memory_space<hbm>> -> memref<8388608x8xf32, #tpu.memory_space<hbm>>
      tpu.wait_indirect_dma semaphore(%arg11 : memref<!tpu.dma_semaphore, #tpu.memory_space<semaphore_mem>>) src(%dma_wait3A_606 : memref<8388608x8xf32, #tpu.memory_space<hbm>>) dst(%dma_wait3A_600 : memref<128x8xf32, #tpu.memory_space<vmem>>)
      %dma_wait3A_607 = arith.constant 4 : i32
      %dma_wait3A_608 = arith.constant 4 : i32
      %dma_wait3A_609 = arith.constant 128 : i32
      %dma_wait3A_610 = arith.constant 0 : i32
      %dma_wait3A_611 = tpu.memref_slice %arg9[%dma_wait3A_608, %dma_wait3A_609, %dma_wait3A_610] : memref<8x512x8xf32, #tpu.memory_space<vmem>> -> memref<1x128x8xf32, #tpu.memory_space<vmem>>
      %dma_wait3A_612 = tpu.memref_squeeze %dma_wait3A_611 : memref<1x128x8xf32, #tpu.memory_space<vmem>> -> memref<128x8xf32, #tpu.memory_space<vmem>>
      %dma_wait3A_613 = arith.constant 128 : i32
      %dma_wait3A_614 = tpu.memref_slice %arg6[%dma_wait3A_607, %dma_wait3A_613] : memref<8x512xi32, #tpu.memory_space<vmem>> -> memref<1x128xi32, #tpu.memory_space<vmem>>
      %dma_wait3A_615 = tpu.memref_squeeze %dma_wait3A_614 : memref<1x128xi32, #tpu.memory_space<vmem>> -> memref<128xi32, #tpu.memory_space<vmem>>
      %dma_wait3A_616 = arith.constant 0 : i32
      %dma_wait3A_617 = arith.constant 0 : i32
      %dma_wait3A_618 = tpu.memref_slice %arg3[%dma_wait3A_616, %dma_wait3A_617] : memref<8388608x8xf32, #tpu.memory_space<hbm>> -> memref<8388608x8xf32, #tpu.memory_space<hbm>>
      tpu.wait_indirect_dma semaphore(%arg11 : memref<!tpu.dma_semaphore, #tpu.memory_space<semaphore_mem>>) src(%dma_wait3A_618 : memref<8388608x8xf32, #tpu.memory_space<hbm>>) dst(%dma_wait3A_612 : memref<128x8xf32, #tpu.memory_space<vmem>>)
      %dma_wait3A_619 = arith.constant 4 : i32
      %dma_wait3A_620 = arith.constant 4 : i32
      %dma_wait3A_621 = arith.constant 256 : i32
      %dma_wait3A_622 = arith.constant 0 : i32
      %dma_wait3A_623 = tpu.memref_slice %arg9[%dma_wait3A_620, %dma_wait3A_621, %dma_wait3A_622] : memref<8x512x8xf32, #tpu.memory_space<vmem>> -> memref<1x128x8xf32, #tpu.memory_space<vmem>>
      %dma_wait3A_624 = tpu.memref_squeeze %dma_wait3A_623 : memref<1x128x8xf32, #tpu.memory_space<vmem>> -> memref<128x8xf32, #tpu.memory_space<vmem>>
      %dma_wait3A_625 = arith.constant 256 : i32
      %dma_wait3A_626 = tpu.memref_slice %arg6[%dma_wait3A_619, %dma_wait3A_625] : memref<8x512xi32, #tpu.memory_space<vmem>> -> memref<1x128xi32, #tpu.memory_space<vmem>>
      %dma_wait3A_627 = tpu.memref_squeeze %dma_wait3A_626 : memref<1x128xi32, #tpu.memory_space<vmem>> -> memref<128xi32, #tpu.memory_space<vmem>>
      %dma_wait3A_628 = arith.constant 0 : i32
      %dma_wait3A_629 = arith.constant 0 : i32
      %dma_wait3A_630 = tpu.memref_slice %arg3[%dma_wait3A_628, %dma_wait3A_629] : memref<8388608x8xf32, #tpu.memory_space<hbm>> -> memref<8388608x8xf32, #tpu.memory_space<hbm>>
      tpu.wait_indirect_dma semaphore(%arg11 : memref<!tpu.dma_semaphore, #tpu.memory_space<semaphore_mem>>) src(%dma_wait3A_630 : memref<8388608x8xf32, #tpu.memory_space<hbm>>) dst(%dma_wait3A_624 : memref<128x8xf32, #tpu.memory_space<vmem>>)
      %dma_wait3A_631 = arith.constant 4 : i32
      %dma_wait3A_632 = arith.constant 4 : i32
      %dma_wait3A_633 = arith.constant 384 : i32
      %dma_wait3A_634 = arith.constant 0 : i32
      %dma_wait3A_635 = tpu.memref_slice %arg9[%dma_wait3A_632, %dma_wait3A_633, %dma_wait3A_634] : memref<8x512x8xf32, #tpu.memory_space<vmem>> -> memref<1x128x8xf32, #tpu.memory_space<vmem>>
      %dma_wait3A_636 = tpu.memref_squeeze %dma_wait3A_635 : memref<1x128x8xf32, #tpu.memory_space<vmem>> -> memref<128x8xf32, #tpu.memory_space<vmem>>
      %dma_wait3A_637 = arith.constant 384 : i32
      %dma_wait3A_638 = tpu.memref_slice %arg6[%dma_wait3A_631, %dma_wait3A_637] : memref<8x512xi32, #tpu.memory_space<vmem>> -> memref<1x128xi32, #tpu.memory_space<vmem>>
      %dma_wait3A_639 = tpu.memref_squeeze %dma_wait3A_638 : memref<1x128xi32, #tpu.memory_space<vmem>> -> memref<128xi32, #tpu.memory_space<vmem>>
      %dma_wait3A_640 = arith.constant 0 : i32
      %dma_wait3A_641 = arith.constant 0 : i32
      %dma_wait3A_642 = tpu.memref_slice %arg3[%dma_wait3A_640, %dma_wait3A_641] : memref<8388608x8xf32, #tpu.memory_space<hbm>> -> memref<8388608x8xf32, #tpu.memory_space<hbm>>
      tpu.wait_indirect_dma semaphore(%arg11 : memref<!tpu.dma_semaphore, #tpu.memory_space<semaphore_mem>>) src(%dma_wait3A_642 : memref<8388608x8xf32, #tpu.memory_space<hbm>>) dst(%dma_wait3A_636 : memref<128x8xf32, #tpu.memory_space<vmem>>)
      %dma_wait3A_643 = arith.constant 5 : i32
      %dma_wait3A_644 = arith.constant 5 : i32
      %dma_wait3A_645 = arith.constant 0 : i32
      %dma_wait3A_646 = arith.constant 0 : i32
      %dma_wait3A_647 = tpu.memref_slice %arg9[%dma_wait3A_644, %dma_wait3A_645, %dma_wait3A_646] : memref<8x512x8xf32, #tpu.memory_space<vmem>> -> memref<1x128x8xf32, #tpu.memory_space<vmem>>
      %dma_wait3A_648 = tpu.memref_squeeze %dma_wait3A_647 : memref<1x128x8xf32, #tpu.memory_space<vmem>> -> memref<128x8xf32, #tpu.memory_space<vmem>>
      %dma_wait3A_649 = arith.constant 0 : i32
      %dma_wait3A_650 = tpu.memref_slice %arg6[%dma_wait3A_643, %dma_wait3A_649] : memref<8x512xi32, #tpu.memory_space<vmem>> -> memref<1x128xi32, #tpu.memory_space<vmem>>
      %dma_wait3A_651 = tpu.memref_squeeze %dma_wait3A_650 : memref<1x128xi32, #tpu.memory_space<vmem>> -> memref<128xi32, #tpu.memory_space<vmem>>
      %dma_wait3A_652 = arith.constant 0 : i32
      %dma_wait3A_653 = arith.constant 0 : i32
      %dma_wait3A_654 = tpu.memref_slice %arg3[%dma_wait3A_652, %dma_wait3A_653] : memref<8388608x8xf32, #tpu.memory_space<hbm>> -> memref<8388608x8xf32, #tpu.memory_space<hbm>>
      tpu.wait_indirect_dma semaphore(%arg11 : memref<!tpu.dma_semaphore, #tpu.memory_space<semaphore_mem>>) src(%dma_wait3A_654 : memref<8388608x8xf32, #tpu.memory_space<hbm>>) dst(%dma_wait3A_648 : memref<128x8xf32, #tpu.memory_space<vmem>>)
      %dma_wait3A_655 = arith.constant 5 : i32
      %dma_wait3A_656 = arith.constant 5 : i32
      %dma_wait3A_657 = arith.constant 128 : i32
      %dma_wait3A_658 = arith.constant 0 : i32
      %dma_wait3A_659 = tpu.memref_slice %arg9[%dma_wait3A_656, %dma_wait3A_657, %dma_wait3A_658] : memref<8x512x8xf32, #tpu.memory_space<vmem>> -> memref<1x128x8xf32, #tpu.memory_space<vmem>>
      %dma_wait3A_660 = tpu.memref_squeeze %dma_wait3A_659 : memref<1x128x8xf32, #tpu.memory_space<vmem>> -> memref<128x8xf32, #tpu.memory_space<vmem>>
      %dma_wait3A_661 = arith.constant 128 : i32
      %dma_wait3A_662 = tpu.memref_slice %arg6[%dma_wait3A_655, %dma_wait3A_661] : memref<8x512xi32, #tpu.memory_space<vmem>> -> memref<1x128xi32, #tpu.memory_space<vmem>>
      %dma_wait3A_663 = tpu.memref_squeeze %dma_wait3A_662 : memref<1x128xi32, #tpu.memory_space<vmem>> -> memref<128xi32, #tpu.memory_space<vmem>>
      %dma_wait3A_664 = arith.constant 0 : i32
      %dma_wait3A_665 = arith.constant 0 : i32
      %dma_wait3A_666 = tpu.memref_slice %arg3[%dma_wait3A_664, %dma_wait3A_665] : memref<8388608x8xf32, #tpu.memory_space<hbm>> -> memref<8388608x8xf32, #tpu.memory_space<hbm>>
      tpu.wait_indirect_dma semaphore(%arg11 : memref<!tpu.dma_semaphore, #tpu.memory_space<semaphore_mem>>) src(%dma_wait3A_666 : memref<8388608x8xf32, #tpu.memory_space<hbm>>) dst(%dma_wait3A_660 : memref<128x8xf32, #tpu.memory_space<vmem>>)
      %dma_wait3A_667 = arith.constant 5 : i32
      %dma_wait3A_668 = arith.constant 5 : i32
      %dma_wait3A_669 = arith.constant 256 : i32
      %dma_wait3A_670 = arith.constant 0 : i32
      %dma_wait3A_671 = tpu.memref_slice %arg9[%dma_wait3A_668, %dma_wait3A_669, %dma_wait3A_670] : memref<8x512x8xf32, #tpu.memory_space<vmem>> -> memref<1x128x8xf32, #tpu.memory_space<vmem>>
      %dma_wait3A_672 = tpu.memref_squeeze %dma_wait3A_671 : memref<1x128x8xf32, #tpu.memory_space<vmem>> -> memref<128x8xf32, #tpu.memory_space<vmem>>
      %dma_wait3A_673 = arith.constant 256 : i32
      %dma_wait3A_674 = tpu.memref_slice %arg6[%dma_wait3A_667, %dma_wait3A_673] : memref<8x512xi32, #tpu.memory_space<vmem>> -> memref<1x128xi32, #tpu.memory_space<vmem>>
      %dma_wait3A_675 = tpu.memref_squeeze %dma_wait3A_674 : memref<1x128xi32, #tpu.memory_space<vmem>> -> memref<128xi32, #tpu.memory_space<vmem>>
      %dma_wait3A_676 = arith.constant 0 : i32
      %dma_wait3A_677 = arith.constant 0 : i32
      %dma_wait3A_678 = tpu.memref_slice %arg3[%dma_wait3A_676, %dma_wait3A_677] : memref<8388608x8xf32, #tpu.memory_space<hbm>> -> memref<8388608x8xf32, #tpu.memory_space<hbm>>
      tpu.wait_indirect_dma semaphore(%arg11 : memref<!tpu.dma_semaphore, #tpu.memory_space<semaphore_mem>>) src(%dma_wait3A_678 : memref<8388608x8xf32, #tpu.memory_space<hbm>>) dst(%dma_wait3A_672 : memref<128x8xf32, #tpu.memory_space<vmem>>)
      %dma_wait3A_679 = arith.constant 5 : i32
      %dma_wait3A_680 = arith.constant 5 : i32
      %dma_wait3A_681 = arith.constant 384 : i32
      %dma_wait3A_682 = arith.constant 0 : i32
      %dma_wait3A_683 = tpu.memref_slice %arg9[%dma_wait3A_680, %dma_wait3A_681, %dma_wait3A_682] : memref<8x512x8xf32, #tpu.memory_space<vmem>> -> memref<1x128x8xf32, #tpu.memory_space<vmem>>
      %dma_wait3A_684 = tpu.memref_squeeze %dma_wait3A_683 : memref<1x128x8xf32, #tpu.memory_space<vmem>> -> memref<128x8xf32, #tpu.memory_space<vmem>>
      %dma_wait3A_685 = arith.constant 384 : i32
      %dma_wait3A_686 = tpu.memref_slice %arg6[%dma_wait3A_679, %dma_wait3A_685] : memref<8x512xi32, #tpu.memory_space<vmem>> -> memref<1x128xi32, #tpu.memory_space<vmem>>
      %dma_wait3A_687 = tpu.memref_squeeze %dma_wait3A_686 : memref<1x128xi32, #tpu.memory_space<vmem>> -> memref<128xi32, #tpu.memory_space<vmem>>
      %dma_wait3A_688 = arith.constant 0 : i32
      %dma_wait3A_689 = arith.constant 0 : i32
      %dma_wait3A_690 = tpu.memref_slice %arg3[%dma_wait3A_688, %dma_wait3A_689] : memref<8388608x8xf32, #tpu.memory_space<hbm>> -> memref<8388608x8xf32, #tpu.memory_space<hbm>>
      tpu.wait_indirect_dma semaphore(%arg11 : memref<!tpu.dma_semaphore, #tpu.memory_space<semaphore_mem>>) src(%dma_wait3A_690 : memref<8388608x8xf32, #tpu.memory_space<hbm>>) dst(%dma_wait3A_684 : memref<128x8xf32, #tpu.memory_space<vmem>>)
      %dma_wait3A_691 = arith.constant 6 : i32
      %dma_wait3A_692 = arith.constant 6 : i32
      %dma_wait3A_693 = arith.constant 0 : i32
      %dma_wait3A_694 = arith.constant 0 : i32
      %dma_wait3A_695 = tpu.memref_slice %arg9[%dma_wait3A_692, %dma_wait3A_693, %dma_wait3A_694] : memref<8x512x8xf32, #tpu.memory_space<vmem>> -> memref<1x128x8xf32, #tpu.memory_space<vmem>>
      %dma_wait3A_696 = tpu.memref_squeeze %dma_wait3A_695 : memref<1x128x8xf32, #tpu.memory_space<vmem>> -> memref<128x8xf32, #tpu.memory_space<vmem>>
      %dma_wait3A_697 = arith.constant 0 : i32
      %dma_wait3A_698 = tpu.memref_slice %arg6[%dma_wait3A_691, %dma_wait3A_697] : memref<8x512xi32, #tpu.memory_space<vmem>> -> memref<1x128xi32, #tpu.memory_space<vmem>>
      %dma_wait3A_699 = tpu.memref_squeeze %dma_wait3A_698 : memref<1x128xi32, #tpu.memory_space<vmem>> -> memref<128xi32, #tpu.memory_space<vmem>>
      %dma_wait3A_700 = arith.constant 0 : i32
      %dma_wait3A_701 = arith.constant 0 : i32
      %dma_wait3A_702 = tpu.memref_slice %arg3[%dma_wait3A_700, %dma_wait3A_701] : memref<8388608x8xf32, #tpu.memory_space<hbm>> -> memref<8388608x8xf32, #tpu.memory_space<hbm>>
      tpu.wait_indirect_dma semaphore(%arg11 : memref<!tpu.dma_semaphore, #tpu.memory_space<semaphore_mem>>) src(%dma_wait3A_702 : memref<8388608x8xf32, #tpu.memory_space<hbm>>) dst(%dma_wait3A_696 : memref<128x8xf32, #tpu.memory_space<vmem>>)
      %dma_wait3A_703 = arith.constant 6 : i32
      %dma_wait3A_704 = arith.constant 6 : i32
      %dma_wait3A_705 = arith.constant 128 : i32
      %dma_wait3A_706 = arith.constant 0 : i32
      %dma_wait3A_707 = tpu.memref_slice %arg9[%dma_wait3A_704, %dma_wait3A_705, %dma_wait3A_706] : memref<8x512x8xf32, #tpu.memory_space<vmem>> -> memref<1x128x8xf32, #tpu.memory_space<vmem>>
      %dma_wait3A_708 = tpu.memref_squeeze %dma_wait3A_707 : memref<1x128x8xf32, #tpu.memory_space<vmem>> -> memref<128x8xf32, #tpu.memory_space<vmem>>
      %dma_wait3A_709 = arith.constant 128 : i32
      %dma_wait3A_710 = tpu.memref_slice %arg6[%dma_wait3A_703, %dma_wait3A_709] : memref<8x512xi32, #tpu.memory_space<vmem>> -> memref<1x128xi32, #tpu.memory_space<vmem>>
      %dma_wait3A_711 = tpu.memref_squeeze %dma_wait3A_710 : memref<1x128xi32, #tpu.memory_space<vmem>> -> memref<128xi32, #tpu.memory_space<vmem>>
      %dma_wait3A_712 = arith.constant 0 : i32
      %dma_wait3A_713 = arith.constant 0 : i32
      %dma_wait3A_714 = tpu.memref_slice %arg3[%dma_wait3A_712, %dma_wait3A_713] : memref<8388608x8xf32, #tpu.memory_space<hbm>> -> memref<8388608x8xf32, #tpu.memory_space<hbm>>
      tpu.wait_indirect_dma semaphore(%arg11 : memref<!tpu.dma_semaphore, #tpu.memory_space<semaphore_mem>>) src(%dma_wait3A_714 : memref<8388608x8xf32, #tpu.memory_space<hbm>>) dst(%dma_wait3A_708 : memref<128x8xf32, #tpu.memory_space<vmem>>)
      %dma_wait3A_715 = arith.constant 6 : i32
      %dma_wait3A_716 = arith.constant 6 : i32
      %dma_wait3A_717 = arith.constant 256 : i32
      %dma_wait3A_718 = arith.constant 0 : i32
      %dma_wait3A_719 = tpu.memref_slice %arg9[%dma_wait3A_716, %dma_wait3A_717, %dma_wait3A_718] : memref<8x512x8xf32, #tpu.memory_space<vmem>> -> memref<1x128x8xf32, #tpu.memory_space<vmem>>
      %dma_wait3A_720 = tpu.memref_squeeze %dma_wait3A_719 : memref<1x128x8xf32, #tpu.memory_space<vmem>> -> memref<128x8xf32, #tpu.memory_space<vmem>>
      %dma_wait3A_721 = arith.constant 256 : i32
      %dma_wait3A_722 = tpu.memref_slice %arg6[%dma_wait3A_715, %dma_wait3A_721] : memref<8x512xi32, #tpu.memory_space<vmem>> -> memref<1x128xi32, #tpu.memory_space<vmem>>
      %dma_wait3A_723 = tpu.memref_squeeze %dma_wait3A_722 : memref<1x128xi32, #tpu.memory_space<vmem>> -> memref<128xi32, #tpu.memory_space<vmem>>
      %dma_wait3A_724 = arith.constant 0 : i32
      %dma_wait3A_725 = arith.constant 0 : i32
      %dma_wait3A_726 = tpu.memref_slice %arg3[%dma_wait3A_724, %dma_wait3A_725] : memref<8388608x8xf32, #tpu.memory_space<hbm>> -> memref<8388608x8xf32, #tpu.memory_space<hbm>>
      tpu.wait_indirect_dma semaphore(%arg11 : memref<!tpu.dma_semaphore, #tpu.memory_space<semaphore_mem>>) src(%dma_wait3A_726 : memref<8388608x8xf32, #tpu.memory_space<hbm>>) dst(%dma_wait3A_720 : memref<128x8xf32, #tpu.memory_space<vmem>>)
      %dma_wait3A_727 = arith.constant 6 : i32
      %dma_wait3A_728 = arith.constant 6 : i32
      %dma_wait3A_729 = arith.constant 384 : i32
      %dma_wait3A_730 = arith.constant 0 : i32
      %dma_wait3A_731 = tpu.memref_slice %arg9[%dma_wait3A_728, %dma_wait3A_729, %dma_wait3A_730] : memref<8x512x8xf32, #tpu.memory_space<vmem>> -> memref<1x128x8xf32, #tpu.memory_space<vmem>>
      %dma_wait3A_732 = tpu.memref_squeeze %dma_wait3A_731 : memref<1x128x8xf32, #tpu.memory_space<vmem>> -> memref<128x8xf32, #tpu.memory_space<vmem>>
      %dma_wait3A_733 = arith.constant 384 : i32
      %dma_wait3A_734 = tpu.memref_slice %arg6[%dma_wait3A_727, %dma_wait3A_733] : memref<8x512xi32, #tpu.memory_space<vmem>> -> memref<1x128xi32, #tpu.memory_space<vmem>>
      %dma_wait3A_735 = tpu.memref_squeeze %dma_wait3A_734 : memref<1x128xi32, #tpu.memory_space<vmem>> -> memref<128xi32, #tpu.memory_space<vmem>>
      %dma_wait3A_736 = arith.constant 0 : i32
      %dma_wait3A_737 = arith.constant 0 : i32
      %dma_wait3A_738 = tpu.memref_slice %arg3[%dma_wait3A_736, %dma_wait3A_737] : memref<8388608x8xf32, #tpu.memory_space<hbm>> -> memref<8388608x8xf32, #tpu.memory_space<hbm>>
      tpu.wait_indirect_dma semaphore(%arg11 : memref<!tpu.dma_semaphore, #tpu.memory_space<semaphore_mem>>) src(%dma_wait3A_738 : memref<8388608x8xf32, #tpu.memory_space<hbm>>) dst(%dma_wait3A_732 : memref<128x8xf32, #tpu.memory_space<vmem>>)
      %dma_wait3A_739 = arith.constant 7 : i32
      %dma_wait3A_740 = arith.constant 7 : i32
      %dma_wait3A_741 = arith.constant 0 : i32
      %dma_wait3A_742 = arith.constant 0 : i32
      %dma_wait3A_743 = tpu.memref_slice %arg9[%dma_wait3A_740, %dma_wait3A_741, %dma_wait3A_742] : memref<8x512x8xf32, #tpu.memory_space<vmem>> -> memref<1x128x8xf32, #tpu.memory_space<vmem>>
      %dma_wait3A_744 = tpu.memref_squeeze %dma_wait3A_743 : memref<1x128x8xf32, #tpu.memory_space<vmem>> -> memref<128x8xf32, #tpu.memory_space<vmem>>
      %dma_wait3A_745 = arith.constant 0 : i32
      %dma_wait3A_746 = tpu.memref_slice %arg6[%dma_wait3A_739, %dma_wait3A_745] : memref<8x512xi32, #tpu.memory_space<vmem>> -> memref<1x128xi32, #tpu.memory_space<vmem>>
      %dma_wait3A_747 = tpu.memref_squeeze %dma_wait3A_746 : memref<1x128xi32, #tpu.memory_space<vmem>> -> memref<128xi32, #tpu.memory_space<vmem>>
      %dma_wait3A_748 = arith.constant 0 : i32
      %dma_wait3A_749 = arith.constant 0 : i32
      %dma_wait3A_750 = tpu.memref_slice %arg3[%dma_wait3A_748, %dma_wait3A_749] : memref<8388608x8xf32, #tpu.memory_space<hbm>> -> memref<8388608x8xf32, #tpu.memory_space<hbm>>
      tpu.wait_indirect_dma semaphore(%arg11 : memref<!tpu.dma_semaphore, #tpu.memory_space<semaphore_mem>>) src(%dma_wait3A_750 : memref<8388608x8xf32, #tpu.memory_space<hbm>>) dst(%dma_wait3A_744 : memref<128x8xf32, #tpu.memory_space<vmem>>)
      %dma_wait3A_751 = arith.constant 7 : i32
      %dma_wait3A_752 = arith.constant 7 : i32
      %dma_wait3A_753 = arith.constant 128 : i32
      %dma_wait3A_754 = arith.constant 0 : i32
      %dma_wait3A_755 = tpu.memref_slice %arg9[%dma_wait3A_752, %dma_wait3A_753, %dma_wait3A_754] : memref<8x512x8xf32, #tpu.memory_space<vmem>> -> memref<1x128x8xf32, #tpu.memory_space<vmem>>
      %dma_wait3A_756 = tpu.memref_squeeze %dma_wait3A_755 : memref<1x128x8xf32, #tpu.memory_space<vmem>> -> memref<128x8xf32, #tpu.memory_space<vmem>>
      %dma_wait3A_757 = arith.constant 128 : i32
      %dma_wait3A_758 = tpu.memref_slice %arg6[%dma_wait3A_751, %dma_wait3A_757] : memref<8x512xi32, #tpu.memory_space<vmem>> -> memref<1x128xi32, #tpu.memory_space<vmem>>
      %dma_wait3A_759 = tpu.memref_squeeze %dma_wait3A_758 : memref<1x128xi32, #tpu.memory_space<vmem>> -> memref<128xi32, #tpu.memory_space<vmem>>
      %dma_wait3A_760 = arith.constant 0 : i32
      %dma_wait3A_761 = arith.constant 0 : i32
      %dma_wait3A_762 = tpu.memref_slice %arg3[%dma_wait3A_760, %dma_wait3A_761] : memref<8388608x8xf32, #tpu.memory_space<hbm>> -> memref<8388608x8xf32, #tpu.memory_space<hbm>>
      tpu.wait_indirect_dma semaphore(%arg11 : memref<!tpu.dma_semaphore, #tpu.memory_space<semaphore_mem>>) src(%dma_wait3A_762 : memref<8388608x8xf32, #tpu.memory_space<hbm>>) dst(%dma_wait3A_756 : memref<128x8xf32, #tpu.memory_space<vmem>>)
      %dma_wait3A_763 = arith.constant 7 : i32
      %dma_wait3A_764 = arith.constant 7 : i32
      %dma_wait3A_765 = arith.constant 256 : i32
      %dma_wait3A_766 = arith.constant 0 : i32
      %dma_wait3A_767 = tpu.memref_slice %arg9[%dma_wait3A_764, %dma_wait3A_765, %dma_wait3A_766] : memref<8x512x8xf32, #tpu.memory_space<vmem>> -> memref<1x128x8xf32, #tpu.memory_space<vmem>>
      %dma_wait3A_768 = tpu.memref_squeeze %dma_wait3A_767 : memref<1x128x8xf32, #tpu.memory_space<vmem>> -> memref<128x8xf32, #tpu.memory_space<vmem>>
      %dma_wait3A_769 = arith.constant 256 : i32
      %dma_wait3A_770 = tpu.memref_slice %arg6[%dma_wait3A_763, %dma_wait3A_769] : memref<8x512xi32, #tpu.memory_space<vmem>> -> memref<1x128xi32, #tpu.memory_space<vmem>>
      %dma_wait3A_771 = tpu.memref_squeeze %dma_wait3A_770 : memref<1x128xi32, #tpu.memory_space<vmem>> -> memref<128xi32, #tpu.memory_space<vmem>>
      %dma_wait3A_772 = arith.constant 0 : i32
      %dma_wait3A_773 = arith.constant 0 : i32
      %dma_wait3A_774 = tpu.memref_slice %arg3[%dma_wait3A_772, %dma_wait3A_773] : memref<8388608x8xf32, #tpu.memory_space<hbm>> -> memref<8388608x8xf32, #tpu.memory_space<hbm>>
      tpu.wait_indirect_dma semaphore(%arg11 : memref<!tpu.dma_semaphore, #tpu.memory_space<semaphore_mem>>) src(%dma_wait3A_774 : memref<8388608x8xf32, #tpu.memory_space<hbm>>) dst(%dma_wait3A_768 : memref<128x8xf32, #tpu.memory_space<vmem>>)
      %dma_wait3A_775 = arith.constant 7 : i32
      %dma_wait3A_776 = arith.constant 7 : i32
      %dma_wait3A_777 = arith.constant 384 : i32
      %dma_wait3A_778 = arith.constant 0 : i32
      %dma_wait3A_779 = tpu.memref_slice %arg9[%dma_wait3A_776, %dma_wait3A_777, %dma_wait3A_778] : memref<8x512x8xf32, #tpu.memory_space<vmem>> -> memref<1x128x8xf32, #tpu.memory_space<vmem>>
      %dma_wait3A_780 = tpu.memref_squeeze %dma_wait3A_779 : memref<1x128x8xf32, #tpu.memory_space<vmem>> -> memref<128x8xf32, #tpu.memory_space<vmem>>
      %dma_wait3A_781 = arith.constant 384 : i32
      %dma_wait3A_782 = tpu.memref_slice %arg6[%dma_wait3A_775, %dma_wait3A_781] : memref<8x512xi32, #tpu.memory_space<vmem>> -> memref<1x128xi32, #tpu.memory_space<vmem>>
      %dma_wait3A_783 = tpu.memref_squeeze %dma_wait3A_782 : memref<1x128xi32, #tpu.memory_space<vmem>> -> memref<128xi32, #tpu.memory_space<vmem>>
      %dma_wait3A_784 = arith.constant 0 : i32
      %dma_wait3A_785 = arith.constant 0 : i32
      %dma_wait3A_786 = tpu.memref_slice %arg3[%dma_wait3A_784, %dma_wait3A_785] : memref<8388608x8xf32, #tpu.memory_space<hbm>> -> memref<8388608x8xf32, #tpu.memory_space<hbm>>
      tpu.wait_indirect_dma semaphore(%arg11 : memref<!tpu.dma_semaphore, #tpu.memory_space<semaphore_mem>>) src(%dma_wait3A_786 : memref<8388608x8xf32, #tpu.memory_space<hbm>>) dst(%dma_wait3A_780 : memref<128x8xf32, #tpu.memory_space<vmem>>)
      %scan3A_787 = arith.constant 0 : i32
      %scan3A_788 = arith.constant 0 : i32
      %scan3A_789 = arith.constant 32 : i32
      %scan3A_790 = arith.addi %scan3A_788, %scan3A_789 : i32
      %scan3A_791 = arith.constant 1 : i32
      scf.for %scan3A_795 = %scan3A_788 to %scan3A_790 step %scan3A_791  : i32 {
        %mul3A_796 = arith.constant 16 : i32
        %mul3A_797 = arith.muli %scan3A_795, %mul3A_796 : i32
        %add3A_798 = vector.broadcast %mul3A_797 : i32 to vector<16xi32>
        %add3A_799 = arith.addi %add3A_798, %iota3A : vector<16xi32>
        %get3A = arith.constant 0 : i32
        %get3A_800 = arith.index_cast %get3A : i32 to index
        %get3A_801 = arith.index_cast %mul3A_797 : i32 to index
        %get3A_802 = tpu.vector_load %arg7[%get3A_800, %get3A_801] {strides = array<i32>} : memref<3x512xf32, #tpu.memory_space<vmem>>, vector<16xf32>,
        %get3A_803 = arith.constant 1 : i32
        %get3A_804 = arith.index_cast %get3A_803 : i32 to index
        %get3A_805 = arith.index_cast %mul3A_797 : i32 to index
        %get3A_806 = tpu.vector_load %arg7[%get3A_804, %get3A_805] {strides = array<i32>} : memref<3x512xf32, #tpu.memory_space<vmem>>, vector<16xf32>,
        %get3A_807 = arith.constant 2 : i32
        %get3A_808 = arith.index_cast %get3A_807 : i32 to index
        %get3A_809 = arith.index_cast %mul3A_797 : i32 to index
        %get3A_810 = tpu.vector_load %arg7[%get3A_808, %get3A_809] {strides = array<i32>} : memref<3x512xf32, #tpu.memory_space<vmem>>, vector<16xf32>,
        %get3A_811 = arith.index_cast %mul3A_797 : i32 to index
        %get3A_812 = tpu.vector_load %arg8[%get3A_811] {strides = array<i32>} : memref<512xi32, #tpu.memory_space<vmem>>, vector<16xi32>,
        %sub3A = arith.constant 1.000000e+00 : f32
        %sub3A_813 = vector.broadcast %sub3A : f32 to vector<16xf32>
        %sub3A_814 = arith.subf %sub3A_813, %get3A_802 : vector<16xf32>
        %sub3A_815 = arith.constant 1.000000e+00 : f32
        %sub3A_816 = vector.broadcast %sub3A_815 : f32 to vector<16xf32>
        %sub3A_817 = arith.subf %sub3A_816, %get3A_806 : vector<16xf32>
        %sub3A_818 = arith.constant 1.000000e+00 : f32
        %sub3A_819 = vector.broadcast %sub3A_818 : f32 to vector<16xf32>
        %sub3A_820 = arith.subf %sub3A_819, %get3A_810 : vector<16xf32>
        %mul3A_821 = arith.mulf %sub3A_814, %sub3A_817 : vector<16xf32>
        %mul3A_822 = arith.mulf %sub3A_814, %get3A_806 : vector<16xf32>
        %mul3A_823 = arith.mulf %get3A_802, %sub3A_817 : vector<16xf32>
        %mul3A_824 = arith.mulf %get3A_802, %get3A_806 : vector<16xf32>
        %mul3A_825 = arith.mulf %mul3A_821, %sub3A_820 : vector<16xf32>
        %mul3A_826 = arith.mulf %mul3A_822, %sub3A_820 : vector<16xf32>
        %mul3A_827 = arith.mulf %mul3A_823, %sub3A_820 : vector<16xf32>
        %mul3A_828 = arith.mulf %mul3A_824, %sub3A_820 : vector<16xf32>
        %mul3A_829 = arith.mulf %mul3A_821, %get3A_810 : vector<16xf32>
        %mul3A_830 = arith.mulf %mul3A_822, %get3A_810 : vector<16xf32>
        %mul3A_831 = arith.mulf %mul3A_823, %get3A_810 : vector<16xf32>
        %mul3A_832 = arith.mulf %mul3A_824, %get3A_810 : vector<16xf32>
        %add3A_833 = arith.constant 0 : i32
        %add3A_834 = vector.broadcast %add3A_833 : i32 to vector<16xi32>
        %add3A_835 = arith.addi %get3A_812, %add3A_834 : vector<16xi32>
        %add3A_836 = arith.constant 4 : i32
        %add3A_837 = vector.broadcast %add3A_836 : i32 to vector<16xi32>
        %add3A_838 = arith.addi %broadcast_in_dim3A_3, %add3A_837 : vector<16xi32>
        %sub3A_839 = arith.subi %add3A_838, %get3A_812 : vector<16xi32>
        %gather3A = arith.constant 0 : i32
        %gather3A_840 = arith.constant 0 : i32
        %gather3A_841 = arith.constant 0 : i32
        %gather3A_842 = tpu.memref_slice %arg9[%gather3A, %gather3A_840, %gather3A_841] : memref<8x512x8xf32, #tpu.memory_space<vmem>> -> memref<1x512x8xf32, #tpu.memory_space<vmem>>
        %gather3A_843 = tpu.memref_squeeze %gather3A_842 : memref<1x512x8xf32, #tpu.memory_space<vmem>> -> memref<512x8xf32, #tpu.memory_space<vmem>>
        %gather3A_844 = tpu.vector_load_idx %gather3A_843[%add3A_799, %add3A_835] : memref<512x8xf32, #tpu.memory_space<vmem>>[vector<16xi32>, vector<16xi32>], vector<16xf32>,
        %mul3A_845 = arith.mulf %mul3A_825, %gather3A_844 : vector<16xf32>
        %gather3A_846 = arith.constant 1 : i32
        %gather3A_847 = arith.constant 0 : i32
        %gather3A_848 = arith.constant 0 : i32
        %gather3A_849 = tpu.memref_slice %arg9[%gather3A_846, %gather3A_847, %gather3A_848] : memref<8x512x8xf32, #tpu.memory_space<vmem>> -> memref<1x512x8xf32, #tpu.memory_space<vmem>>
        %gather3A_850 = tpu.memref_squeeze %gather3A_849 : memref<1x512x8xf32, #tpu.memory_space<vmem>> -> memref<512x8xf32, #tpu.memory_space<vmem>>
        %gather3A_851 = tpu.vector_load_idx %gather3A_850[%add3A_799, %sub3A_839] : memref<512x8xf32, #tpu.memory_space<vmem>>[vector<16xi32>, vector<16xi32>], vector<16xf32>,
        %mul3A_852 = arith.mulf %mul3A_829, %gather3A_851 : vector<16xf32>
        %add3A_853 = arith.addf %mul3A_845, %mul3A_852 : vector<16xf32>
        %gather3A_854 = arith.constant 2 : i32
        %gather3A_855 = arith.constant 0 : i32
        %gather3A_856 = arith.constant 0 : i32
        %gather3A_857 = tpu.memref_slice %arg9[%gather3A_854, %gather3A_855, %gather3A_856] : memref<8x512x8xf32, #tpu.memory_space<vmem>> -> memref<1x512x8xf32, #tpu.memory_space<vmem>>
        %gather3A_858 = tpu.memref_squeeze %gather3A_857 : memref<1x512x8xf32, #tpu.memory_space<vmem>> -> memref<512x8xf32, #tpu.memory_space<vmem>>
        %gather3A_859 = tpu.vector_load_idx %gather3A_858[%add3A_799, %add3A_835] : memref<512x8xf32, #tpu.memory_space<vmem>>[vector<16xi32>, vector<16xi32>], vector<16xf32>,
        %mul3A_860 = arith.mulf %mul3A_826, %gather3A_859 : vector<16xf32>
        %add3A_861 = arith.addf %add3A_853, %mul3A_860 : vector<16xf32>
        %gather3A_862 = arith.constant 3 : i32
        %gather3A_863 = arith.constant 0 : i32
        %gather3A_864 = arith.constant 0 : i32
        %gather3A_865 = tpu.memref_slice %arg9[%gather3A_862, %gather3A_863, %gather3A_864] : memref<8x512x8xf32, #tpu.memory_space<vmem>> -> memref<1x512x8xf32, #tpu.memory_space<vmem>>
        %gather3A_866 = tpu.memref_squeeze %gather3A_865 : memref<1x512x8xf32, #tpu.memory_space<vmem>> -> memref<512x8xf32, #tpu.memory_space<vmem>>
        %gather3A_867 = tpu.vector_load_idx %gather3A_866[%add3A_799, %sub3A_839] : memref<512x8xf32, #tpu.memory_space<vmem>>[vector<16xi32>, vector<16xi32>], vector<16xf32>,
        %mul3A_868 = arith.mulf %mul3A_830, %gather3A_867 : vector<16xf32>
        %add3A_869 = arith.addf %add3A_861, %mul3A_868 : vector<16xf32>
        %gather3A_870 = arith.constant 4 : i32
        %gather3A_871 = arith.constant 0 : i32
        %gather3A_872 = arith.constant 0 : i32
        %gather3A_873 = tpu.memref_slice %arg9[%gather3A_870, %gather3A_871, %gather3A_872] : memref<8x512x8xf32, #tpu.memory_space<vmem>> -> memref<1x512x8xf32, #tpu.memory_space<vmem>>
        %gather3A_874 = tpu.memref_squeeze %gather3A_873 : memref<1x512x8xf32, #tpu.memory_space<vmem>> -> memref<512x8xf32, #tpu.memory_space<vmem>>
        %gather3A_875 = tpu.vector_load_idx %gather3A_874[%add3A_799, %add3A_835] : memref<512x8xf32, #tpu.memory_space<vmem>>[vector<16xi32>, vector<16xi32>], vector<16xf32>,
        %mul3A_876 = arith.mulf %mul3A_827, %gather3A_875 : vector<16xf32>
        %add3A_877 = arith.addf %add3A_869, %mul3A_876 : vector<16xf32>
        %gather3A_878 = arith.constant 5 : i32
        %gather3A_879 = arith.constant 0 : i32
        %gather3A_880 = arith.constant 0 : i32
        %gather3A_881 = tpu.memref_slice %arg9[%gather3A_878, %gather3A_879, %gather3A_880] : memref<8x512x8xf32, #tpu.memory_space<vmem>> -> memref<1x512x8xf32, #tpu.memory_space<vmem>>
        %gather3A_882 = tpu.memref_squeeze %gather3A_881 : memref<1x512x8xf32, #tpu.memory_space<vmem>> -> memref<512x8xf32, #tpu.memory_space<vmem>>
        %gather3A_883 = tpu.vector_load_idx %gather3A_882[%add3A_799, %sub3A_839] : memref<512x8xf32, #tpu.memory_space<vmem>>[vector<16xi32>, vector<16xi32>], vector<16xf32>,
        %mul3A_884 = arith.mulf %mul3A_831, %gather3A_883 : vector<16xf32>
        %add3A_885 = arith.addf %add3A_877, %mul3A_884 : vector<16xf32>
        %gather3A_886 = arith.constant 6 : i32
        %gather3A_887 = arith.constant 0 : i32
        %gather3A_888 = arith.constant 0 : i32
        %gather3A_889 = tpu.memref_slice %arg9[%gather3A_886, %gather3A_887, %gather3A_888] : memref<8x512x8xf32, #tpu.memory_space<vmem>> -> memref<1x512x8xf32, #tpu.memory_space<vmem>>
        %gather3A_890 = tpu.memref_squeeze %gather3A_889 : memref<1x512x8xf32, #tpu.memory_space<vmem>> -> memref<512x8xf32, #tpu.memory_space<vmem>>
        %gather3A_891 = tpu.vector_load_idx %gather3A_890[%add3A_799, %add3A_835] : memref<512x8xf32, #tpu.memory_space<vmem>>[vector<16xi32>, vector<16xi32>], vector<16xf32>,
        %mul3A_892 = arith.mulf %mul3A_828, %gather3A_891 : vector<16xf32>
        %add3A_893 = arith.addf %add3A_885, %mul3A_892 : vector<16xf32>
        %gather3A_894 = arith.constant 7 : i32
        %gather3A_895 = arith.constant 0 : i32
        %gather3A_896 = arith.constant 0 : i32
        %gather3A_897 = tpu.memref_slice %arg9[%gather3A_894, %gather3A_895, %gather3A_896] : memref<8x512x8xf32, #tpu.memory_space<vmem>> -> memref<1x512x8xf32, #tpu.memory_space<vmem>>
        %gather3A_898 = tpu.memref_squeeze %gather3A_897 : memref<1x512x8xf32, #tpu.memory_space<vmem>> -> memref<512x8xf32, #tpu.memory_space<vmem>>
        %gather3A_899 = tpu.vector_load_idx %gather3A_898[%add3A_799, %sub3A_839] : memref<512x8xf32, #tpu.memory_space<vmem>>[vector<16xi32>, vector<16xi32>], vector<16xf32>,
        %mul3A_900 = arith.mulf %mul3A_832, %gather3A_899 : vector<16xf32>
        %add3A_901 = arith.addf %add3A_893, %mul3A_900 : vector<16xf32>
        %shift_right_arithmetic3A = arith.constant 3 : i32
        %shift_right_arithmetic3A_902 = arith.shrsi %scan3A_795, %shift_right_arithmetic3A : i32
        %mul3A_903 = arith.constant 4 : i32
        %mul3A_904 = arith.muli %shift_right_arithmetic3A_902, %mul3A_903 : i32
        %add3A_905 = arith.constant 0 : i32
        %add3A_906 = arith.addi %mul3A_904, %add3A_905 : i32
        %mul3A_907 = arith.constant 128 : i32
        %mul3A_908 = arith.muli %add3A_906, %mul3A_907 : i32
        %and3A = arith.constant 7 : i32
        %and3A_909 = arith.andi %scan3A_795, %and3A : i32
        %mul3A_910 = arith.constant 16 : i32
        %mul3A_911 = arith.muli %and3A_909, %mul3A_910 : i32
        %add3A_912 = arith.addi %mul3A_908, %mul3A_911 : i32
        %swap3A = arith.index_cast %add3A_912 : i32 to index
        %swap3A_913 = tpu.vector_load %arg10[%swap3A] {strides = array<i32>} : memref<2048xf32, #tpu.memory_space<vmem>>, vector<16xf32>,
        tpu.vector_store %arg10[%swap3A], %add3A_901 {strides = array<i32>} : memref<2048xf32, #tpu.memory_space<vmem>>, vector<16xf32>,
        %add3A_914 = arith.constant 1 : i32
        %add3A_915 = vector.broadcast %add3A_914 : i32 to vector<16xi32>
        %add3A_916 = arith.addi %get3A_812, %add3A_915 : vector<16xi32>
        %add3A_917 = arith.constant 5 : i32
        %add3A_918 = vector.broadcast %add3A_917 : i32 to vector<16xi32>
        %add3A_919 = arith.addi %broadcast_in_dim3A_3, %add3A_918 : vector<16xi32>
        %sub3A_920 = arith.subi %add3A_919, %get3A_812 : vector<16xi32>
        %gather3A_921 = arith.constant 0 : i32
        %gather3A_922 = arith.constant 0 : i32
        %gather3A_923 = arith.constant 0 : i32
        %gather3A_924 = tpu.memref_slice %arg9[%gather3A_921, %gather3A_922, %gather3A_923] : memref<8x512x8xf32, #tpu.memory_space<vmem>> -> memref<1x512x8xf32, #tpu.memory_space<vmem>>
        %gather3A_925 = tpu.memref_squeeze %gather3A_924 : memref<1x512x8xf32, #tpu.memory_space<vmem>> -> memref<512x8xf32, #tpu.memory_space<vmem>>
        %gather3A_926 = tpu.vector_load_idx %gather3A_925[%add3A_799, %add3A_916] : memref<512x8xf32, #tpu.memory_space<vmem>>[vector<16xi32>, vector<16xi32>], vector<16xf32>,
        %mul3A_927 = arith.mulf %mul3A_825, %gather3A_926 : vector<16xf32>
        %gather3A_928 = arith.constant 1 : i32
        %gather3A_929 = arith.constant 0 : i32
        %gather3A_930 = arith.constant 0 : i32
        %gather3A_931 = tpu.memref_slice %arg9[%gather3A_928, %gather3A_929, %gather3A_930] : memref<8x512x8xf32, #tpu.memory_space<vmem>> -> memref<1x512x8xf32, #tpu.memory_space<vmem>>
        %gather3A_932 = tpu.memref_squeeze %gather3A_931 : memref<1x512x8xf32, #tpu.memory_space<vmem>> -> memref<512x8xf32, #tpu.memory_space<vmem>>
        %gather3A_933 = tpu.vector_load_idx %gather3A_932[%add3A_799, %sub3A_920] : memref<512x8xf32, #tpu.memory_space<vmem>>[vector<16xi32>, vector<16xi32>], vector<16xf32>,
        %mul3A_934 = arith.mulf %mul3A_829, %gather3A_933 : vector<16xf32>
        %add3A_935 = arith.addf %mul3A_927, %mul3A_934 : vector<16xf32>
        %gather3A_936 = arith.constant 2 : i32
        %gather3A_937 = arith.constant 0 : i32
        %gather3A_938 = arith.constant 0 : i32
        %gather3A_939 = tpu.memref_slice %arg9[%gather3A_936, %gather3A_937, %gather3A_938] : memref<8x512x8xf32, #tpu.memory_space<vmem>> -> memref<1x512x8xf32, #tpu.memory_space<vmem>>
        %gather3A_940 = tpu.memref_squeeze %gather3A_939 : memref<1x512x8xf32, #tpu.memory_space<vmem>> -> memref<512x8xf32, #tpu.memory_space<vmem>>
        %gather3A_941 = tpu.vector_load_idx %gather3A_940[%add3A_799, %add3A_916] : memref<512x8xf32, #tpu.memory_space<vmem>>[vector<16xi32>, vector<16xi32>], vector<16xf32>,
        %mul3A_942 = arith.mulf %mul3A_826, %gather3A_941 : vector<16xf32>
        %add3A_943 = arith.addf %add3A_935, %mul3A_942 : vector<16xf32>
        %gather3A_944 = arith.constant 3 : i32
        %gather3A_945 = arith.constant 0 : i32
        %gather3A_946 = arith.constant 0 : i32
        %gather3A_947 = tpu.memref_slice %arg9[%gather3A_944, %gather3A_945, %gather3A_946] : memref<8x512x8xf32, #tpu.memory_space<vmem>> -> memref<1x512x8xf32, #tpu.memory_space<vmem>>
        %gather3A_948 = tpu.memref_squeeze %gather3A_947 : memref<1x512x8xf32, #tpu.memory_space<vmem>> -> memref<512x8xf32, #tpu.memory_space<vmem>>
        %gather3A_949 = tpu.vector_load_idx %gather3A_948[%add3A_799, %sub3A_920] : memref<512x8xf32, #tpu.memory_space<vmem>>[vector<16xi32>, vector<16xi32>], vector<16xf32>,
        %mul3A_950 = arith.mulf %mul3A_830, %gather3A_949 : vector<16xf32>
        %add3A_951 = arith.addf %add3A_943, %mul3A_950 : vector<16xf32>
        %gather3A_952 = arith.constant 4 : i32
        %gather3A_953 = arith.constant 0 : i32
        %gather3A_954 = arith.constant 0 : i32
        %gather3A_955 = tpu.memref_slice %arg9[%gather3A_952, %gather3A_953, %gather3A_954] : memref<8x512x8xf32, #tpu.memory_space<vmem>> -> memref<1x512x8xf32, #tpu.memory_space<vmem>>
        %gather3A_956 = tpu.memref_squeeze %gather3A_955 : memref<1x512x8xf32, #tpu.memory_space<vmem>> -> memref<512x8xf32, #tpu.memory_space<vmem>>
        %gather3A_957 = tpu.vector_load_idx %gather3A_956[%add3A_799, %add3A_916] : memref<512x8xf32, #tpu.memory_space<vmem>>[vector<16xi32>, vector<16xi32>], vector<16xf32>,
        %mul3A_958 = arith.mulf %mul3A_827, %gather3A_957 : vector<16xf32>
        %add3A_959 = arith.addf %add3A_951, %mul3A_958 : vector<16xf32>
        %gather3A_960 = arith.constant 5 : i32
        %gather3A_961 = arith.constant 0 : i32
        %gather3A_962 = arith.constant 0 : i32
        %gather3A_963 = tpu.memref_slice %arg9[%gather3A_960, %gather3A_961, %gather3A_962] : memref<8x512x8xf32, #tpu.memory_space<vmem>> -> memref<1x512x8xf32, #tpu.memory_space<vmem>>
        %gather3A_964 = tpu.memref_squeeze %gather3A_963 : memref<1x512x8xf32, #tpu.memory_space<vmem>> -> memref<512x8xf32, #tpu.memory_space<vmem>>
        %gather3A_965 = tpu.vector_load_idx %gather3A_964[%add3A_799, %sub3A_920] : memref<512x8xf32, #tpu.memory_space<vmem>>[vector<16xi32>, vector<16xi32>], vector<16xf32>,
        %mul3A_966 = arith.mulf %mul3A_831, %gather3A_965 : vector<16xf32>
        %add3A_967 = arith.addf %add3A_959, %mul3A_966 : vector<16xf32>
        %gather3A_968 = arith.constant 6 : i32
        %gather3A_969 = arith.constant 0 : i32
        %gather3A_970 = arith.constant 0 : i32
        %gather3A_971 = tpu.memref_slice %arg9[%gather3A_968, %gather3A_969, %gather3A_970] : memref<8x512x8xf32, #tpu.memory_space<vmem>> -> memref<1x512x8xf32, #tpu.memory_space<vmem>>
        %gather3A_972 = tpu.memref_squeeze %gather3A_971 : memref<1x512x8xf32, #tpu.memory_space<vmem>> -> memref<512x8xf32, #tpu.memory_space<vmem>>
        %gather3A_973 = tpu.vector_load_idx %gather3A_972[%add3A_799, %add3A_916] : memref<512x8xf32, #tpu.memory_space<vmem>>[vector<16xi32>, vector<16xi32>], vector<16xf32>,
        %mul3A_974 = arith.mulf %mul3A_828, %gather3A_973 : vector<16xf32>
        %add3A_975 = arith.addf %add3A_967, %mul3A_974 : vector<16xf32>
        %gather3A_976 = arith.constant 7 : i32
        %gather3A_977 = arith.constant 0 : i32
        %gather3A_978 = arith.constant 0 : i32
        %gather3A_979 = tpu.memref_slice %arg9[%gather3A_976, %gather3A_977, %gather3A_978] : memref<8x512x8xf32, #tpu.memory_space<vmem>> -> memref<1x512x8xf32, #tpu.memory_space<vmem>>
        %gather3A_980 = tpu.memref_squeeze %gather3A_979 : memref<1x512x8xf32, #tpu.memory_space<vmem>> -> memref<512x8xf32, #tpu.memory_space<vmem>>
        %gather3A_981 = tpu.vector_load_idx %gather3A_980[%add3A_799, %sub3A_920] : memref<512x8xf32, #tpu.memory_space<vmem>>[vector<16xi32>, vector<16xi32>], vector<16xf32>,
        %mul3A_982 = arith.mulf %mul3A_832, %gather3A_981 : vector<16xf32>
        %add3A_983 = arith.addf %add3A_975, %mul3A_982 : vector<16xf32>
        %shift_right_arithmetic3A_984 = arith.constant 3 : i32
        %shift_right_arithmetic3A_985 = arith.shrsi %scan3A_795, %shift_right_arithmetic3A_984 : i32
        %mul3A_986 = arith.constant 4 : i32
        %mul3A_987 = arith.muli %shift_right_arithmetic3A_985, %mul3A_986 : i32
        %add3A_988 = arith.constant 1 : i32
        %add3A_989 = arith.addi %mul3A_987, %add3A_988 : i32
        %mul3A_990 = arith.constant 128 : i32
        %mul3A_991 = arith.muli %add3A_989, %mul3A_990 : i32
        %and3A_992 = arith.constant 7 : i32
        %and3A_993 = arith.andi %scan3A_795, %and3A_992 : i32
        %mul3A_994 = arith.constant 16 : i32
        %mul3A_995 = arith.muli %and3A_993, %mul3A_994 : i32
        %add3A_996 = arith.addi %mul3A_991, %mul3A_995 : i32
        %swap3A_997 = arith.index_cast %add3A_996 : i32 to index
        %swap3A_998 = tpu.vector_load %arg10[%swap3A_997] {strides = array<i32>} : memref<2048xf32, #tpu.memory_space<vmem>>, vector<16xf32>,
        tpu.vector_store %arg10[%swap3A_997], %add3A_983 {strides = array<i32>} : memref<2048xf32, #tpu.memory_space<vmem>>, vector<16xf32>,
        %add3A_999 = arith.constant 2 : i32
        %add3A_1000 = vector.broadcast %add3A_999 : i32 to vector<16xi32>
        %add3A_1001 = arith.addi %get3A_812, %add3A_1000 : vector<16xi32>
        %add3A_1002 = arith.constant 6 : i32
        %add3A_1003 = vector.broadcast %add3A_1002 : i32 to vector<16xi32>
        %add3A_1004 = arith.addi %broadcast_in_dim3A_3, %add3A_1003 : vector<16xi32>
        %sub3A_1005 = arith.subi %add3A_1004, %get3A_812 : vector<16xi32>
        %gather3A_1006 = arith.constant 0 : i32
        %gather3A_1007 = arith.constant 0 : i32
        %gather3A_1008 = arith.constant 0 : i32
        %gather3A_1009 = tpu.memref_slice %arg9[%gather3A_1006, %gather3A_1007, %gather3A_1008] : memref<8x512x8xf32, #tpu.memory_space<vmem>> -> memref<1x512x8xf32, #tpu.memory_space<vmem>>
        %gather3A_1010 = tpu.memref_squeeze %gather3A_1009 : memref<1x512x8xf32, #tpu.memory_space<vmem>> -> memref<512x8xf32, #tpu.memory_space<vmem>>
        %gather3A_1011 = tpu.vector_load_idx %gather3A_1010[%add3A_799, %add3A_1001] : memref<512x8xf32, #tpu.memory_space<vmem>>[vector<16xi32>, vector<16xi32>], vector<16xf32>,
        %mul3A_1012 = arith.mulf %mul3A_825, %gather3A_1011 : vector<16xf32>
        %gather3A_1013 = arith.constant 1 : i32
        %gather3A_1014 = arith.constant 0 : i32
        %gather3A_1015 = arith.constant 0 : i32
        %gather3A_1016 = tpu.memref_slice %arg9[%gather3A_1013, %gather3A_1014, %gather3A_1015] : memref<8x512x8xf32, #tpu.memory_space<vmem>> -> memref<1x512x8xf32, #tpu.memory_space<vmem>>
        %gather3A_1017 = tpu.memref_squeeze %gather3A_1016 : memref<1x512x8xf32, #tpu.memory_space<vmem>> -> memref<512x8xf32, #tpu.memory_space<vmem>>
        %gather3A_1018 = tpu.vector_load_idx %gather3A_1017[%add3A_799, %sub3A_1005] : memref<512x8xf32, #tpu.memory_space<vmem>>[vector<16xi32>, vector<16xi32>], vector<16xf32>,
        %mul3A_1019 = arith.mulf %mul3A_829, %gather3A_1018 : vector<16xf32>
        %add3A_1020 = arith.addf %mul3A_1012, %mul3A_1019 : vector<16xf32>
        %gather3A_1021 = arith.constant 2 : i32
        %gather3A_1022 = arith.constant 0 : i32
        %gather3A_1023 = arith.constant 0 : i32
        %gather3A_1024 = tpu.memref_slice %arg9[%gather3A_1021, %gather3A_1022, %gather3A_1023] : memref<8x512x8xf32, #tpu.memory_space<vmem>> -> memref<1x512x8xf32, #tpu.memory_space<vmem>>
        %gather3A_1025 = tpu.memref_squeeze %gather3A_1024 : memref<1x512x8xf32, #tpu.memory_space<vmem>> -> memref<512x8xf32, #tpu.memory_space<vmem>>
        %gather3A_1026 = tpu.vector_load_idx %gather3A_1025[%add3A_799, %add3A_1001] : memref<512x8xf32, #tpu.memory_space<vmem>>[vector<16xi32>, vector<16xi32>], vector<16xf32>,
        %mul3A_1027 = arith.mulf %mul3A_826, %gather3A_1026 : vector<16xf32>
        %add3A_1028 = arith.addf %add3A_1020, %mul3A_1027 : vector<16xf32>
        %gather3A_1029 = arith.constant 3 : i32
        %gather3A_1030 = arith.constant 0 : i32
        %gather3A_1031 = arith.constant 0 : i32
        %gather3A_1032 = tpu.memref_slice %arg9[%gather3A_1029, %gather3A_1030, %gather3A_1031] : memref<8x512x8xf32, #tpu.memory_space<vmem>> -> memref<1x512x8xf32, #tpu.memory_space<vmem>>
        %gather3A_1033 = tpu.memref_squeeze %gather3A_1032 : memref<1x512x8xf32, #tpu.memory_space<vmem>> -> memref<512x8xf32, #tpu.memory_space<vmem>>
        %gather3A_1034 = tpu.vector_load_idx %gather3A_1033[%add3A_799, %sub3A_1005] : memref<512x8xf32, #tpu.memory_space<vmem>>[vector<16xi32>, vector<16xi32>], vector<16xf32>,
        %mul3A_1035 = arith.mulf %mul3A_830, %gather3A_1034 : vector<16xf32>
        %add3A_1036 = arith.addf %add3A_1028, %mul3A_1035 : vector<16xf32>
        %gather3A_1037 = arith.constant 4 : i32
        %gather3A_1038 = arith.constant 0 : i32
        %gather3A_1039 = arith.constant 0 : i32
        %gather3A_1040 = tpu.memref_slice %arg9[%gather3A_1037, %gather3A_1038, %gather3A_1039] : memref<8x512x8xf32, #tpu.memory_space<vmem>> -> memref<1x512x8xf32, #tpu.memory_space<vmem>>
        %gather3A_1041 = tpu.memref_squeeze %gather3A_1040 : memref<1x512x8xf32, #tpu.memory_space<vmem>> -> memref<512x8xf32, #tpu.memory_space<vmem>>
        %gather3A_1042 = tpu.vector_load_idx %gather3A_1041[%add3A_799, %add3A_1001] : memref<512x8xf32, #tpu.memory_space<vmem>>[vector<16xi32>, vector<16xi32>], vector<16xf32>,
        %mul3A_1043 = arith.mulf %mul3A_827, %gather3A_1042 : vector<16xf32>
        %add3A_1044 = arith.addf %add3A_1036, %mul3A_1043 : vector<16xf32>
        %gather3A_1045 = arith.constant 5 : i32
        %gather3A_1046 = arith.constant 0 : i32
        %gather3A_1047 = arith.constant 0 : i32
        %gather3A_1048 = tpu.memref_slice %arg9[%gather3A_1045, %gather3A_1046, %gather3A_1047] : memref<8x512x8xf32, #tpu.memory_space<vmem>> -> memref<1x512x8xf32, #tpu.memory_space<vmem>>
        %gather3A_1049 = tpu.memref_squeeze %gather3A_1048 : memref<1x512x8xf32, #tpu.memory_space<vmem>> -> memref<512x8xf32, #tpu.memory_space<vmem>>
        %gather3A_1050 = tpu.vector_load_idx %gather3A_1049[%add3A_799, %sub3A_1005] : memref<512x8xf32, #tpu.memory_space<vmem>>[vector<16xi32>, vector<16xi32>], vector<16xf32>,
        %mul3A_1051 = arith.mulf %mul3A_831, %gather3A_1050 : vector<16xf32>
        %add3A_1052 = arith.addf %add3A_1044, %mul3A_1051 : vector<16xf32>
        %gather3A_1053 = arith.constant 6 : i32
        %gather3A_1054 = arith.constant 0 : i32
        %gather3A_1055 = arith.constant 0 : i32
        %gather3A_1056 = tpu.memref_slice %arg9[%gather3A_1053, %gather3A_1054, %gather3A_1055] : memref<8x512x8xf32, #tpu.memory_space<vmem>> -> memref<1x512x8xf32, #tpu.memory_space<vmem>>
        %gather3A_1057 = tpu.memref_squeeze %gather3A_1056 : memref<1x512x8xf32, #tpu.memory_space<vmem>> -> memref<512x8xf32, #tpu.memory_space<vmem>>
        %gather3A_1058 = tpu.vector_load_idx %gather3A_1057[%add3A_799, %add3A_1001] : memref<512x8xf32, #tpu.memory_space<vmem>>[vector<16xi32>, vector<16xi32>], vector<16xf32>,
        %mul3A_1059 = arith.mulf %mul3A_828, %gather3A_1058 : vector<16xf32>
        %add3A_1060 = arith.addf %add3A_1052, %mul3A_1059 : vector<16xf32>
        %gather3A_1061 = arith.constant 7 : i32
        %gather3A_1062 = arith.constant 0 : i32
        %gather3A_1063 = arith.constant 0 : i32
        %gather3A_1064 = tpu.memref_slice %arg9[%gather3A_1061, %gather3A_1062, %gather3A_1063] : memref<8x512x8xf32, #tpu.memory_space<vmem>> -> memref<1x512x8xf32, #tpu.memory_space<vmem>>
        %gather3A_1065 = tpu.memref_squeeze %gather3A_1064 : memref<1x512x8xf32, #tpu.memory_space<vmem>> -> memref<512x8xf32, #tpu.memory_space<vmem>>
        %gather3A_1066 = tpu.vector_load_idx %gather3A_1065[%add3A_799, %sub3A_1005] : memref<512x8xf32, #tpu.memory_space<vmem>>[vector<16xi32>, vector<16xi32>], vector<16xf32>,
        %mul3A_1067 = arith.mulf %mul3A_832, %gather3A_1066 : vector<16xf32>
        %add3A_1068 = arith.addf %add3A_1060, %mul3A_1067 : vector<16xf32>
        %shift_right_arithmetic3A_1069 = arith.constant 3 : i32
        %shift_right_arithmetic3A_1070 = arith.shrsi %scan3A_795, %shift_right_arithmetic3A_1069 : i32
        %mul3A_1071 = arith.constant 4 : i32
        %mul3A_1072 = arith.muli %shift_right_arithmetic3A_1070, %mul3A_1071 : i32
        %add3A_1073 = arith.constant 2 : i32
        %add3A_1074 = arith.addi %mul3A_1072, %add3A_1073 : i32
        %mul3A_1075 = arith.constant 128 : i32
        %mul3A_1076 = arith.muli %add3A_1074, %mul3A_1075 : i32
        %and3A_1077 = arith.constant 7 : i32
        %and3A_1078 = arith.andi %scan3A_795, %and3A_1077 : i32
        %mul3A_1079 = arith.constant 16 : i32
        %mul3A_1080 = arith.muli %and3A_1078, %mul3A_1079 : i32
        %add3A_1081 = arith.addi %mul3A_1076, %mul3A_1080 : i32
        %swap3A_1082 = arith.index_cast %add3A_1081 : i32 to index
        %swap3A_1083 = tpu.vector_load %arg10[%swap3A_1082] {strides = array<i32>} : memref<2048xf32, #tpu.memory_space<vmem>>, vector<16xf32>,
        tpu.vector_store %arg10[%swap3A_1082], %add3A_1068 {strides = array<i32>} : memref<2048xf32, #tpu.memory_space<vmem>>, vector<16xf32>,
        %add3A_1084 = arith.constant 3 : i32
        %add3A_1085 = vector.broadcast %add3A_1084 : i32 to vector<16xi32>
        %add3A_1086 = arith.addi %get3A_812, %add3A_1085 : vector<16xi32>
        %add3A_1087 = arith.constant 7 : i32
        %add3A_1088 = vector.broadcast %add3A_1087 : i32 to vector<16xi32>
        %add3A_1089 = arith.addi %broadcast_in_dim3A_3, %add3A_1088 : vector<16xi32>
        %sub3A_1090 = arith.subi %add3A_1089, %get3A_812 : vector<16xi32>
        %gather3A_1091 = arith.constant 0 : i32
        %gather3A_1092 = arith.constant 0 : i32
        %gather3A_1093 = arith.constant 0 : i32
        %gather3A_1094 = tpu.memref_slice %arg9[%gather3A_1091, %gather3A_1092, %gather3A_1093] : memref<8x512x8xf32, #tpu.memory_space<vmem>> -> memref<1x512x8xf32, #tpu.memory_space<vmem>>
        %gather3A_1095 = tpu.memref_squeeze %gather3A_1094 : memref<1x512x8xf32, #tpu.memory_space<vmem>> -> memref<512x8xf32, #tpu.memory_space<vmem>>
        %gather3A_1096 = tpu.vector_load_idx %gather3A_1095[%add3A_799, %add3A_1086] : memref<512x8xf32, #tpu.memory_space<vmem>>[vector<16xi32>, vector<16xi32>], vector<16xf32>,
        %mul3A_1097 = arith.mulf %mul3A_825, %gather3A_1096 : vector<16xf32>
        %gather3A_1098 = arith.constant 1 : i32
        %gather3A_1099 = arith.constant 0 : i32
        %gather3A_1100 = arith.constant 0 : i32
        %gather3A_1101 = tpu.memref_slice %arg9[%gather3A_1098, %gather3A_1099, %gather3A_1100] : memref<8x512x8xf32, #tpu.memory_space<vmem>> -> memref<1x512x8xf32, #tpu.memory_space<vmem>>
        %gather3A_1102 = tpu.memref_squeeze %gather3A_1101 : memref<1x512x8xf32, #tpu.memory_space<vmem>> -> memref<512x8xf32, #tpu.memory_space<vmem>>
        %gather3A_1103 = tpu.vector_load_idx %gather3A_1102[%add3A_799, %sub3A_1090] : memref<512x8xf32, #tpu.memory_space<vmem>>[vector<16xi32>, vector<16xi32>], vector<16xf32>,
        %mul3A_1104 = arith.mulf %mul3A_829, %gather3A_1103 : vector<16xf32>
        %add3A_1105 = arith.addf %mul3A_1097, %mul3A_1104 : vector<16xf32>
        %gather3A_1106 = arith.constant 2 : i32
        %gather3A_1107 = arith.constant 0 : i32
        %gather3A_1108 = arith.constant 0 : i32
        %gather3A_1109 = tpu.memref_slice %arg9[%gather3A_1106, %gather3A_1107, %gather3A_1108] : memref<8x512x8xf32, #tpu.memory_space<vmem>> -> memref<1x512x8xf32, #tpu.memory_space<vmem>>
        %gather3A_1110 = tpu.memref_squeeze %gather3A_1109 : memref<1x512x8xf32, #tpu.memory_space<vmem>> -> memref<512x8xf32, #tpu.memory_space<vmem>>
        %gather3A_1111 = tpu.vector_load_idx %gather3A_1110[%add3A_799, %add3A_1086] : memref<512x8xf32, #tpu.memory_space<vmem>>[vector<16xi32>, vector<16xi32>], vector<16xf32>,
        %mul3A_1112 = arith.mulf %mul3A_826, %gather3A_1111 : vector<16xf32>
        %add3A_1113 = arith.addf %add3A_1105, %mul3A_1112 : vector<16xf32>
        %gather3A_1114 = arith.constant 3 : i32
        %gather3A_1115 = arith.constant 0 : i32
        %gather3A_1116 = arith.constant 0 : i32
        %gather3A_1117 = tpu.memref_slice %arg9[%gather3A_1114, %gather3A_1115, %gather3A_1116] : memref<8x512x8xf32, #tpu.memory_space<vmem>> -> memref<1x512x8xf32, #tpu.memory_space<vmem>>
        %gather3A_1118 = tpu.memref_squeeze %gather3A_1117 : memref<1x512x8xf32, #tpu.memory_space<vmem>> -> memref<512x8xf32, #tpu.memory_space<vmem>>
        %gather3A_1119 = tpu.vector_load_idx %gather3A_1118[%add3A_799, %sub3A_1090] : memref<512x8xf32, #tpu.memory_space<vmem>>[vector<16xi32>, vector<16xi32>], vector<16xf32>,
        %mul3A_1120 = arith.mulf %mul3A_830, %gather3A_1119 : vector<16xf32>
        %add3A_1121 = arith.addf %add3A_1113, %mul3A_1120 : vector<16xf32>
        %gather3A_1122 = arith.constant 4 : i32
        %gather3A_1123 = arith.constant 0 : i32
        %gather3A_1124 = arith.constant 0 : i32
        %gather3A_1125 = tpu.memref_slice %arg9[%gather3A_1122, %gather3A_1123, %gather3A_1124] : memref<8x512x8xf32, #tpu.memory_space<vmem>> -> memref<1x512x8xf32, #tpu.memory_space<vmem>>
        %gather3A_1126 = tpu.memref_squeeze %gather3A_1125 : memref<1x512x8xf32, #tpu.memory_space<vmem>> -> memref<512x8xf32, #tpu.memory_space<vmem>>
        %gather3A_1127 = tpu.vector_load_idx %gather3A_1126[%add3A_799, %add3A_1086] : memref<512x8xf32, #tpu.memory_space<vmem>>[vector<16xi32>, vector<16xi32>], vector<16xf32>,
        %mul3A_1128 = arith.mulf %mul3A_827, %gather3A_1127 : vector<16xf32>
        %add3A_1129 = arith.addf %add3A_1121, %mul3A_1128 : vector<16xf32>
        %gather3A_1130 = arith.constant 5 : i32
        %gather3A_1131 = arith.constant 0 : i32
        %gather3A_1132 = arith.constant 0 : i32
        %gather3A_1133 = tpu.memref_slice %arg9[%gather3A_1130, %gather3A_1131, %gather3A_1132] : memref<8x512x8xf32, #tpu.memory_space<vmem>> -> memref<1x512x8xf32, #tpu.memory_space<vmem>>
        %gather3A_1134 = tpu.memref_squeeze %gather3A_1133 : memref<1x512x8xf32, #tpu.memory_space<vmem>> -> memref<512x8xf32, #tpu.memory_space<vmem>>
        %gather3A_1135 = tpu.vector_load_idx %gather3A_1134[%add3A_799, %sub3A_1090] : memref<512x8xf32, #tpu.memory_space<vmem>>[vector<16xi32>, vector<16xi32>], vector<16xf32>,
        %mul3A_1136 = arith.mulf %mul3A_831, %gather3A_1135 : vector<16xf32>
        %add3A_1137 = arith.addf %add3A_1129, %mul3A_1136 : vector<16xf32>
        %gather3A_1138 = arith.constant 6 : i32
        %gather3A_1139 = arith.constant 0 : i32
        %gather3A_1140 = arith.constant 0 : i32
        %gather3A_1141 = tpu.memref_slice %arg9[%gather3A_1138, %gather3A_1139, %gather3A_1140] : memref<8x512x8xf32, #tpu.memory_space<vmem>> -> memref<1x512x8xf32, #tpu.memory_space<vmem>>
        %gather3A_1142 = tpu.memref_squeeze %gather3A_1141 : memref<1x512x8xf32, #tpu.memory_space<vmem>> -> memref<512x8xf32, #tpu.memory_space<vmem>>
        %gather3A_1143 = tpu.vector_load_idx %gather3A_1142[%add3A_799, %add3A_1086] : memref<512x8xf32, #tpu.memory_space<vmem>>[vector<16xi32>, vector<16xi32>], vector<16xf32>,
        %mul3A_1144 = arith.mulf %mul3A_828, %gather3A_1143 : vector<16xf32>
        %add3A_1145 = arith.addf %add3A_1137, %mul3A_1144 : vector<16xf32>
        %gather3A_1146 = arith.constant 7 : i32
        %gather3A_1147 = arith.constant 0 : i32
        %gather3A_1148 = arith.constant 0 : i32
        %gather3A_1149 = tpu.memref_slice %arg9[%gather3A_1146, %gather3A_1147, %gather3A_1148] : memref<8x512x8xf32, #tpu.memory_space<vmem>> -> memref<1x512x8xf32, #tpu.memory_space<vmem>>
        %gather3A_1150 = tpu.memref_squeeze %gather3A_1149 : memref<1x512x8xf32, #tpu.memory_space<vmem>> -> memref<512x8xf32, #tpu.memory_space<vmem>>
        %gather3A_1151 = tpu.vector_load_idx %gather3A_1150[%add3A_799, %sub3A_1090] : memref<512x8xf32, #tpu.memory_space<vmem>>[vector<16xi32>, vector<16xi32>], vector<16xf32>,
        %mul3A_1152 = arith.mulf %mul3A_832, %gather3A_1151 : vector<16xf32>
        %add3A_1153 = arith.addf %add3A_1145, %mul3A_1152 : vector<16xf32>
        %shift_right_arithmetic3A_1154 = arith.constant 3 : i32
        %shift_right_arithmetic3A_1155 = arith.shrsi %scan3A_795, %shift_right_arithmetic3A_1154 : i32
        %mul3A_1156 = arith.constant 4 : i32
        %mul3A_1157 = arith.muli %shift_right_arithmetic3A_1155, %mul3A_1156 : i32
        %add3A_1158 = arith.constant 3 : i32
        %add3A_1159 = arith.addi %mul3A_1157, %add3A_1158 : i32
        %mul3A_1160 = arith.constant 128 : i32
        %mul3A_1161 = arith.muli %add3A_1159, %mul3A_1160 : i32
        %and3A_1162 = arith.constant 7 : i32
        %and3A_1163 = arith.andi %scan3A_795, %and3A_1162 : i32
        %mul3A_1164 = arith.constant 16 : i32
        %mul3A_1165 = arith.muli %and3A_1163, %mul3A_1164 : i32
        %add3A_1166 = arith.addi %mul3A_1161, %mul3A_1165 : i32
        %swap3A_1167 = arith.index_cast %add3A_1166 : i32 to index
        %swap3A_1168 = tpu.vector_load %arg10[%swap3A_1167] {strides = array<i32>} : memref<2048xf32, #tpu.memory_space<vmem>>, vector<16xf32>,
        tpu.vector_store %arg10[%swap3A_1167], %add3A_1153 {strides = array<i32>} : memref<2048xf32, #tpu.memory_space<vmem>>, vector<16xf32>,
      }
      %scan3A_792 = arith.constant 32 : i32
      %mul3A_793 = arith.constant 4 : i32
      %mul3A_794 = arith.muli %add3A_12, %mul3A_793 : i32
      "tpu.region"() ({
        %run_scoped3A = tpu.sem_alloc : memref<!tpu.dma_semaphore, #tpu.memory_space<semaphore_mem>>
        %dma_start3A_795 = tpu.memref_slice %arg4[%mul3A_794] : memref<8388608xf32, #tpu.memory_space<hbm>> -> memref<2048xf32, #tpu.memory_space<hbm>>
        %dma_start3A_796 = tpu.memref_slice %arg4[%mul3A_794] : memref<8388608xf32, #tpu.memory_space<hbm>> -> memref<2048xf32, #tpu.memory_space<hbm>>
        tpu.enqueue_dma source(%arg10 : memref<2048xf32, #tpu.memory_space<vmem>>) target(%dma_start3A_796 : memref<2048xf32, #tpu.memory_space<hbm>>) target_semaphore(%run_scoped3A : memref<!tpu.dma_semaphore, #tpu.memory_space<semaphore_mem>>)
        %dma_wait3A_797 = tpu.memref_slice %arg4[%mul3A_794] : memref<8388608xf32, #tpu.memory_space<hbm>> -> memref<2048xf32, #tpu.memory_space<hbm>>
        %dma_wait3A_798 = tpu.memref_slice %arg4[%mul3A_794] : memref<8388608xf32, #tpu.memory_space<hbm>> -> memref<2048xf32, #tpu.memory_space<hbm>>
        tpu.wait_dma2 semaphore(%run_scoped3A : memref<!tpu.dma_semaphore, #tpu.memory_space<semaphore_mem>>) src(%arg10 : memref<2048xf32, #tpu.memory_space<vmem>>) dst(%dma_wait3A_798 : memref<2048xf32, #tpu.memory_space<hbm>>)
        tpu.yield
      }) : () -> ()
    }
    %scan3A_8 = arith.constant 128 : i32
    return
  }
}

</mosaic_0001>

<sc_bundles>
// kernel: kernel.4.cloned.1.call-start
scs
__scs_entry_jumppad:
0x0: {  	(pc) =	sbr.rel $0x88, $3  }
0x1: {  	(tag) =	ssettag $0x0;
	lr =	simm.s32 $0x1  }
0x2: {  	[smem:$0x3F9F] =	sst lr;
	_ =	strace $0xD0000000  }
0x3: {  	_ = 	snop  }
0x4: {  	_ = 	snop  }
0x5: {  	_ = 	snop  }
0x6: {  	_ = 	snop  }
0x7: {  	_ = 	snop  }
__scs_overlays_trampoline_lowered:
0x8: {  	[smem:$0x3FAE] =	sst s0  }
0x9: {  	[smem:$0x3FAF] =	sst s1  }
0xa: {  	[smem:$0x3FB0] =	sst s2  }
0xb: {  	[smem:$0x3FB1] =	sst s3  }
0xc: {  	[smem:$0x3FB2] =	sst s4  }
0xd: {  	[smem:$0x3FB3] =	sst s5  }
0xe: {  	[smem:$0x3FB4] =	sst s6  }
0xf: {  	[smem:$0x3FB5] =	sst s7  }
0x10: {  	[smem:$0x3FB6] =	sst s8  }
0x11: {  	[smem:$0x3FB7] =	sst s9;
	s0 =	simm.s32 @!p0 $0x0  }
0x12: {  	s1 =	sld [smem:$0x3F9D];
	s0 =	simm.s32 @p0 $0x1  }
0x13: {  	[smem:$0x3FB8] =	sst s0;
	s0 =	simm.s32 @!p1 $0x0  }
0x14: {  	s2 =	sld [smem:$0x3F9C];
	s0 =	simm.s32 @p1 $0x1  }
0x15: {  	[smem:$0x3FB9] =	sst s0;
	s0 =	simm.s32 @!p2 $0x0  }
0x16: {  	s3 =	sld [smem:$0x3FDB];
	s0 =	simm.s32 @p2 $0x1  }
0x17: {  	s4 =	simm.s32 $0x1BF5;
	[smem:$0x3FBB] =	sst s0  }
0x18: {  	s0 =	sld [smem:$0x3F9E];
	_ =	swait.ge [sflag:s4], $0x0  }
0x19: {  	s7 =	sld [smem:$0x3F9F]  }
0x1a: {  	s8 =	sadd.s32 $0xFFFFE003, lr  }
0x1b: {  	s9 =	sadd.s32 $0xFFFFFEF7, lr;
	s5 =	simm.s32 $0xFFFFFFFF;
	p2 =	slt.u32 s8, $0xFFFFF086  }
0x1c: {  	p1 =	slt.u32 s9, $0xF7A;
	s5 =	simm.s32 @!p2 $0x0  }
0x1d: {  	s5 =	simm.s32 @p1 $0x1;
	p0 =	seq.s32 s7, s2  }
0x1e: {  	s7 =	smul.u32 @!p0 $0xF7A, s2;
	p2 =	seq.s32 @!p0 s5, $0x0  }
0x1f: {  	s9 =	smul.u32 $0xF7A, s1;
	s8 =	simm.s32 @!p0 $0x1BF5;
	p2 =	por !p2, p0  }
0x20: {  	[sflag:s8] =	ssyncset.s32 @!p0 $0xFFFFF086;
	s6 =	sadd.s32 @!p0 s3, s7;
	s7 =	simm.s32 @!p0 $0x108  }
0x21: {  	s3 =	sadd.s32 s3, s9;
	s6 =	sadd.s32 @!p0 $0x88, s6;
	s7 =	simm.s32 @p2 $0x1082  }
0x22: {  	[simem:s7], [sflag:s8] =	dma.local @!p0 [hbm:s6], $0xF7A  }
0x23: {  	s9 =	sor.u32 $0xD0000000, s2;
	s6 =	simm.s32 $0x108;
	_ =	swait.ge @!p0 [sflag:s8], $0x0  }
0x24: {  	s3 =	sadd.s32 $0x88, s3;
	s6 =	simm.s32 @!p1 $0x1082;
	[sflag:s4] =	ssyncset.s32 $0xFFFFF086  }
0x25: {  	[simem:s6], [sflag:s4] =	dma.local [hbm:s3], $0xF7A  }
0x26: {  	[smem:$0x3F9F] =	sst s1;
	(tag) =	ssettag s2;
	_ =	strace s9  }
0x27: {  	s1 =	sld [smem:$0x3FAF]  }
0x28: {  	s2 =	sld [smem:$0x3FB0]  }
0x29: {  	s4 =	sld [smem:$0x3FB2]  }
0x2a: {  	p0 =	seq.s32 s5, $0x0;
	s5 =	sld [smem:$0x3FB3]  }
0x2b: {  	s6 =	sld [smem:$0x3FB4]  }
0x2c: {  	s7 =	sld [smem:$0x3FB5]  }
0x2d: {  	s3 =	simm.s32 $0x108;
	s8 =	sld [smem:$0x3FB6]  }
0x2e: {  	s3 =	simm.s32 @!p0 $0x1082;
	s9 =	sld [smem:$0x3FB7]  }
0x2f: {  	lr =	sadd.s32 s0, s3;
	s0 =	sld [smem:$0x3FAE]  }
0x30: {  	s3 =	sld [smem:$0x3FB1]  }
0x31: {  	[smem:$0x3FBA] =	sst s10  }
0x32: {  	s10 =	sld [smem:$0x3FB8];
	_ =	sdelay $0x3  }
0x33: {  	p0 =	seq.s32 s10, $0x1;
	s10 =	sld [smem:$0x3FBA];
	_ =	sdelay $0x3  }
0x34: {  	[smem:$0x3FBA] =	sst s10  }
0x35: {  	s10 =	sld [smem:$0x3FB9];
	_ =	sdelay $0x3  }
0x36: {  	p1 =	seq.s32 s10, $0x1;
	s10 =	sld [smem:$0x3FBA];
	_ =	sdelay $0x3  }
0x37: {  	[smem:$0x3FBA] =	sst s10  }
0x38: {  	s10 =	sld [smem:$0x3FBB]  }
0x39: {  	_ = 	snop;
	(pc) =	sbr.ind lr, $3  }
0x3a: {  	_ = 	snop  }
0x3b: {  	_ = 	snop  }
0x3c: {  	p2 =	seq.s32 s10, $0x1;
	s10 =	sld [smem:$0x3FBA]  }
0x3d: {  	_ =	shalt  }
0x3e: {  	_ =	shalt  }
0x3f: {  	_ =	shalt  }
0x40: {  	_ =	shalt  }
0x41: {  	_ =	shalt  }
0x42: {  	_ =	shalt  }
0x43: {  	_ =	shalt  }
0x44: {  	_ =	shalt  }
0x45: {  	_ =	shalt  }
0x46: {  	_ =	shalt  }
0x47: {  	_ =	shalt  }
0x48: {  	_ =	shalt  }
0x49: {  	_ =	shalt  }
0x4a: {  	_ =	shalt  }
0x4b: {  	_ =	shalt  }
0x4c: {  	_ =	shalt  }
0x4d: {  	_ =	shalt  }
0x4e: {  	_ =	shalt  }
0x4f: {  	_ =	shalt  }
0x50: {  	_ =	shalt  }
0x51: {  	_ =	shalt  }
0x52: {  	_ =	shalt  }
0x53: {  	_ =	shalt  }
0x54: {  	_ =	shalt  }
0x55: {  	_ =	shalt  }
0x56: {  	_ =	shalt  }
0x57: {  	_ =	shalt  }
0x58: {  	_ =	shalt  }
0x59: {  	_ =	shalt  }
0x5a: {  	_ =	shalt  }
0x5b: {  	_ =	shalt  }
0x5c: {  	_ =	shalt  }
0x5d: {  	_ =	shalt  }
0x5e: {  	_ =	shalt  }
0x5f: {  	_ =	shalt  }
0x60: {  	_ =	shalt  }
0x61: {  	_ =	shalt  }
0x62: {  	_ =	shalt  }
0x63: {  	_ =	shalt  }
0x64: {  	_ =	shalt  }
0x65: {  	_ =	shalt  }
0x66: {  	_ =	shalt  }
0x67: {  	_ =	shalt  }
0x68: {  	_ =	shalt  }
0x69: {  	_ =	shalt  }
0x6a: {  	_ =	shalt  }
0x6b: {  	_ =	shalt  }
0x6c: {  	_ =	shalt  }
0x6d: {  	_ =	shalt  }
0x6e: {  	_ =	shalt  }
0x6f: {  	_ =	shalt  }
0x70: {  	_ =	shalt  }
0x71: {  	_ =	shalt  }
0x72: {  	_ =	shalt  }
0x73: {  	_ =	shalt  }
0x74: {  	_ =	shalt  }
0x75: {  	_ =	shalt  }
0x76: {  	_ =	shalt  }
0x77: {  	_ =	shalt  }
0x78: {  	_ =	shalt  }
0x79: {  	_ =	shalt  }
0x7a: {  	_ =	shalt  }
0x7b: {  	_ =	shalt  }
0x7c: {  	_ =	shalt  }
0x7d: {  	_ =	shalt  }
0x7e: {  	_ =	shalt  }
0x7f: {  	_ =	shalt  }
0x80: {  	_ =	shalt  }
0x81: {  	_ =	shalt  }
0x82: {  	_ =	shalt  }
0x83: {  	_ =	shalt  }
0x84: {  	_ =	shalt  }
0x85: {  	_ =	shalt  }
0x86: {  	_ =	shalt  }
0x87: {  	_ =	shalt  }
.Lfunc_end0:
.L_simem_size_0:
called_computation_lowered:
.L_overlay_start_0:
0x88: {  	s2 =	sld [smem:$0x3FD9]  }
0x89: {  	s3 =	sld [smem:$0x3FFE];
	_ =	sdelay $0x1  }
0x8a: {  	s1 =	srdreg.scid  }
0x8b: {  	s0 =	sand.u32 $0x1, s1  }
0x8c: {  	s17 =	sshll.u32 s0, $0xA;
	s2 =	sadd.s32 s3, s2  }
0x8d: {  	s2 =	sadd.s32 s2, s17  }
0x8e: {  	[smem:$0x3FC6] =	sst s2  }
0x8f: {  	_ = 	snop  }
0x90: {  	s2 =	sld [smem:$0x3FC8];
	(tm) =	ssettm $0x1  }
0x91: {  	s18 =	sld [smem:$0x3FFB];
	_ =	sdelay $0x3  }
0x92: {  	_ =	strace s18  }
0x93: {  	s3 =	sld [smem:$0x3FFC];
	_ =	sdelay $0x3  }
0x94: {  	_ =	strace s3  }
0x95: {  	s3 =	sld [smem:$0x3FFD];
	_ =	sdelay $0x3  }
0x96: {  	_ =	strace s3  }
0x97: {  	_ =	strace $0x8FFFFFFF  }
0x98: {  	s19 =	sld [smem:$0x3FDB];
	_ =	sdelay $0x1  }
0x99: {  	s4 =	simm.s32 $_scs_section_size  }
0x9a: {  	s5 =	simm.s32 $_size__tile_overlayer_lowered;
	s6 =	simm.s32 $_tile_overlayer_lowered  }
0x9b: {  	s22 =	simm.s32 $0x1BFF;
	s21 =	sshll.u32 s6, $0x1;
	s3 =	sadd.s32 s4, s19  }
0x9c: {  	s7 =	simm.s32 $0x0;
	s20 =	sshll.u32 s5, $0x1;
	s5 =	sadd.s32 s21, s3  }
0x9d: {  	[timem:s7], [sflag:s22] =	dma.local [hbm:s5], s20  }
0x9e: {  	_ =	swait.ge [sflag:s22], s20  }
0x9f: {  	s4 =	ssub.s32 $0x0, s20;
	[sflag:s22] =	ssyncset.done $0x0  }
0xa0: {  	[sflag:s22] =	ssyncadd.s32 s4;
	_ =	sdelay $0x1  }
0xa1: {  	s23 =	simm.s32 $0x1B8B  }
0xa2: {  	_ =	swait.ge [sflag:s23], $0x1  }
0xa3: {  	[sflag:s23] =	ssyncset.done $0x0  }
0xa4: {  	s25 =	simm.s32 $0x1B8E;
	s24 =	sld [smem:$0x3FFE];
	[sflag:s23] =	ssyncadd.s32 $0xFFFFFFFF  }
0xa5: {  	s26 =	simm.s32 $execute0_lowered;
	[smem:$0x3FD2] =	sst s25  }
0xa6: {  	s5 =	sshll.u32 s26, $0x1;
	_ =	strace $0x80000046;
	[dreg:$0x1] =	wrdreg $0xFFFFFFFF  }
0xa7: {  	s28 =	simm.s32 $_size_execute0_lowered;
	s3 =	sadd.s32 s3, s5;
	[dreg:$0x0] =	wrdreg $0x0  }
0xa8: {  	s5 =	sshll.u32 s28, $0x1;
	[dreg:$0x2] =	wrdreg s3  }
0xa9: {  	[dreg:$0x3] =	wrdreg s5  }
0xaa: {  	[dreg:$0x4] =	wrdreg $0xC0  }
0xab: {  	_ =	task [dreg:s7], $0x5FFFF  }
0xac: {  	[dreg:$0x1] =	wrdreg $0xFFFFFFFF  }
0xad: {  	[dreg:$0x0] =	wrdreg $0x60  }
0xae: {  	[dreg:$0x2] =	wrdreg s2  }
0xaf: {  	[dreg:$0x3] =	wrdreg s24  }
0xb0: {  	[dreg:$0x4] =	wrdreg $0x9  }
0xb1: {  	_ =	task.clear_ibuf [dreg:s7], $0x5FFFF;
	_ =	strace $0x90000046  }
0xb2: {  	s29 =	simm.s32 $0x9;
	_ =	strace $0x80000048  }
0xb3: {  	_ =	swait.ge [sflag:s29], $0x1  }
0xb4: {  	[sflag:s29] =	ssyncadd.s32 $0xFFFFFFFF  }
0xb5: {  	_ =	strace $0x90000048  }
0xb6: {  	_ =	sfence  }
0xb7: {  	s30 =	sld [smem:$0x0];
	_ =	sdelay $0x2  }
0xb8: {  	s31 =	sshll.u32 s1, $0xD;
	s1 =	sshrl.u32 s1, $0x2  }
0xb9: {  	s3 =	sand.u32 $0x4000, s31;
	s1 =	sadd.s32 s1, s30  }
0xba: {  	s0 =	sor.u32 s3, s0;
	s1 =	sshll.u32 s1, $0x11  }
0xbb: {  	s0 =	sor.u32 s1, s0  }
0xbc: {  	s0 =	sadd.s32 $0x8F2B, s0  }
0xbd: {  	[sflag:s0] =	ssyncadd.remote.s32 $0x1  }
0xbe: {  	_ =	sfence.sel $0xFFFF  }
0xbf: {  	[dreg:$0x0] =	wrdreg $0xFFFFFFFF;
	(pc) =	sbr.abs _section_cstart, $3  }
0xc0: {  	[dreg:$0x1] =	wrdreg $0xFFFFFFFF  }
0xc1: {  	_ =	task.clear_ibuf [dreg:s7], $0x2FFFF;
	_ =	strace $0x9FFFFFFF  }
0xc2: {  	(tm) =	ssettm $0x7FFFFFFF  }
0xc3: {  	_ =	shalt  }
tec
execute0_lowered:
.L_overlay_start_1:
0x0: {  	(tag) =	ssettag $0x1  }
0x1: {  	v0 =	vimm.s32 $0x183;
	vm0 =	vcmask $0x300  }
0x2: {  	vm14 =	vcmask $0x704;
	v0 =	vsel vm0, $0x0, v0  }
0x3: {  	vm15 =	vcmask $0xB08;
	v0 =	vsel vm14, $0x80, v0  }
0x4: {  	vm4 =	vcmask $0xF0C;
	v0 =	vsel vm15, $0x100, v0  }
0x5: {  	vm5 =	vcmask $0x1310;
	v0 =	vsel vm4, $0x180, v0  }
0x6: {  	vm6 =	vcmask $0x1714;
	v0 =	vsel vm5, $0x1, v0  }
0x7: {  	vm7 =	vcmask $0x1B18;
	v0 =	vsel vm6, $0x81, v0  }
0x8: {  	vm8 =	vcmask $0x1F1C;
	v0 =	vsel vm7, $0x101, v0  }
0x9: {  	s0 =	rddreg [dreg:$0x0];
	vm9 =	vcmask $0x2320;
	v0 =	vsel vm8, $0x181, v0  }
0xa: {  	s4 =	rddreg [dreg:$0x1];
	vm10 =	vcmask $0x2724;
	v0 =	vsel vm9, $0x2, v0  }
0xb: {  	s3 =	srdreg.scid;
	s1 =	rddreg [dreg:$0x2];
	s2 =	simm.s32 $0x0;
	vm11 =	vcmask $0x2B28;
	v0 =	vsel vm10, $0x82, v0  }
0xc: {  	vm12 =	vcmask $0x2F2C;
	s8 =	simm.s32 $0x8000;
	s9 =	simm.s32 $0x0;
	s5 =	sand.u32 $0x1, s3;
	v0 =	vsel vm11, $0x102, v0  }
0xd: {  	vm13 =	vcmask $0x3330;
	[smem:$0x7FF] =	sst s2;
	s3 =	stileid.u32;
	s6 =	ssub.s32 $0x2, s5;
	v0 =	vsel vm12, $0x182, v0  }
0xe: {  	s4 =	sadd.s32 $0x800, s4;
	_ =	strace $0x80000047;
	vm14 =	vcmask $0x3734;
	s7 =	sshrl.u32 s6, $0x1;
	v0 =	vsel vm13, $0x3, v0  }
0xf: {  	s31 =	sshll.u32 s3, $0x13;
	s5 =	sshll.u32 s5, $0x12;
	vm15 =	vcmask $0x3B38;
	s6 =	ssub.s32 s6, s7;
	v0 =	vsel vm14, $0x83, v0  }
0x10: {  	s5 =	sor.u32 s5, s31;
	s7 =	simm.s32 $0x1;
	s6 =	smax.u32 s6, $0x1;
	v0 =	vsel vm15, $0x103, v0  }
.LBB2_1:
0x11: {  	s10 =	simm.s32 $0x0  }
.LBB2_2:
0x12: {  	s11 =	sshll.u32 s10, $0xC  }
0x13: {  	s12 =	simm.s32 $0x0;
	s11 =	sadd.s32 s5, s11  }
0x14: {  	v1 =	vor.u32 s12, v0;
	s13 =	sadd.s32 s0, s11  }
0x15: {  	[tilespmem:s2], [sflag:$0x1] =	stream.linear.gather [hbm4b:s13+s2], $0x8000, $0x38;
	[tilespmem:$0x10000] =	vst v63  }
0x16: {  	_ =	swait.ge [sflag:s7], $0x8000  }
0x17: {  	[sflag:s7] =	ssyncset.done $0x0  }
0x18: {  	[sflag:s7] =	ssyncadd.s32 $0xFFFF8000  }
0x19: {  	s17 =	simm.s32 $0x4;
	v1 =	vld.idx.msk [tilespmem:v1+s2+$0x0], $0xffff  }
0x1a: {  	v2 =	vor.u32 s17, v0;
	_ =	sdelay $0x2  }
0x1b: {  	s12 =	simm.s32 $0x8100  }
0x1c: {  	[tilespmem:s12+$0xFFFFFF00] =	vst v1  }
0x1d: {  	s18 =	simm.s32 $0x8;
	v1 =	vld.idx.msk [tilespmem:v2+s2+$0x0], $0xffff  }
0x1e: {  	v2 =	vor.u32 s18, v0;
	_ =	sdelay $0x3  }
0x1f: {  	[tilespmem:s12+$0xFFFFFF10] =	vst v1  }
0x20: {  	s19 =	simm.s32 $0xC;
	v1 =	vld.idx.msk [tilespmem:v2+s2+$0x0], $0xffff  }
0x21: {  	v2 =	vor.u32 s19, v0;
	_ =	sdelay $0x3  }
0x22: {  	[tilespmem:s12+$0xFFFFFF20] =	vst v1  }
0x23: {  	s20 =	simm.s32 $0x10;
	v1 =	vld.idx.msk [tilespmem:v2+s2+$0x0], $0xffff  }
0x24: {  	v2 =	vor.u32 s20, v0;
	_ =	sdelay $0x3  }
0x25: {  	[tilespmem:s12+$0xFFFFFF30] =	vst v1  }
0x26: {  	s21 =	simm.s32 $0x14;
	v1 =	vld.idx.msk [tilespmem:v2+s2+$0x0], $0xffff  }
0x27: {  	v2 =	vor.u32 s21, v0;
	_ =	sdelay $0x3  }
0x28: {  	[tilespmem:s12+$0xFFFFFF40] =	vst v1  }
0x29: {  	s22 =	simm.s32 $0x18;
	v1 =	vld.idx.msk [tilespmem:v2+s2+$0x0], $0xffff  }
0x2a: {  	v2 =	vor.u32 s22, v0;
	_ =	sdelay $0x3  }
0x2b: {  	[tilespmem:s12+$0xFFFFFF50] =	vst v1  }
0x2c: {  	s23 =	simm.s32 $0x1C;
	v1 =	vld.idx.msk [tilespmem:v2+s2+$0x0], $0xffff  }
0x2d: {  	v2 =	vor.u32 s23, v0;
	_ =	sdelay $0x3  }
0x2e: {  	[tilespmem:s12+$0xFFFFFF60] =	vst v1  }
0x2f: {  	s24 =	simm.s32 $0x20;
	v1 =	vld.idx.msk [tilespmem:v2+s2+$0x0], $0xffff  }
0x30: {  	v2 =	vor.u32 s24, v0;
	_ =	sdelay $0x3  }
0x31: {  	[tilespmem:s12+$0xFFFFFF70] =	vst v1  }
0x32: {  	s25 =	simm.s32 $0x24;
	v1 =	vld.idx.msk [tilespmem:v2+s2+$0x0], $0xffff  }
0x33: {  	v2 =	vor.u32 s25, v0;
	_ =	sdelay $0x3  }
0x34: {  	[tilespmem:s12+$0xFFFFFF80] =	vst v1  }
0x35: {  	s26 =	simm.s32 $0x28;
	v1 =	vld.idx.msk [tilespmem:v2+s2+$0x0], $0xffff  }
0x36: {  	v2 =	vor.u32 s26, v0;
	_ =	sdelay $0x3  }
0x37: {  	[tilespmem:s12+$0xFFFFFF90] =	vst v1  }
0x38: {  	s28 =	simm.s32 $0x2C;
	v1 =	vld.idx.msk [tilespmem:v2+s2+$0x0], $0xffff  }
0x39: {  	v2 =	vor.u32 s28, v0;
	_ =	sdelay $0x3  }
0x3a: {  	[tilespmem:s12+$0xFFFFFFA0] =	vst v1  }
0x3b: {  	s29 =	simm.s32 $0x30;
	v1 =	vld.idx.msk [tilespmem:v2+s2+$0x0], $0xffff  }
0x3c: {  	v2 =	vor.u32 s29, v0;
	_ =	sdelay $0x3  }
0x3d: {  	[tilespmem:s12+$0xFFFFFFB0] =	vst v1  }
0x3e: {  	s30 =	simm.s32 $0x34;
	v1 =	vld.idx.msk [tilespmem:v2+s2+$0x0], $0xffff  }
0x3f: {  	v2 =	vor.u32 s30, v0;
	_ =	sdelay $0x3  }
0x40: {  	[tilespmem:s12+$0xFFFFFFC0] =	vst v1  }
0x41: {  	s31 =	simm.s32 $0x38;
	v1 =	vld.idx.msk [tilespmem:v2+s2+$0x0], $0xffff  }
0x42: {  	v2 =	vor.u32 s31, v0;
	_ =	sdelay $0x3  }
0x43: {  	[tilespmem:s12+$0xFFFFFFD0] =	vst v1  }
0x44: {  	s14 =	simm.s32 $0x3C;
	v1 =	vld.idx.msk [tilespmem:v2+s2+$0x0], $0xffff  }
0x45: {  	v2 =	vor.u32 s14, v0;
	_ =	sdelay $0x3  }
0x46: {  	[tilespmem:s12+$0xFFFFFFE0] =	vst v1  }
0x47: {  	s15 =	simm.s32 $0x40;
	v1 =	vld.idx.msk [tilespmem:v2+s2+$0x0], $0xffff  }
0x48: {  	v2 =	vor.u32 s15, v0;
	_ =	sdelay $0x3  }
0x49: {  	[tilespmem:s12+$0xFFFFFFF0] =	vst v1  }
0x4a: {  	s16 =	simm.s32 $0x44;
	v1 =	vld.idx.msk [tilespmem:v2+s2+$0x0], $0xffff  }
0x4b: {  	v2 =	vor.u32 s16, v0;
	_ =	sdelay $0x3  }
0x4c: {  	[tilespmem:s12+$0x0] =	vst v1  }
0x4d: {  	s17 =	simm.s32 $0x48;
	v1 =	vld.idx.msk [tilespmem:v2+s2+$0x0], $0xffff  }
0x4e: {  	v2 =	vor.u32 s17, v0;
	_ =	sdelay $0x3  }
0x4f: {  	[tilespmem:s12+$0x10] =	vst v1  }
0x50: {  	s18 =	simm.s32 $0x4C;
	v1 =	vld.idx.msk [tilespmem:v2+s2+$0x0], $0xffff  }
0x51: {  	v2 =	vor.u32 s18, v0;
	_ =	sdelay $0x3  }
0x52: {  	[tilespmem:s12+$0x20] =	vst v1  }
0x53: {  	s19 =	simm.s32 $0x50;
	v1 =	vld.idx.msk [tilespmem:v2+s2+$0x0], $0xffff  }
0x54: {  	v2 =	vor.u32 s19, v0;
	_ =	sdelay $0x3  }
0x55: {  	[tilespmem:s12+$0x30] =	vst v1  }
0x56: {  	s20 =	simm.s32 $0x54;
	v1 =	vld.idx.msk [tilespmem:v2+s2+$0x0], $0xffff  }
0x57: {  	v2 =	vor.u32 s20, v0;
	_ =	sdelay $0x3  }
0x58: {  	[tilespmem:s12+$0x40] =	vst v1  }
0x59: {  	s21 =	simm.s32 $0x58;
	v1 =	vld.idx.msk [tilespmem:v2+s2+$0x0], $0xffff  }
0x5a: {  	v2 =	vor.u32 s21, v0;
	_ =	sdelay $0x3  }
0x5b: {  	[tilespmem:s12+$0x50] =	vst v1  }
0x5c: {  	s22 =	simm.s32 $0x5C;
	v1 =	vld.idx.msk [tilespmem:v2+s2+$0x0], $0xffff  }
0x5d: {  	v2 =	vor.u32 s22, v0;
	_ =	sdelay $0x3  }
0x5e: {  	[tilespmem:s12+$0x60] =	vst v1  }
0x5f: {  	s23 =	simm.s32 $0x60;
	v1 =	vld.idx.msk [tilespmem:v2+s2+$0x0], $0xffff  }
0x60: {  	v2 =	vor.u32 s23, v0;
	_ =	sdelay $0x3  }
0x61: {  	[tilespmem:s12+$0x70] =	vst v1  }
0x62: {  	s24 =	simm.s32 $0x64;
	v1 =	vld.idx.msk [tilespmem:v2+s2+$0x0], $0xffff  }
0x63: {  	v2 =	vor.u32 s24, v0;
	_ =	sdelay $0x3  }
0x64: {  	[tilespmem:s12+$0x80] =	vst v1  }
0x65: {  	s25 =	simm.s32 $0x68;
	v1 =	vld.idx.msk [tilespmem:v2+s2+$0x0], $0xffff  }
0x66: {  	v2 =	vor.u32 s25, v0;
	_ =	sdelay $0x3  }
0x67: {  	[tilespmem:s12+$0x90] =	vst v1  }
0x68: {  	s26 =	simm.s32 $0x6C;
	v1 =	vld.idx.msk [tilespmem:v2+s2+$0x0], $0xffff  }
0x69: {  	v2 =	vor.u32 s26, v0;
	_ =	sdelay $0x3  }
0x6a: {  	[tilespmem:s12+$0xA0] =	vst v1  }
0x6b: {  	s28 =	simm.s32 $0x70;
	v1 =	vld.idx.msk [tilespmem:v2+s2+$0x0], $0xffff  }
0x6c: {  	v2 =	vor.u32 s28, v0;
	_ =	sdelay $0x3  }
0x6d: {  	[tilespmem:s12+$0xB0] =	vst v1  }
0x6e: {  	s29 =	simm.s32 $0x74;
	v1 =	vld.idx.msk [tilespmem:v2+s2+$0x0], $0xffff  }
0x6f: {  	v2 =	vor.u32 s29, v0;
	_ =	sdelay $0x3  }
0x70: {  	[tilespmem:s12+$0xC0] =	vst v1  }
0x71: {  	s30 =	simm.s32 $0x78;
	v1 =	vld.idx.msk [tilespmem:v2+s2+$0x0], $0xffff  }
0x72: {  	v2 =	vor.u32 s30, v0;
	_ =	sdelay $0x3  }
0x73: {  	[tilespmem:s12+$0xD0] =	vst v1  }
0x74: {  	s31 =	simm.s32 $0x7C;
	v1 =	vld.idx.msk [tilespmem:v2+s2+$0x0], $0xffff  }
0x75: {  	v2 =	vor.u32 s31, v0;
	_ =	sdelay $0x3  }
0x76: {  	[tilespmem:s12+$0xE0] =	vst v1  }
0x77: {  	s13 =	simm.s32 $0x27C;
	s14 =	simm.s32 $0x47C;
	s15 =	simm.s32 $0x200;
	v1 =	vld.idx.msk [tilespmem:v2+s2+$0x0], $0xffff  }
.LBB2_3:
0x78: {  	p0 =	sne.s32 s14, $0x7E7C;
	v2 =	vor.u32 s15, v0;
	_ =	sdelay $0x3  }
0x79: {  	[tilespmem:s12+$0xF0] =	vst v1  }
0x7a: {  	v1 =	vld.idx.msk [tilespmem:v2+s2+$0x0], $0xffff  }
0x7b: {  	s15 =	sadd.s32 $0xFFFFFF88, s13  }
0x7c: {  	v2 =	vor.u32 s15, v0;
	_ =	sdelay $0x2  }
0x7d: {  	s12 =	sadd.s32 $0x200, s12  }
0x7e: {  	[tilespmem:s12+$0xFFFFFF00] =	vst v1  }
0x7f: {  	v1 =	vld.idx.msk [tilespmem:v2+s2+$0x0], $0xffff  }
0x80: {  	s15 =	sadd.s32 $0xFFFFFF8C, s13  }
0x81: {  	v2 =	vor.u32 s15, v0;
	_ =	sdelay $0x3  }
0x82: {  	[tilespmem:s12+$0xFFFFFF10] =	vst v1  }
0x83: {  	v1 =	vld.idx.msk [tilespmem:v2+s2+$0x0], $0xffff  }
0x84: {  	s15 =	sadd.s32 $0xFFFFFF90, s13  }
0x85: {  	v2 =	vor.u32 s15, v0;
	_ =	sdelay $0x3  }
0x86: {  	[tilespmem:s12+$0xFFFFFF20] =	vst v1  }
0x87: {  	v1 =	vld.idx.msk [tilespmem:v2+s2+$0x0], $0xffff  }
0x88: {  	s15 =	sadd.s32 $0xFFFFFF94, s13  }
0x89: {  	v2 =	vor.u32 s15, v0;
	_ =	sdelay $0x3  }
0x8a: {  	[tilespmem:s12+$0xFFFFFF30] =	vst v1  }
0x8b: {  	v1 =	vld.idx.msk [tilespmem:v2+s2+$0x0], $0xffff  }
0x8c: {  	s15 =	sadd.s32 $0xFFFFFF98, s13  }
0x8d: {  	v2 =	vor.u32 s15, v0;
	_ =	sdelay $0x3  }
0x8e: {  	[tilespmem:s12+$0xFFFFFF40] =	vst v1  }
0x8f: {  	v1 =	vld.idx.msk [tilespmem:v2+s2+$0x0], $0xffff  }
0x90: {  	s15 =	sadd.s32 $0xFFFFFF9C, s13  }
0x91: {  	v2 =	vor.u32 s15, v0;
	_ =	sdelay $0x3  }
0x92: {  	[tilespmem:s12+$0xFFFFFF50] =	vst v1  }
0x93: {  	v1 =	vld.idx.msk [tilespmem:v2+s2+$0x0], $0xffff  }
0x94: {  	s15 =	sadd.s32 $0xFFFFFFA0, s13  }
0x95: {  	v2 =	vor.u32 s15, v0;
	_ =	sdelay $0x3  }
0x96: {  	[tilespmem:s12+$0xFFFFFF60] =	vst v1  }
0x97: {  	v1 =	vld.idx.msk [tilespmem:v2+s2+$0x0], $0xffff  }
0x98: {  	s15 =	sadd.s32 $0xFFFFFFA4, s13  }
0x99: {  	v2 =	vor.u32 s15, v0;
	_ =	sdelay $0x3  }
0x9a: {  	[tilespmem:s12+$0xFFFFFF70] =	vst v1  }
0x9b: {  	v1 =	vld.idx.msk [tilespmem:v2+s2+$0x0], $0xffff  }
0x9c: {  	s15 =	sadd.s32 $0xFFFFFFA8, s13  }
0x9d: {  	v2 =	vor.u32 s15, v0;
	_ =	sdelay $0x3  }
0x9e: {  	[tilespmem:s12+$0xFFFFFF80] =	vst v1  }
0x9f: {  	v1 =	vld.idx.msk [tilespmem:v2+s2+$0x0], $0xffff  }
0xa0: {  	s15 =	sadd.s32 $0xFFFFFFAC, s13  }
0xa1: {  	v2 =	vor.u32 s15, v0;
	_ =	sdelay $0x3  }
0xa2: {  	[tilespmem:s12+$0xFFFFFF90] =	vst v1  }
0xa3: {  	v1 =	vld.idx.msk [tilespmem:v2+s2+$0x0], $0xffff  }
0xa4: {  	s15 =	sadd.s32 $0xFFFFFFB0, s13  }
0xa5: {  	v2 =	vor.u32 s15, v0;
	_ =	sdelay $0x3  }
0xa6: {  	[tilespmem:s12+$0xFFFFFFA0] =	vst v1  }
0xa7: {  	v1 =	vld.idx.msk [tilespmem:v2+s2+$0x0], $0xffff  }
0xa8: {  	s15 =	sadd.s32 $0xFFFFFFB4, s13  }
0xa9: {  	v2 =	vor.u32 s15, v0;
	_ =	sdelay $0x3  }
0xaa: {  	[tilespmem:s12+$0xFFFFFFB0] =	vst v1  }
0xab: {  	v1 =	vld.idx.msk [tilespmem:v2+s2+$0x0], $0xffff  }
0xac: {  	s15 =	sadd.s32 $0xFFFFFFB8, s13  }
0xad: {  	v2 =	vor.u32 s15, v0;
	_ =	sdelay $0x3  }
0xae: {  	[tilespmem:s12+$0xFFFFFFC0] =	vst v1  }
0xaf: {  	v1 =	vld.idx.msk [tilespmem:v2+s2+$0x0], $0xffff  }
0xb0: {  	s15 =	sadd.s32 $0xFFFFFFBC, s13  }
0xb1: {  	v2 =	vor.u32 s15, v0;
	_ =	sdelay $0x3  }
0xb2: {  	[tilespmem:s12+$0xFFFFFFD0] =	vst v1  }
0xb3: {  	v1 =	vld.idx.msk [tilespmem:v2+s2+$0x0], $0xffff  }
0xb4: {  	s15 =	sadd.s32 $0xFFFFFFC0, s13  }
0xb5: {  	v2 =	vor.u32 s15, v0;
	_ =	sdelay $0x3  }
0xb6: {  	[tilespmem:s12+$0xFFFFFFE0] =	vst v1  }
0xb7: {  	v1 =	vld.idx.msk [tilespmem:v2+s2+$0x0], $0xffff  }
0xb8: {  	s15 =	sadd.s32 $0xFFFFFFC4, s13  }
0xb9: {  	v2 =	vor.u32 s15, v0;
	_ =	sdelay $0x3  }
0xba: {  	[tilespmem:s12+$0xFFFFFFF0] =	vst v1  }
0xbb: {  	v1 =	vld.idx.msk [tilespmem:v2+s2+$0x0], $0xffff  }
0xbc: {  	s15 =	sadd.s32 $0xFFFFFFC8, s13  }
0xbd: {  	v2 =	vor.u32 s15, v0;
	_ =	sdelay $0x3  }
0xbe: {  	[tilespmem:s12+$0x0] =	vst v1  }
0xbf: {  	v1 =	vld.idx.msk [tilespmem:v2+s2+$0x0], $0xffff  }
0xc0: {  	s15 =	sadd.s32 $0xFFFFFFCC, s13  }
0xc1: {  	v2 =	vor.u32 s15, v0;
	_ =	sdelay $0x3  }
0xc2: {  	[tilespmem:s12+$0x10] =	vst v1  }
0xc3: {  	v1 =	vld.idx.msk [tilespmem:v2+s2+$0x0], $0xffff  }
0xc4: {  	s15 =	sadd.s32 $0xFFFFFFD0, s13  }
0xc5: {  	v2 =	vor.u32 s15, v0;
	_ =	sdelay $0x3  }
0xc6: {  	[tilespmem:s12+$0x20] =	vst v1  }
0xc7: {  	v1 =	vld.idx.msk [tilespmem:v2+s2+$0x0], $0xffff  }
0xc8: {  	s15 =	sadd.s32 $0xFFFFFFD4, s13  }
0xc9: {  	v2 =	vor.u32 s15, v0;
	_ =	sdelay $0x3  }
0xca: {  	[tilespmem:s12+$0x30] =	vst v1  }
0xcb: {  	v1 =	vld.idx.msk [tilespmem:v2+s2+$0x0], $0xffff  }
0xcc: {  	s15 =	sadd.s32 $0xFFFFFFD8, s13  }
0xcd: {  	v2 =	vor.u32 s15, v0;
	_ =	sdelay $0x3  }
0xce: {  	[tilespmem:s12+$0x40] =	vst v1  }
0xcf: {  	v1 =	vld.idx.msk [tilespmem:v2+s2+$0x0], $0xffff  }
0xd0: {  	s15 =	sadd.s32 $0xFFFFFFDC, s13  }
0xd1: {  	v2 =	vor.u32 s15, v0;
	_ =	sdelay $0x3  }
0xd2: {  	[tilespmem:s12+$0x50] =	vst v1  }
0xd3: {  	v1 =	vld.idx.msk [tilespmem:v2+s2+$0x0], $0xffff  }
0xd4: {  	s15 =	sadd.s32 $0xFFFFFFE0, s13  }
0xd5: {  	v2 =	vor.u32 s15, v0;
	_ =	sdelay $0x3  }
0xd6: {  	[tilespmem:s12+$0x60] =	vst v1  }
0xd7: {  	v1 =	vld.idx.msk [tilespmem:v2+s2+$0x0], $0xffff  }
0xd8: {  	s15 =	sadd.s32 $0xFFFFFFE4, s13  }
0xd9: {  	v2 =	vor.u32 s15, v0;
	_ =	sdelay $0x3  }
0xda: {  	[tilespmem:s12+$0x70] =	vst v1  }
0xdb: {  	v1 =	vld.idx.msk [tilespmem:v2+s2+$0x0], $0xffff  }
0xdc: {  	s15 =	sadd.s32 $0xFFFFFFE8, s13  }
0xdd: {  	v2 =	vor.u32 s15, v0;
	_ =	sdelay $0x3  }
0xde: {  	[tilespmem:s12+$0x80] =	vst v1  }
0xdf: {  	v1 =	vld.idx.msk [tilespmem:v2+s2+$0x0], $0xffff  }
0xe0: {  	s15 =	sadd.s32 $0xFFFFFFEC, s13  }
0xe1: {  	v2 =	vor.u32 s15, v0;
	_ =	sdelay $0x3  }
0xe2: {  	[tilespmem:s12+$0x90] =	vst v1  }
0xe3: {  	v1 =	vld.idx.msk [tilespmem:v2+s2+$0x0], $0xffff  }
0xe4: {  	s15 =	sadd.s32 $0xFFFFFFF0, s13  }
0xe5: {  	v2 =	vor.u32 s15, v0;
	_ =	sdelay $0x3  }
0xe6: {  	[tilespmem:s12+$0xA0] =	vst v1  }
0xe7: {  	v1 =	vld.idx.msk [tilespmem:v2+s2+$0x0], $0xffff  }
0xe8: {  	s15 =	sadd.s32 $0xFFFFFFF4, s13  }
0xe9: {  	v2 =	vor.u32 s15, v0;
	_ =	sdelay $0x3  }
0xea: {  	[tilespmem:s12+$0xB0] =	vst v1  }
0xeb: {  	v1 =	vld.idx.msk [tilespmem:v2+s2+$0x0], $0xffff  }
0xec: {  	s15 =	sadd.s32 $0xFFFFFFF8, s13  }
0xed: {  	v2 =	vor.u32 s15, v0;
	_ =	sdelay $0x3  }
0xee: {  	[tilespmem:s12+$0xC0] =	vst v1  }
0xef: {  	v1 =	vld.idx.msk [tilespmem:v2+s2+$0x0], $0xffff  }
0xf0: {  	s15 =	sadd.s32 $0xFFFFFFFC, s13  }
0xf1: {  	v2 =	vor.u32 s15, v0;
	_ =	sdelay $0x3  }
0xf2: {  	[tilespmem:s12+$0xD0] =	vst v1  }
0xf3: {  	v1 =	vld.idx.msk [tilespmem:v2+s2+$0x0], $0xffff;
	_ =	sdelay $0x1  }
0xf4: {  	v2 =	vor.u32 s13, v0;
	s13 =	smov.u32 s14;
	_ =	sdelay $0x1  }
.Ltmp0:
0xf5: {  	(pc) =	sbr.rel @p0 .LBB2_3-.Ltmp0, $4  }
0xf6: {  	_ = 	snop  }
0xf7: {  	[tilespmem:s12+$0xE0] =	vst v1  }
0xf8: {  	v1 =	vld.idx.msk [tilespmem:v2+s2+$0x0], $0xffff  }
0xf9: {  	s14 =	sadd.s32 $0x200, s14;
	s15 =	sadd.s32 $0xFFFFFF84, s13  }
0xfa: {  	v2 =	vor.u32 s15, v0;
	_ =	sdelay $0x3  }
0xfb: {  	[tilespmem:s12+$0xF0] =	vst v1  }
0xfc: {  	s14 =	sadd.s32 $0xFFFFFF88, s13;
	v1 =	vld.idx.msk [tilespmem:v2+s2+$0x0], $0xffff  }
0xfd: {  	v2 =	vor.u32 s14, v0;
	_ =	sdelay $0x2  }
0xfe: {  	s12 =	sadd.s32 $0x200, s12  }
0xff: {  	[tilespmem:s12+$0xFFFFFF00] =	vst v1  }
0x100: {  	s18 =	sadd.s32 $0xFFFFFF8C, s13;
	v1 =	vld.idx.msk [tilespmem:v2+s2+$0x0], $0xffff  }
0x101: {  	v2 =	vor.u32 s18, v0;
	_ =	sdelay $0x3  }
0x102: {  	[tilespmem:s12+$0xFFFFFF10] =	vst v1  }
0x103: {  	s19 =	sadd.s32 $0xFFFFFF90, s13;
	v1 =	vld.idx.msk [tilespmem:v2+s2+$0x0], $0xffff  }
0x104: {  	v2 =	vor.u32 s19, v0;
	_ =	sdelay $0x3  }
0x105: {  	[tilespmem:s12+$0xFFFFFF20] =	vst v1  }
0x106: {  	s20 =	sadd.s32 $0xFFFFFF94, s13;
	v1 =	vld.idx.msk [tilespmem:v2+s2+$0x0], $0xffff  }
0x107: {  	v2 =	vor.u32 s20, v0;
	_ =	sdelay $0x3  }
0x108: {  	[tilespmem:s12+$0xFFFFFF30] =	vst v1  }
0x109: {  	s21 =	sadd.s32 $0xFFFFFF98, s13;
	v1 =	vld.idx.msk [tilespmem:v2+s2+$0x0], $0xffff  }
0x10a: {  	v2 =	vor.u32 s21, v0;
	_ =	sdelay $0x3  }
0x10b: {  	[tilespmem:s12+$0xFFFFFF40] =	vst v1  }
0x10c: {  	s22 =	sadd.s32 $0xFFFFFF9C, s13;
	v1 =	vld.idx.msk [tilespmem:v2+s2+$0x0], $0xffff  }
0x10d: {  	v2 =	vor.u32 s22, v0;
	_ =	sdelay $0x3  }
0x10e: {  	[tilespmem:s12+$0xFFFFFF50] =	vst v1  }
0x10f: {  	s23 =	sadd.s32 $0xFFFFFFA0, s13;
	v1 =	vld.idx.msk [tilespmem:v2+s2+$0x0], $0xffff  }
0x110: {  	v2 =	vor.u32 s23, v0;
	_ =	sdelay $0x3  }
0x111: {  	[tilespmem:s12+$0xFFFFFF60] =	vst v1  }
0x112: {  	s24 =	sadd.s32 $0xFFFFFFA4, s13;
	v1 =	vld.idx.msk [tilespmem:v2+s2+$0x0], $0xffff  }
0x113: {  	v2 =	vor.u32 s24, v0;
	_ =	sdelay $0x3  }
0x114: {  	[tilespmem:s12+$0xFFFFFF70] =	vst v1  }
0x115: {  	s25 =	sadd.s32 $0xFFFFFFA8, s13;
	v1 =	vld.idx.msk [tilespmem:v2+s2+$0x0], $0xffff  }
0x116: {  	v2 =	vor.u32 s25, v0;
	_ =	sdelay $0x3  }
0x117: {  	[tilespmem:s12+$0xFFFFFF80] =	vst v1  }
0x118: {  	s26 =	sadd.s32 $0xFFFFFFAC, s13;
	v1 =	vld.idx.msk [tilespmem:v2+s2+$0x0], $0xffff  }
0x119: {  	v2 =	vor.u32 s26, v0;
	_ =	sdelay $0x3  }
0x11a: {  	[tilespmem:s12+$0xFFFFFF90] =	vst v1  }
0x11b: {  	s28 =	sadd.s32 $0xFFFFFFB0, s13;
	v1 =	vld.idx.msk [tilespmem:v2+s2+$0x0], $0xffff  }
0x11c: {  	v2 =	vor.u32 s28, v0;
	_ =	sdelay $0x3  }
0x11d: {  	[tilespmem:s12+$0xFFFFFFA0] =	vst v1  }
0x11e: {  	s29 =	sadd.s32 $0xFFFFFFB4, s13;
	v1 =	vld.idx.msk [tilespmem:v2+s2+$0x0], $0xffff  }
0x11f: {  	v2 =	vor.u32 s29, v0;
	_ =	sdelay $0x3  }
0x120: {  	[tilespmem:s12+$0xFFFFFFB0] =	vst v1  }
0x121: {  	s30 =	sadd.s32 $0xFFFFFFB8, s13;
	v1 =	vld.idx.msk [tilespmem:v2+s2+$0x0], $0xffff  }
0x122: {  	v2 =	vor.u32 s30, v0;
	_ =	sdelay $0x3  }
0x123: {  	[tilespmem:s12+$0xFFFFFFC0] =	vst v1  }
0x124: {  	s31 =	sadd.s32 $0xFFFFFFBC, s13;
	v1 =	vld.idx.msk [tilespmem:v2+s2+$0x0], $0xffff  }
0x125: {  	v2 =	vor.u32 s31, v0;
	_ =	sdelay $0x3  }
0x126: {  	[tilespmem:s12+$0xFFFFFFD0] =	vst v1  }
0x127: {  	s15 =	sadd.s32 $0xFFFFFFC0, s13;
	v1 =	vld.idx.msk [tilespmem:v2+s2+$0x0], $0xffff  }
0x128: {  	v2 =	vor.u32 s15, v0;
	_ =	sdelay $0x3  }
0x129: {  	[tilespmem:s12+$0xFFFFFFE0] =	vst v1  }
0x12a: {  	s16 =	sadd.s32 $0xFFFFFFC4, s13;
	v1 =	vld.idx.msk [tilespmem:v2+s2+$0x0], $0xffff  }
0x12b: {  	v2 =	vor.u32 s16, v0;
	_ =	sdelay $0x3  }
0x12c: {  	[tilespmem:s12+$0xFFFFFFF0] =	vst v1  }
0x12d: {  	s17 =	sadd.s32 $0xFFFFFFC8, s13;
	v1 =	vld.idx.msk [tilespmem:v2+s2+$0x0], $0xffff  }
0x12e: {  	v2 =	vor.u32 s17, v0;
	_ =	sdelay $0x3  }
0x12f: {  	[tilespmem:s12+$0x0] =	vst v1  }
0x130: {  	s18 =	sadd.s32 $0xFFFFFFCC, s13;
	v1 =	vld.idx.msk [tilespmem:v2+s2+$0x0], $0xffff  }
0x131: {  	v2 =	vor.u32 s18, v0;
	_ =	sdelay $0x3  }
0x132: {  	[tilespmem:s12+$0x10] =	vst v1  }
0x133: {  	s19 =	sadd.s32 $0xFFFFFFD0, s13;
	v1 =	vld.idx.msk [tilespmem:v2+s2+$0x0], $0xffff  }
0x134: {  	v2 =	vor.u32 s19, v0;
	_ =	sdelay $0x3  }
0x135: {  	[tilespmem:s12+$0x20] =	vst v1  }
0x136: {  	s20 =	sadd.s32 $0xFFFFFFD4, s13;
	v1 =	vld.idx.msk [tilespmem:v2+s2+$0x0], $0xffff  }
0x137: {  	v2 =	vor.u32 s20, v0;
	_ =	sdelay $0x3  }
0x138: {  	[tilespmem:s12+$0x30] =	vst v1  }
0x139: {  	s21 =	sadd.s32 $0xFFFFFFD8, s13;
	v1 =	vld.idx.msk [tilespmem:v2+s2+$0x0], $0xffff  }
0x13a: {  	v2 =	vor.u32 s21, v0;
	_ =	sdelay $0x3  }
0x13b: {  	[tilespmem:s12+$0x40] =	vst v1  }
0x13c: {  	s22 =	sadd.s32 $0xFFFFFFDC, s13;
	v1 =	vld.idx.msk [tilespmem:v2+s2+$0x0], $0xffff  }
0x13d: {  	v2 =	vor.u32 s22, v0;
	_ =	sdelay $0x3  }
0x13e: {  	[tilespmem:s12+$0x50] =	vst v1  }
0x13f: {  	s23 =	sadd.s32 $0xFFFFFFE0, s13;
	v1 =	vld.idx.msk [tilespmem:v2+s2+$0x0], $0xffff  }
0x140: {  	v2 =	vor.u32 s23, v0;
	_ =	sdelay $0x3  }
0x141: {  	[tilespmem:s12+$0x60] =	vst v1  }
0x142: {  	s24 =	sadd.s32 $0xFFFFFFE4, s13;
	v1 =	vld.idx.msk [tilespmem:v2+s2+$0x0], $0xffff  }
0x143: {  	v2 =	vor.u32 s24, v0;
	_ =	sdelay $0x3  }
0x144: {  	[tilespmem:s12+$0x70] =	vst v1  }
0x145: {  	s25 =	sadd.s32 $0xFFFFFFE8, s13;
	v1 =	vld.idx.msk [tilespmem:v2+s2+$0x0], $0xffff  }
0x146: {  	v2 =	vor.u32 s25, v0;
	_ =	sdelay $0x3  }
0x147: {  	[tilespmem:s12+$0x80] =	vst v1  }
0x148: {  	s26 =	sadd.s32 $0xFFFFFFEC, s13;
	v1 =	vld.idx.msk [tilespmem:v2+s2+$0x0], $0xffff  }
0x149: {  	v2 =	vor.u32 s26, v0;
	_ =	sdelay $0x3  }
0x14a: {  	[tilespmem:s12+$0x90] =	vst v1  }
0x14b: {  	s28 =	sadd.s32 $0xFFFFFFF0, s13;
	v1 =	vld.idx.msk [tilespmem:v2+s2+$0x0], $0xffff  }
0x14c: {  	v2 =	vor.u32 s28, v0;
	_ =	sdelay $0x3  }
0x14d: {  	[tilespmem:s12+$0xA0] =	vst v1  }
0x14e: {  	s29 =	sadd.s32 $0xFFFFFFF4, s13;
	v1 =	vld.idx.msk [tilespmem:v2+s2+$0x0], $0xffff  }
0x14f: {  	v2 =	vor.u32 s29, v0;
	_ =	sdelay $0x3  }
0x150: {  	[tilespmem:s12+$0xB0] =	vst v1  }
0x151: {  	s30 =	sadd.s32 $0xFFFFFFF8, s13;
	v1 =	vld.idx.msk [tilespmem:v2+s2+$0x0], $0xffff  }
0x152: {  	v2 =	vor.u32 s30, v0;
	_ =	sdelay $0x3  }
0x153: {  	[tilespmem:s12+$0xC0] =	vst v1  }
0x154: {  	s31 =	sadd.s32 $0xFFFFFFFC, s13;
	v1 =	vld.idx.msk [tilespmem:v2+s2+$0x0], $0xffff  }
0x155: {  	v2 =	vor.u32 s31, v0;
	_ =	sdelay $0x3  }
0x156: {  	[tilespmem:s12+$0xD0] =	vst v1  }
0x157: {  	v1 =	vld.idx.msk [tilespmem:v2+s2+$0x0], $0xffff  }
0x158: {  	v2 =	vor.u32 s13, v0;
	_ =	sdelay $0x3  }
0x159: {  	[tilespmem:s12+$0xE0] =	vst v1  }
0x15a: {  	v1 =	vld.idx.msk [tilespmem:v2+s2+$0x0], $0xffff;
	_ =	sdelay $0x2  }
0x15b: {  	s10 =	sadd.s32 $0x1, s10  }
0x15c: {  	p0 =	sne.s32 s10, $0x40  }
.Ltmp1:
0x15d: {  	s11 =	sadd.s32 s4, s11;
	[tilespmem:s12+$0xF0] =	vst v1;
	(pc) =	sbr.rel @p0 .LBB2_2-.Ltmp1, $4  }
0x15e: {  	[hbm4b:s11+s2] =	stream.linear.scatter [tilespmem:s8], [sflag:$0x1], $0x8000, $0x38;
	[tilespmem:$0x10000] =	vst v63  }
0x15f: {  	_ =	swait.ge [sflag:s7], $0x8000  }
0x160: {  	[sflag:s7] =	ssyncset.done $0x0  }
0x161: {  	[sflag:s7] =	ssyncadd.s32 $0xFFFF8000  }
0x162: {  	s9 =	sadd.s32 $0x1, s9  }
0x163: {  	p0 =	sne.s32 s9, s6  }
.Ltmp2:
0x164: {  	_ = 	snop;
	(pc) =	sbr.rel @p0 .LBB2_1-.Ltmp2, $1  }
0x165: {  	_ =	sdelay $0x3  }
0x166: {  	_ =	sfence.sel $0x180000  }
0x167: {  	[bflag:$0x0] =	sbarrier.arrive $0xFFFF  }
0x168: {  	p0 =	sne.s32 s3, $0x0;
	_ =	strace $0x90000047  }
0x169: {  	s0 =	sadd.s32 @!p0 $0x100000, s1;
	[bflag:$0x2] =	sbarrier.arrive $0xFFFF  }
0x16a: {  	[sflag:s0] =	ssyncadd.tile.s32 @!p0 $0x1;
	_ =	shalt  }
.Lfunc_end2:
_tile_overlayer_lowered:
.L_overlay_start_2:
0x16b: {  	(tag) =	ssettag $0x2  }
0x16c: {  	s0 =	rddreg [dreg:$0x0];
	s2 =	stileid.u32  }
0x16d: {  	s1 =	rddreg [dreg:$0x1];
	p0 =	sne.s32 s2, $0x0  }
0x16e: {  	s3 =	rddreg [dreg:$0x2];
	[bflag:$0x3] =	sbarrier.arrive $0xFFFF;
	s2 =	simm.s32 @!p0 $0x1C01  }
0x16f: {  	[timem:s3], [sflag:s2] =	dma.local @!p0 [hbm:s0], s1  }
0x170: {  	s0 =	simm.s32 @!p0 $0x1  }
0x171: {  	_ =	swait.ge @!p0 [sflag:s0], s1  }
0x172: {  	s1 =	ssub.s32 @!p0 $0x0, s1;
	[sflag:s0] =	ssyncset.done @!p0 $0x0  }
0x173: {  	[sflag:s0] =	ssyncadd.s32 @!p0 s1  }
0x174: {  	[bflag:$0x3] =	sbarrier.arrive $0xFFFF  }
0x175: {  	_ =	shalt  }

// kernel: kernel.7.cloned.1.call-start
scs
__scs_entry_jumppad:
0x0: {  	(pc) =	sbr.rel $0x88, $3  }
0x1: {  	(tag) =	ssettag $0x0;
	lr =	simm.s32 $0x1  }
0x2: {  	[smem:$0x3F9F] =	sst lr;
	_ =	strace $0xD0000000  }
0x3: {  	_ = 	snop  }
0x4: {  	_ = 	snop  }
0x5: {  	_ = 	snop  }
0x6: {  	_ = 	snop  }
0x7: {  	_ = 	snop  }
__scs_overlays_trampoline_lowered:
0x8: {  	[smem:$0x3FAE] =	sst s0  }
0x9: {  	[smem:$0x3FAF] =	sst s1  }
0xa: {  	[smem:$0x3FB0] =	sst s2  }
0xb: {  	[smem:$0x3FB1] =	sst s3  }
0xc: {  	[smem:$0x3FB2] =	sst s4  }
0xd: {  	[smem:$0x3FB3] =	sst s5  }
0xe: {  	[smem:$0x3FB4] =	sst s6  }
0xf: {  	[smem:$0x3FB5] =	sst s7  }
0x10: {  	[smem:$0x3FB6] =	sst s8  }
0x11: {  	[smem:$0x3FB7] =	sst s9;
	s0 =	simm.s32 @!p0 $0x0  }
0x12: {  	s1 =	sld [smem:$0x3F9D];
	s0 =	simm.s32 @p0 $0x1  }
0x13: {  	[smem:$0x3FB8] =	sst s0;
	s0 =	simm.s32 @!p1 $0x0  }
0x14: {  	s2 =	sld [smem:$0x3F9C];
	s0 =	simm.s32 @p1 $0x1  }
0x15: {  	[smem:$0x3FB9] =	sst s0;
	s0 =	simm.s32 @!p2 $0x0  }
0x16: {  	s3 =	sld [smem:$0x3FDB];
	s0 =	simm.s32 @p2 $0x1  }
0x17: {  	s4 =	simm.s32 $0x1BF5;
	[smem:$0x3FBB] =	sst s0  }
0x18: {  	s0 =	sld [smem:$0x3F9E];
	_ =	swait.ge [sflag:s4], $0x0  }
0x19: {  	s7 =	sld [smem:$0x3F9F]  }
0x1a: {  	s8 =	sadd.s32 $0xFFFFE003, lr  }
0x1b: {  	s9 =	sadd.s32 $0xFFFFFEF7, lr;
	s5 =	simm.s32 $0xFFFFFFFF;
	p2 =	slt.u32 s8, $0xFFFFF086  }
0x1c: {  	p1 =	slt.u32 s9, $0xF7A;
	s5 =	simm.s32 @!p2 $0x0  }
0x1d: {  	s5 =	simm.s32 @p1 $0x1;
	p0 =	seq.s32 s7, s2  }
0x1e: {  	s7 =	smul.u32 @!p0 $0xF7A, s2;
	p2 =	seq.s32 @!p0 s5, $0x0  }
0x1f: {  	s9 =	smul.u32 $0xF7A, s1;
	s8 =	simm.s32 @!p0 $0x1BF5;
	p2 =	por !p2, p0  }
0x20: {  	[sflag:s8] =	ssyncset.s32 @!p0 $0xFFFFF086;
	s6 =	sadd.s32 @!p0 s3, s7;
	s7 =	simm.s32 @!p0 $0x108  }
0x21: {  	s3 =	sadd.s32 s3, s9;
	s6 =	sadd.s32 @!p0 $0x88, s6;
	s7 =	simm.s32 @p2 $0x1082  }
0x22: {  	[simem:s7], [sflag:s8] =	dma.local @!p0 [hbm:s6], $0xF7A  }
0x23: {  	s9 =	sor.u32 $0xD0000000, s2;
	s6 =	simm.s32 $0x108;
	_ =	swait.ge @!p0 [sflag:s8], $0x0  }
0x24: {  	s3 =	sadd.s32 $0x88, s3;
	s6 =	simm.s32 @!p1 $0x1082;
	[sflag:s4] =	ssyncset.s32 $0xFFFFF086  }
0x25: {  	[simem:s6], [sflag:s4] =	dma.local [hbm:s3], $0xF7A  }
0x26: {  	[smem:$0x3F9F] =	sst s1;
	(tag) =	ssettag s2;
	_ =	strace s9  }
0x27: {  	s1 =	sld [smem:$0x3FAF]  }
0x28: {  	s2 =	sld [smem:$0x3FB0]  }
0x29: {  	s4 =	sld [smem:$0x3FB2]  }
0x2a: {  	p0 =	seq.s32 s5, $0x0;
	s5 =	sld [smem:$0x3FB3]  }
0x2b: {  	s6 =	sld [smem:$0x3FB4]  }
0x2c: {  	s7 =	sld [smem:$0x3FB5]  }
0x2d: {  	s3 =	simm.s32 $0x108;
	s8 =	sld [smem:$0x3FB6]  }
0x2e: {  	s3 =	simm.s32 @!p0 $0x1082;
	s9 =	sld [smem:$0x3FB7]  }
0x2f: {  	lr =	sadd.s32 s0, s3;
	s0 =	sld [smem:$0x3FAE]  }
0x30: {  	s3 =	sld [smem:$0x3FB1]  }
0x31: {  	[smem:$0x3FBA] =	sst s10  }
0x32: {  	s10 =	sld [smem:$0x3FB8];
	_ =	sdelay $0x3  }
0x33: {  	p0 =	seq.s32 s10, $0x1;
	s10 =	sld [smem:$0x3FBA];
	_ =	sdelay $0x3  }
0x34: {  	[smem:$0x3FBA] =	sst s10  }
0x35: {  	s10 =	sld [smem:$0x3FB9];
	_ =	sdelay $0x3  }
0x36: {  	p1 =	seq.s32 s10, $0x1;
	s10 =	sld [smem:$0x3FBA];
	_ =	sdelay $0x3  }
0x37: {  	[smem:$0x3FBA] =	sst s10  }
0x38: {  	s10 =	sld [smem:$0x3FBB]  }
0x39: {  	_ = 	snop;
	(pc) =	sbr.ind lr, $3  }
0x3a: {  	_ = 	snop  }
0x3b: {  	_ = 	snop  }
0x3c: {  	p2 =	seq.s32 s10, $0x1;
	s10 =	sld [smem:$0x3FBA]  }
0x3d: {  	_ =	shalt  }
0x3e: {  	_ =	shalt  }
0x3f: {  	_ =	shalt  }
0x40: {  	_ =	shalt  }
0x41: {  	_ =	shalt  }
0x42: {  	_ =	shalt  }
0x43: {  	_ =	shalt  }
0x44: {  	_ =	shalt  }
0x45: {  	_ =	shalt  }
0x46: {  	_ =	shalt  }
0x47: {  	_ =	shalt  }
0x48: {  	_ =	shalt  }
0x49: {  	_ =	shalt  }
0x4a: {  	_ =	shalt  }
0x4b: {  	_ =	shalt  }
0x4c: {  	_ =	shalt  }
0x4d: {  	_ =	shalt  }
0x4e: {  	_ =	shalt  }
0x4f: {  	_ =	shalt  }
0x50: {  	_ =	shalt  }
0x51: {  	_ =	shalt  }
0x52: {  	_ =	shalt  }
0x53: {  	_ =	shalt  }
0x54: {  	_ =	shalt  }
0x55: {  	_ =	shalt  }
0x56: {  	_ =	shalt  }
0x57: {  	_ =	shalt  }
0x58: {  	_ =	shalt  }
0x59: {  	_ =	shalt  }
0x5a: {  	_ =	shalt  }
0x5b: {  	_ =	shalt  }
0x5c: {  	_ =	shalt  }
0x5d: {  	_ =	shalt  }
0x5e: {  	_ =	shalt  }
0x5f: {  	_ =	shalt  }
0x60: {  	_ =	shalt  }
0x61: {  	_ =	shalt  }
0x62: {  	_ =	shalt  }
0x63: {  	_ =	shalt  }
0x64: {  	_ =	shalt  }
0x65: {  	_ =	shalt  }
0x66: {  	_ =	shalt  }
0x67: {  	_ =	shalt  }
0x68: {  	_ =	shalt  }
0x69: {  	_ =	shalt  }
0x6a: {  	_ =	shalt  }
0x6b: {  	_ =	shalt  }
0x6c: {  	_ =	shalt  }
0x6d: {  	_ =	shalt  }
0x6e: {  	_ =	shalt  }
0x6f: {  	_ =	shalt  }
0x70: {  	_ =	shalt  }
0x71: {  	_ =	shalt  }
0x72: {  	_ =	shalt  }
0x73: {  	_ =	shalt  }
0x74: {  	_ =	shalt  }
0x75: {  	_ =	shalt  }
0x76: {  	_ =	shalt  }
0x77: {  	_ =	shalt  }
0x78: {  	_ =	shalt  }
0x79: {  	_ =	shalt  }
0x7a: {  	_ =	shalt  }
0x7b: {  	_ =	shalt  }
0x7c: {  	_ =	shalt  }
0x7d: {  	_ =	shalt  }
0x7e: {  	_ =	shalt  }
0x7f: {  	_ =	shalt  }
0x80: {  	_ =	shalt  }
0x81: {  	_ =	shalt  }
0x82: {  	_ =	shalt  }
0x83: {  	_ =	shalt  }
0x84: {  	_ =	shalt  }
0x85: {  	_ =	shalt  }
0x86: {  	_ =	shalt  }
0x87: {  	_ =	shalt  }
.Lfunc_end0:
.L_simem_size_0:
called_computation.1_lowered:
.L_overlay_start_0:
0x88: {  	s2 =	sld [smem:$0x3FD9]  }
0x89: {  	s3 =	sld [smem:$0x3FFE];
	_ =	sdelay $0x1  }
0x8a: {  	s1 =	srdreg.scid  }
0x8b: {  	s0 =	sand.u32 $0x1, s1  }
0x8c: {  	s17 =	sshll.u32 s0, $0xA;
	s2 =	sadd.s32 s3, s2  }
0x8d: {  	s2 =	sadd.s32 s2, s17  }
0x8e: {  	[smem:$0x3FC6] =	sst s2  }
0x8f: {  	_ = 	snop  }
0x90: {  	s2 =	sld [smem:$0x3FD0];
	(tm) =	ssettm $0x1  }
0x91: {  	s18 =	sld [smem:$0x3FFB];
	_ =	sdelay $0x3  }
0x92: {  	_ =	strace s18  }
0x93: {  	s3 =	sld [smem:$0x3FFC];
	_ =	sdelay $0x3  }
0x94: {  	_ =	strace s3  }
0x95: {  	s3 =	sld [smem:$0x3FFD];
	_ =	sdelay $0x3  }
0x96: {  	_ =	strace s3  }
0x97: {  	_ =	strace $0x8FFFFFFF  }
0x98: {  	s19 =	sld [smem:$0x3FDB];
	_ =	sdelay $0x1  }
0x99: {  	s4 =	simm.s32 $_scs_section_size  }
0x9a: {  	s5 =	simm.s32 $_size__tile_overlayer_lowered;
	s6 =	simm.s32 $_tile_overlayer_lowered  }
0x9b: {  	s22 =	simm.s32 $0x1BFF;
	s21 =	sshll.u32 s6, $0x1;
	s3 =	sadd.s32 s4, s19  }
0x9c: {  	s7 =	simm.s32 $0x0;
	s20 =	sshll.u32 s5, $0x1;
	s5 =	sadd.s32 s21, s3  }
0x9d: {  	[timem:s7], [sflag:s22] =	dma.local [hbm:s5], s20  }
0x9e: {  	_ =	swait.ge [sflag:s22], s20  }
0x9f: {  	s4 =	ssub.s32 $0x0, s20;
	[sflag:s22] =	ssyncset.done $0x0  }
0xa0: {  	[sflag:s22] =	ssyncadd.s32 s4;
	_ =	sdelay $0x1  }
0xa1: {  	s23 =	simm.s32 $0x1B8B  }
0xa2: {  	_ =	swait.ge [sflag:s23], $0x1  }
0xa3: {  	[sflag:s23] =	ssyncset.done $0x0  }
0xa4: {  	s25 =	simm.s32 $0x1B8E;
	s24 =	sld [smem:$0x3FFE];
	[sflag:s23] =	ssyncadd.s32 $0xFFFFFFFF  }
0xa5: {  	s26 =	simm.s32 $execute0_lowered;
	[smem:$0x3FD2] =	sst s25  }
0xa6: {  	s5 =	sshll.u32 s26, $0x1;
	_ =	strace $0x80000049;
	[dreg:$0x1] =	wrdreg $0xFFFFFFFF  }
0xa7: {  	s28 =	simm.s32 $_size_execute0_lowered;
	s3 =	sadd.s32 s3, s5;
	[dreg:$0x0] =	wrdreg $0x0  }
0xa8: {  	s5 =	sshll.u32 s28, $0x1;
	[dreg:$0x2] =	wrdreg s3  }
0xa9: {  	[dreg:$0x3] =	wrdreg s5  }
0xaa: {  	[dreg:$0x4] =	wrdreg $0xC0  }
0xab: {  	_ =	task [dreg:s7], $0x5FFFF  }
0xac: {  	[dreg:$0x1] =	wrdreg $0xFFFFFFFF  }
0xad: {  	[dreg:$0x0] =	wrdreg $0x60  }
0xae: {  	[dreg:$0x2] =	wrdreg s24  }
0xaf: {  	[dreg:$0x3] =	wrdreg s2  }
0xb0: {  	[dreg:$0x4] =	wrdreg $0x9  }
0xb1: {  	_ =	task.clear_ibuf [dreg:s7], $0x5FFFF;
	_ =	strace $0x90000049  }
0xb2: {  	s29 =	simm.s32 $0x9;
	_ =	strace $0x8000004B  }
0xb3: {  	_ =	swait.ge [sflag:s29], $0x1  }
0xb4: {  	[sflag:s29] =	ssyncadd.s32 $0xFFFFFFFF  }
0xb5: {  	_ =	strace $0x9000004B  }
0xb6: {  	_ =	sfence  }
0xb7: {  	s30 =	sld [smem:$0x0];
	_ =	sdelay $0x2  }
0xb8: {  	s31 =	sshll.u32 s1, $0xD;
	s1 =	sshrl.u32 s1, $0x2  }
0xb9: {  	s3 =	sand.u32 $0x4000, s31;
	s1 =	sadd.s32 s1, s30  }
0xba: {  	s0 =	sor.u32 s3, s0;
	s1 =	sshll.u32 s1, $0x11  }
0xbb: {  	s0 =	sor.u32 s1, s0  }
0xbc: {  	s0 =	sadd.s32 $0x8F2B, s0  }
0xbd: {  	[sflag:s0] =	ssyncadd.remote.s32 $0x1  }
0xbe: {  	_ =	sfence.sel $0xFFFF  }
0xbf: {  	[dreg:$0x0] =	wrdreg $0xFFFFFFFF;
	(pc) =	sbr.abs _section_cstart, $3  }
0xc0: {  	[dreg:$0x1] =	wrdreg $0xFFFFFFFF  }
0xc1: {  	_ =	task.clear_ibuf [dreg:s7], $0x2FFFF;
	_ =	strace $0x9FFFFFFF  }
0xc2: {  	(tm) =	ssettm $0x7FFFFFFF  }
0xc3: {  	_ =	shalt  }
tec
execute0_lowered:
.L_overlay_start_1:
0x0: {  	(tag) =	ssettag $0x1  }
0x1: {  	s0 =	rddreg [dreg:$0x0]  }
0x2: {  	s2 =	simm.s32 $0x0;
	s1 =	srdreg.scid;
	s5 =	stileid.u32  }
0x3: {  	s8 =	simm.s32 $0x2;
	s9 =	simm.s32 $0x80;
	s11 =	simm.s32 $0x2000  }
0x4: {  	s19 =	simm.s32 $0x3000;
	s28 =	simm.s32 $0x4000;
	s18 =	simm.s32 $0x6000  }
0x5: {  	s29 =	simm.s32 $0x7000;
	s12 =	simm.s32 $0x8000;
	s22 =	simm.s32 $0x9000  }
0x6: {  	s30 =	simm.s32 $0x1780;
	s31 =	simm.s32 $0x9C00;
	s7 =	simm.s32 $0x0  }
0x7: {  	[smem:$0x7FF] =	sst s2;
	s1 =	sand.u32 $0x1, s1;
	s4 =	sadd.s32 $0x800800, s0  }
0x8: {  	s25 =	sshll.u32 s5, $0x10;
	s5 =	sadd.s32 $0x800, s0;
	s24 =	ssub.s32 $0x2, s1  }
0x9: {  	s0 =	simm.s32 $0x1;
	s1 =	sshll.u32 s1, $0xF;
	s3 =	sshrl.u32 s24, $0x1  }
0xa: {  	_ =	strace $0x8000004A;
	s6 =	sor.u32 s1, s25;
	s2 =	ssub.s32 s24, s3  }
0xb: {  	v0 =	vlaneseq.u32;
	s25 =	simm.s32 $0x1700;
	s3 =	simm.s32 $0xA000;
	s26 =	smax.u32 s2, $0x1  }
0xc: {  	v0 =	vmul.u32 $0x8, v0;
	s2 =	simm.s32 $0x5000;
	[dreg:$0x3] =	wrdreg s26;
	s26 =	simm.s32 $0x9800  }
.LBB2_1:
0xd: {  	[dreg:$0x4] =	wrdreg s7;
	s7 =	simm.s32 $0x0  }
.LBB2_2:
0xe: {  	s1 =	sshll.u32 s7, $0x8  }
0xf: {  	s1 =	sadd.s32 s6, s1  }
0x10: {  	s10 =	simm.s32 $0x0;
	s13 =	sadd.s32 s4, s1  }
0x11: {  	[tilespmem:s10], [sflag:$0x2] =	stream.linear.gather [hbm4b:s13+s10], $0x800, $0x38;
	[tilespmem:$0xA800] =	vst v63  }
0x12: {  	_ =	swait.ge [sflag:s8], $0x800  }
0x13: {  	s24 =	sand.u32 $0x600, s10;
	s14 =	sand.u32 $0x70, s10;
	[sflag:s8] =	ssyncset.done $0x0  }
0x14: {  	s13 =	sor.u32 s14, s24;
	[sflag:s8] =	ssyncadd.s32 $0xFFFFF800  }
0x15: {  	v1 =	vld [tilespmem:s13+$0x100]  }
0x16: {  	v2 =	vld [tilespmem:s13+$0x0]  }
0x17: {  	v3 =	vld [tilespmem:s13+$0x80];
	_ =	sdelay $0x3  }
0x18: {  	v1 =	vmul.f32 $1.275000000e+02, v1  }
0x19: {  	v2 =	vmul.f32 $1.275000000e+02, v2;
	v3 =	vmul.f32 $1.275000000e+02, v3  }
0x1a: {  	v1 =	vadd.f32 $1.275000000e+02, v1  }
0x1b: {  	v2 =	vadd.f32 $1.275000000e+02, v2;
	v3 =	vadd.f32 $1.275000000e+02, v3  }
0x1c: {  	v4 =	vtrunc.f32 v1  }
0x1d: {  	v5 =	vtrunc.f32 v2;
	v6 =	vtrunc.f32 v3  }
0x1e: {  	v4 =	vcvt.f32.s32 v4;
	v5 =	vcvt.f32.s32 v5  }
0x1f: {  	v6 =	vcvt.f32.s32 v6  }
0x20: {  	v7 =	vcvt.s32.f32 v4;
	vm0 =	vgt.s32 v4, $0x0;
	v8 =	vcvt.s32.f32 v5  }
0x21: {  	vm1 =	vgt.s32 v5, $0x0;
	vm15 =	vgt.s32 v6, $0x0;
	v9 =	vcvt.s32.f32 v6  }
0x22: {  	v4 =	vnsel vm0, $0x0, v4;
	v5 =	vnsel vm1, $0x0, v5;
	v6 =	vnsel vm15, $0x0, v6  }
0x23: {  	v2 =	vsub.f32 v2, v8;
	v5 =	vmin.u32 v5, $0xFE;
	v6 =	vmin.u32 v6, $0xFE  }
0x24: {  	s14 =	simm.s32 $0x0;
	v3 =	vsub.f32 v3, v9;
	v5 =	vshll.u32 v5, $0x10;
	v6 =	vshll.u32 v6, $0x8  }
0x25: {  	v1 =	vsub.f32 v1, v7;
	[tilespmem:s14+$0x1800] =	vst v2;
	v2 =	vmin.u32 v4, $0xFE;
	v4 =	vor.u32 v5, v6  }
0x26: {  	[tilespmem:s14+$0x1A00] =	vst v3;
	v3 =	vor.u32 v2, v4;
	v2 =	vand.u32 $0x1, v2  }
0x27: {  	s13 =	simm.s32 $0x10;
	[tilespmem:s14+$0x1C00] =	vst v1;
	v1 =	vshrl.u32 v3, $0x1;
	v3 =	vshll.u32 v2, $0x2  }
.LBB2_3:
0x28: {  	p0 =	sne.s32 s13, $0x1F0  }
0x29: {  	v2 =	vadd.s32 v2, v1;
	v4 =	vadd.s32 $0x80, v1;
	[tilespmem:s14+$0x1E00] =	vst v3;
	s10 =	sadd.s32 $0x40, s10;
	s15 =	smov.u32 s13;
	s13 =	sadd.s32 $0x10, s13  }
0x2a: {  	[tilespmem:s14+$0x800] =	vst v1;
	v3 =	vadd.s32 $0x80, v2;
	v5 =	vadd.s32 $0x8000, v2;
	v6 =	vadd.s32 $0x8080, v2  }
0x2b: {  	[tilespmem:s14+$0xA00] =	vst v2  }
0x2c: {  	v2 =	vadd.s32 $0x8000, v1;
	v1 =	vadd.s32 $0x8080, v1;
	[tilespmem:s14+$0xC00] =	vst v4  }
0x2d: {  	[tilespmem:s14+$0xE00] =	vst v3  }
0x2e: {  	[tilespmem:s14+$0x1600] =	vst v6  }
0x2f: {  	[tilespmem:s14+$0x1200] =	vst v5  }
0x30: {  	s16 =	sand.u32 $0x600, s10;
	s15 =	sand.u32 $0x70, s15;
	[tilespmem:s14+$0x1000] =	vst v2  }
0x31: {  	s15 =	sor.u32 s15, s16;
	[tilespmem:s14+$0x1400] =	vst v1  }
0x32: {  	v1 =	vld [tilespmem:s15+$0x100]  }
0x33: {  	v2 =	vld [tilespmem:s15+$0x0]  }
0x34: {  	v3 =	vld [tilespmem:s15+$0x80];
	_ =	sdelay $0x2  }
0x35: {  	v1 =	vmul.f32 $1.275000000e+02, v1  }
0x36: {  	v2 =	vmul.f32 $1.275000000e+02, v2  }
0x37: {  	v3 =	vmul.f32 $1.275000000e+02, v3;
	v1 =	vadd.f32 $1.275000000e+02, v1  }
0x38: {  	v2 =	vadd.f32 $1.275000000e+02, v2  }
0x39: {  	v3 =	vadd.f32 $1.275000000e+02, v3;
	v4 =	vtrunc.f32 v1  }
0x3a: {  	v5 =	vtrunc.f32 v2;
	v4 =	vcvt.f32.s32 v4  }
0x3b: {  	v5 =	vcvt.f32.s32 v5;
	v6 =	vtrunc.f32 v3  }
0x3c: {  	v6 =	vcvt.f32.s32 v6;
	v7 =	vcvt.s32.f32 v4;
	vm0 =	vgt.s32 v4, $0x0  }
0x3d: {  	v8 =	vcvt.s32.f32 v5;
	vm1 =	vgt.s32 v5, $0x0;
	v4 =	vnsel vm0, $0x0, v4  }
0x3e: {  	v9 =	vcvt.s32.f32 v6;
	v5 =	vnsel vm1, $0x0, v5;
	vm0 =	vgt.s32 v6, $0x0  }
0x3f: {  	v2 =	vsub.f32 v2, v8;
	v5 =	vmin.u32 v5, $0xFE;
	v6 =	vnsel vm0, $0x0, v6  }
.Ltmp0:
0x40: {  	s14 =	sshra.s32 s10, $0x2;
	v1 =	vsub.f32 v1, v7;
	v3 =	vsub.f32 v3, v9;
	v6 =	vmin.u32 v6, $0xFE;
	(pc) =	sbr.rel @p0 .LBB2_3-.Ltmp0, $4  }
0x41: {  	v5 =	vshll.u32 v5, $0x10;
	v6 =	vshll.u32 v6, $0x8;
	[tilespmem:s14+$0x1800] =	vst v2  }
0x42: {  	v2 =	vmin.u32 v4, $0xFE;
	v4 =	vor.u32 v5, v6;
	[tilespmem:s14+$0x1A00] =	vst v3  }
0x43: {  	v3 =	vor.u32 v2, v4;
	v2 =	vand.u32 $0x1, v2;
	[tilespmem:s14+$0x1C00] =	vst v1  }
0x44: {  	v1 =	vshrl.u32 v3, $0x1;
	v3 =	vshll.u32 v2, $0x2  }
0x45: {  	[tilespmem:s14+$0x1E00] =	vst v3  }
0x46: {  	v2 =	vadd.s32 v2, v1;
	[tilespmem:s14+$0x800] =	vst v1  }
0x47: {  	v3 =	vadd.s32 $0x80, v1;
	[tilespmem:s14+$0xA00] =	vst v2  }
0x48: {  	v4 =	vadd.s32 $0x80, v2;
	[tilespmem:s14+$0xC00] =	vst v3  }
0x49: {  	v3 =	vadd.s32 $0x8080, v2;
	[tilespmem:s14+$0xE00] =	vst v4  }
0x4a: {  	v2 =	vadd.s32 $0x8000, v2;
	[tilespmem:s14+$0x1600] =	vst v3  }
0x4b: {  	v3 =	vadd.s32 $0x8000, v1;
	[tilespmem:s14+$0x1200] =	vst v2  }
0x4c: {  	v1 =	vadd.s32 $0x8080, v1;
	[tilespmem:s14+$0x1000] =	vst v3  }
0x4d: {  	s10 =	simm.s32 $0x800;
	[tilespmem:s14+$0x1400] =	vst v1  }
0x4e: {  	[tilespmem:s11], [sflag:$0x1] =	stream.indirect.gather [hbm4b:s5+s9], $0x8, s10, s9, $0xb8;
	[tilespmem:$0xA800] =	vst v63  }
0x4f: {  	s24 =	simm.s32 $0x880;
	s13 =	simm.s32 $0x2400  }
0x50: {  	[tilespmem:s13], [sflag:$0x1] =	stream.indirect.gather [hbm4b:s5+s9], $0x8, s24, s9, $0xb8;
	[tilespmem:$0xA800] =	vst v63  }
0x51: {  	s14 =	simm.s32 $0x2800;
	s13 =	simm.s32 $0x900  }
0x52: {  	[tilespmem:s14], [sflag:$0x1] =	stream.indirect.gather [hbm4b:s5+s9], $0x8, s13, s9, $0xb8;
	[tilespmem:$0xA800] =	vst v63  }
0x53: {  	s15 =	simm.s32 $0x980;
	s16 =	simm.s32 $0x2C00  }
0x54: {  	[tilespmem:s16], [sflag:$0x1] =	stream.indirect.gather [hbm4b:s5+s9], $0x8, s15, s9, $0xb8;
	[tilespmem:$0xA800] =	vst v63  }
0x55: {  	s17 =	simm.s32 $0xA00  }
0x56: {  	[tilespmem:s19], [sflag:$0x1] =	stream.indirect.gather [hbm4b:s5+s9], $0x8, s17, s9, $0xb8;
	[tilespmem:$0xA800] =	vst v63  }
0x57: {  	s20 =	simm.s32 $0xA80;
	s21 =	simm.s32 $0x3400  }
0x58: {  	[tilespmem:s21], [sflag:$0x1] =	stream.indirect.gather [hbm4b:s5+s9], $0x8, s20, s9, $0xb8;
	[tilespmem:$0xA800] =	vst v63  }
0x59: {  	s23 =	simm.s32 $0xB00;
	s24 =	simm.s32 $0x3800  }
0x5a: {  	[tilespmem:s24], [sflag:$0x1] =	stream.indirect.gather [hbm4b:s5+s9], $0x8, s23, s9, $0xb8;
	[tilespmem:$0xA800] =	vst v63  }
0x5b: {  	s13 =	simm.s32 $0xB80;
	s14 =	simm.s32 $0x3C00  }
0x5c: {  	[tilespmem:s14], [sflag:$0x1] =	stream.indirect.gather [hbm4b:s5+s9], $0x8, s13, s9, $0xb8;
	[tilespmem:$0xA800] =	vst v63  }
0x5d: {  	s15 =	simm.s32 $0xC00  }
0x5e: {  	[tilespmem:s28], [sflag:$0x1] =	stream.indirect.gather [hbm4b:s5+s9], $0x8, s15, s9, $0xb8;
	[tilespmem:$0xA800] =	vst v63  }
0x5f: {  	s16 =	simm.s32 $0xC80;
	s17 =	simm.s32 $0x4400  }
0x60: {  	[tilespmem:s17], [sflag:$0x1] =	stream.indirect.gather [hbm4b:s5+s9], $0x8, s16, s9, $0xb8;
	[tilespmem:$0xA800] =	vst v63  }
0x61: {  	s20 =	simm.s32 $0xD00;
	s21 =	simm.s32 $0x4800  }
0x62: {  	[tilespmem:s21], [sflag:$0x1] =	stream.indirect.gather [hbm4b:s5+s9], $0x8, s20, s9, $0xb8;
	[tilespmem:$0xA800] =	vst v63  }
0x63: {  	s23 =	simm.s32 $0xD80;
	s24 =	simm.s32 $0x4C00  }
0x64: {  	[tilespmem:s24], [sflag:$0x1] =	stream.indirect.gather [hbm4b:s5+s9], $0x8, s23, s9, $0xb8;
	[tilespmem:$0xA800] =	vst v63  }
0x65: {  	s14 =	simm.s32 $0xE00  }
0x66: {  	[tilespmem:s2], [sflag:$0x1] =	stream.indirect.gather [hbm4b:s5+s9], $0x8, s14, s9, $0xb8;
	[tilespmem:$0xA800] =	vst v63  }
0x67: {  	s15 =	simm.s32 $0xE80;
	s16 =	simm.s32 $0x5400  }
0x68: {  	[tilespmem:s16], [sflag:$0x1] =	stream.indirect.gather [hbm4b:s5+s9], $0x8, s15, s9, $0xb8;
	[tilespmem:$0xA800] =	vst v63  }
0x69: {  	s17 =	simm.s32 $0xF00;
	s20 =	simm.s32 $0x5800  }
0x6a: {  	[tilespmem:s20], [sflag:$0x1] =	stream.indirect.gather [hbm4b:s5+s9], $0x8, s17, s9, $0xb8;
	[tilespmem:$0xA800] =	vst v63  }
0x6b: {  	s21 =	simm.s32 $0xF80;
	s23 =	simm.s32 $0x5C00  }
0x6c: {  	[tilespmem:s23], [sflag:$0x1] =	stream.indirect.gather [hbm4b:s5+s9], $0x8, s21, s9, $0xb8;
	[tilespmem:$0xA800] =	vst v63  }
0x6d: {  	s24 =	simm.s32 $0x1000  }
0x6e: {  	[tilespmem:s18], [sflag:$0x1] =	stream.indirect.gather [hbm4b:s5+s9], $0x8, s24, s9, $0xb8;
	[tilespmem:$0xA800] =	vst v63  }
0x6f: {  	s13 =	simm.s32 $0x1080;
	s14 =	simm.s32 $0x6400  }
0x70: {  	[tilespmem:s14], [sflag:$0x1] =	stream.indirect.gather [hbm4b:s5+s9], $0x8, s13, s9, $0xb8;
	[tilespmem:$0xA800] =	vst v63  }
0x71: {  	s15 =	simm.s32 $0x1100;
	s16 =	simm.s32 $0x6800  }
0x72: {  	[tilespmem:s16], [sflag:$0x1] =	stream.indirect.gather [hbm4b:s5+s9], $0x8, s15, s9, $0xb8;
	[tilespmem:$0xA800] =	vst v63  }
0x73: {  	s17 =	simm.s32 $0x1180;
	s20 =	simm.s32 $0x6C00  }
0x74: {  	[tilespmem:s20], [sflag:$0x1] =	stream.indirect.gather [hbm4b:s5+s9], $0x8, s17, s9, $0xb8;
	[tilespmem:$0xA800] =	vst v63  }
0x75: {  	s21 =	simm.s32 $0x1200  }
0x76: {  	[tilespmem:s29], [sflag:$0x1] =	stream.indirect.gather [hbm4b:s5+s9], $0x8, s21, s9, $0xb8;
	[tilespmem:$0xA800] =	vst v63  }
0x77: {  	s23 =	simm.s32 $0x1280;
	s24 =	simm.s32 $0x7400  }
0x78: {  	[tilespmem:s24], [sflag:$0x1] =	stream.indirect.gather [hbm4b:s5+s9], $0x8, s23, s9, $0xb8;
	[tilespmem:$0xA800] =	vst v63  }
0x79: {  	s13 =	simm.s32 $0x1300;
	s14 =	simm.s32 $0x7800  }
0x7a: {  	[tilespmem:s14], [sflag:$0x1] =	stream.indirect.gather [hbm4b:s5+s9], $0x8, s13, s9, $0xb8;
	[tilespmem:$0xA800] =	vst v63  }
0x7b: {  	s15 =	simm.s32 $0x1380;
	s16 =	simm.s32 $0x7C00  }
0x7c: {  	[tilespmem:s16], [sflag:$0x1] =	stream.indirect.gather [hbm4b:s5+s9], $0x8, s15, s9, $0xb8;
	[tilespmem:$0xA800] =	vst v63  }
0x7d: {  	s17 =	simm.s32 $0x1400  }
0x7e: {  	[tilespmem:s12], [sflag:$0x1] =	stream.indirect.gather [hbm4b:s5+s9], $0x8, s17, s9, $0xb8;
	[tilespmem:$0xA800] =	vst v63  }
0x7f: {  	s20 =	simm.s32 $0x1480;
	s21 =	simm.s32 $0x8400  }
0x80: {  	[tilespmem:s21], [sflag:$0x1] =	stream.indirect.gather [hbm4b:s5+s9], $0x8, s20, s9, $0xb8;
	[tilespmem:$0xA800] =	vst v63  }
0x81: {  	s23 =	simm.s32 $0x1500;
	s24 =	simm.s32 $0x8800  }
0x82: {  	[tilespmem:s24], [sflag:$0x1] =	stream.indirect.gather [hbm4b:s5+s9], $0x8, s23, s9, $0xb8;
	[tilespmem:$0xA800] =	vst v63  }
0x83: {  	s13 =	simm.s32 $0x1580;
	s14 =	simm.s32 $0x8C00  }
0x84: {  	[tilespmem:s14], [sflag:$0x1] =	stream.indirect.gather [hbm4b:s5+s9], $0x8, s13, s9, $0xb8;
	[tilespmem:$0xA800] =	vst v63  }
0x85: {  	s15 =	simm.s32 $0x1600  }
0x86: {  	[tilespmem:s22], [sflag:$0x1] =	stream.indirect.gather [hbm4b:s5+s9], $0x8, s15, s9, $0xb8;
	[tilespmem:$0xA800] =	vst v63  }
0x87: {  	s16 =	simm.s32 $0x1680;
	s17 =	simm.s32 $0x9400  }
0x88: {  	[tilespmem:s17], [sflag:$0x1] =	stream.indirect.gather [hbm4b:s5+s9], $0x8, s16, s9, $0xb8;
	[tilespmem:$0xA800] =	vst v63  }
0x89: {  	_ = 	snop  }
0x8a: {  	[tilespmem:s26], [sflag:$0x1] =	stream.indirect.gather [hbm4b:s5+s9], $0x8, s25, s9, $0xb8;
	[tilespmem:$0xA800] =	vst v63  }
0x8b: {  	_ = 	snop  }
0x8c: {  	[tilespmem:s31], [sflag:$0x1] =	stream.indirect.gather [hbm4b:s5+s9], $0x8, s30, s9, $0xb8;
	[tilespmem:$0xA800] =	vst v63  }
0x8d: {  	_ =	swait.ge [sflag:s0], $0x400  }
0x8e: {  	[sflag:s0] =	ssyncset.done $0x0  }
0x8f: {  	[sflag:s0] =	ssyncadd.s32 $0xFFFFFC00  }
0x90: {  	_ =	swait.ge [sflag:s0], $0x400  }
0x91: {  	[sflag:s0] =	ssyncset.done $0x0  }
0x92: {  	[sflag:s0] =	ssyncadd.s32 $0xFFFFFC00  }
0x93: {  	_ =	swait.ge [sflag:s0], $0x400  }
0x94: {  	[sflag:s0] =	ssyncset.done $0x0  }
0x95: {  	[sflag:s0] =	ssyncadd.s32 $0xFFFFFC00  }
0x96: {  	_ =	swait.ge [sflag:s0], $0x400  }
0x97: {  	[sflag:s0] =	ssyncset.done $0x0  }
0x98: {  	[sflag:s0] =	ssyncadd.s32 $0xFFFFFC00  }
0x99: {  	_ =	swait.ge [sflag:s0], $0x400  }
0x9a: {  	[sflag:s0] =	ssyncset.done $0x0  }
0x9b: {  	[sflag:s0] =	ssyncadd.s32 $0xFFFFFC00  }
0x9c: {  	_ =	swait.ge [sflag:s0], $0x400  }
0x9d: {  	[sflag:s0] =	ssyncset.done $0x0  }
0x9e: {  	[sflag:s0] =	ssyncadd.s32 $0xFFFFFC00  }
0x9f: {  	_ =	swait.ge [sflag:s0], $0x400  }
0xa0: {  	[sflag:s0] =	ssyncset.done $0x0  }
0xa1: {  	[sflag:s0] =	ssyncadd.s32 $0xFFFFFC00  }
0xa2: {  	_ =	swait.ge [sflag:s0], $0x400  }
0xa3: {  	[sflag:s0] =	ssyncset.done $0x0  }
0xa4: {  	[sflag:s0] =	ssyncadd.s32 $0xFFFFFC00  }
0xa5: {  	_ =	swait.ge [sflag:s0], $0x400  }
0xa6: {  	[sflag:s0] =	ssyncset.done $0x0  }
0xa7: {  	[sflag:s0] =	ssyncadd.s32 $0xFFFFFC00  }
0xa8: {  	_ =	swait.ge [sflag:s0], $0x400  }
0xa9: {  	[sflag:s0] =	ssyncset.done $0x0  }
0xaa: {  	[sflag:s0] =	ssyncadd.s32 $0xFFFFFC00  }
0xab: {  	_ =	swait.ge [sflag:s0], $0x400  }
0xac: {  	[sflag:s0] =	ssyncset.done $0x0  }
0xad: {  	[sflag:s0] =	ssyncadd.s32 $0xFFFFFC00  }
0xae: {  	_ =	swait.ge [sflag:s0], $0x400  }
0xaf: {  	[sflag:s0] =	ssyncset.done $0x0  }
0xb0: {  	[sflag:s0] =	ssyncadd.s32 $0xFFFFFC00  }
0xb1: {  	_ =	swait.ge [sflag:s0], $0x400  }
0xb2: {  	[sflag:s0] =	ssyncset.done $0x0  }
0xb3: {  	[sflag:s0] =	ssyncadd.s32 $0xFFFFFC00  }
0xb4: {  	_ =	swait.ge [sflag:s0], $0x400  }
0xb5: {  	[sflag:s0] =	ssyncset.done $0x0  }
0xb6: {  	[sflag:s0] =	ssyncadd.s32 $0xFFFFFC00  }
0xb7: {  	_ =	swait.ge [sflag:s0], $0x400  }
0xb8: {  	[sflag:s0] =	ssyncset.done $0x0  }
0xb9: {  	[sflag:s0] =	ssyncadd.s32 $0xFFFFFC00  }
0xba: {  	_ =	swait.ge [sflag:s0], $0x400  }
0xbb: {  	[sflag:s0] =	ssyncset.done $0x0  }
0xbc: {  	[sflag:s0] =	ssyncadd.s32 $0xFFFFFC00  }
0xbd: {  	_ =	swait.ge [sflag:s0], $0x400  }
0xbe: {  	[sflag:s0] =	ssyncset.done $0x0  }
0xbf: {  	[sflag:s0] =	ssyncadd.s32 $0xFFFFFC00  }
0xc0: {  	_ =	swait.ge [sflag:s0], $0x400  }
0xc1: {  	[sflag:s0] =	ssyncset.done $0x0  }
0xc2: {  	[sflag:s0] =	ssyncadd.s32 $0xFFFFFC00  }
0xc3: {  	_ =	swait.ge [sflag:s0], $0x400  }
0xc4: {  	[sflag:s0] =	ssyncset.done $0x0  }
0xc5: {  	[sflag:s0] =	ssyncadd.s32 $0xFFFFFC00  }
0xc6: {  	_ =	swait.ge [sflag:s0], $0x400  }
0xc7: {  	[sflag:s0] =	ssyncset.done $0x0  }
0xc8: {  	[sflag:s0] =	ssyncadd.s32 $0xFFFFFC00  }
0xc9: {  	_ =	swait.ge [sflag:s0], $0x400  }
0xca: {  	[sflag:s0] =	ssyncset.done $0x0  }
0xcb: {  	[sflag:s0] =	ssyncadd.s32 $0xFFFFFC00  }
0xcc: {  	_ =	swait.ge [sflag:s0], $0x400  }
0xcd: {  	[sflag:s0] =	ssyncset.done $0x0  }
0xce: {  	[sflag:s0] =	ssyncadd.s32 $0xFFFFFC00  }
0xcf: {  	_ =	swait.ge [sflag:s0], $0x400  }
0xd0: {  	[sflag:s0] =	ssyncset.done $0x0  }
0xd1: {  	[sflag:s0] =	ssyncadd.s32 $0xFFFFFC00  }
0xd2: {  	_ =	swait.ge [sflag:s0], $0x400  }
0xd3: {  	[sflag:s0] =	ssyncset.done $0x0  }
0xd4: {  	[sflag:s0] =	ssyncadd.s32 $0xFFFFFC00  }
0xd5: {  	_ =	swait.ge [sflag:s0], $0x400  }
0xd6: {  	[sflag:s0] =	ssyncset.done $0x0  }
0xd7: {  	[sflag:s0] =	ssyncadd.s32 $0xFFFFFC00  }
0xd8: {  	_ =	swait.ge [sflag:s0], $0x400  }
0xd9: {  	[sflag:s0] =	ssyncset.done $0x0  }
0xda: {  	[sflag:s0] =	ssyncadd.s32 $0xFFFFFC00  }
0xdb: {  	_ =	swait.ge [sflag:s0], $0x400  }
0xdc: {  	[sflag:s0] =	ssyncset.done $0x0  }
0xdd: {  	[sflag:s0] =	ssyncadd.s32 $0xFFFFFC00  }
0xde: {  	_ =	swait.ge [sflag:s0], $0x400  }
0xdf: {  	[sflag:s0] =	ssyncset.done $0x0  }
0xe0: {  	[sflag:s0] =	ssyncadd.s32 $0xFFFFFC00  }
0xe1: {  	_ =	swait.ge [sflag:s0], $0x400  }
0xe2: {  	[sflag:s0] =	ssyncset.done $0x0  }
0xe3: {  	[sflag:s0] =	ssyncadd.s32 $0xFFFFFC00  }
0xe4: {  	_ =	swait.ge [sflag:s0], $0x400  }
0xe5: {  	[sflag:s0] =	ssyncset.done $0x0  }
0xe6: {  	[sflag:s0] =	ssyncadd.s32 $0xFFFFFC00  }
0xe7: {  	_ =	swait.ge [sflag:s0], $0x400  }
0xe8: {  	[sflag:s0] =	ssyncset.done $0x0  }
0xe9: {  	[sflag:s0] =	ssyncadd.s32 $0xFFFFFC00  }
0xea: {  	_ =	swait.ge [sflag:s0], $0x400  }
0xeb: {  	[sflag:s0] =	ssyncset.done $0x0  }
0xec: {  	s20 =	simm.s32 $0x1E00;
	[sflag:s0] =	ssyncadd.s32 $0xFFFFFC00  }
0xed: {  	v1 =	vld [tilespmem:s20+$0x0];
	_ =	sdelay $0x1  }
0xee: {  	s21 =	simm.s32 $0x0  }
0xef: {  	v2 =	vmov s21  }
0xf0: {  	v2 =	vshll.u32 v2, $0x3  }
0xf1: {  	s23 =	simm.s32 $0x1C00;
	v2 =	vor.u32 v0, v2;
	v3 =	vsub.s32 $0x4, v1;
	v4 =	vand.u32 $0xFFFFFFF8, v1  }
0xf2: {  	v6 =	vld [tilespmem:s23+$0xFFFFFE00];
	v5 =	vand.u32 $0x7, v1;
	v4 =	vadd.s32 v2, v4;
	v7 =	vand.u32 $0xFFFFFFF8, v3  }
0xf3: {  	v8 =	vld [tilespmem:s23+$0xFFFFFC00];
	v3 =	vand.u32 $0x7, v3;
	v4 =	vor.u32 v5, v4;
	v5 =	vadd.s32 v2, v7  }
0xf4: {  	v3 =	vor.u32 v3, v5  }
0xf5: {  	v5 =	vld [tilespmem:s23+$0x0];
	_ =	sdelay $0x2  }
0xf6: {  	v9 =	vsub.f32 $1.000000000e+00, v6;
	v7 =	vsub.f32 $1.000000000e+00, v8;
	v10 =	vld.idx.msk [tilespmem:v4+s11+$0x0], $0xffff  }
0xf7: {  	v11 =	vld.idx.msk [tilespmem:v3+s19+$0x0], $0xffff  }
0xf8: {  	v13 =	vmul.f32 v9, v7;
	v12 =	vsub.f32 $1.000000000e+00, v5  }
0xf9: {  	v7 =	vmul.f32 v6, v7;
	v14 =	vld.idx.msk [tilespmem:v4+s28+$0x0], $0xffff  }
0xfa: {  	v15 =	vmul.f32 v12, v13;
	v13 =	vmul.f32 v13, v5  }
0xfb: {  	v16 =	vld.idx.msk [tilespmem:v3+s2+$0x0], $0xffff;
	v17 =	vmul.f32 v12, v7  }
0xfc: {  	v10 =	vmul.f32 v10, v15;
	v11 =	vmul.f32 v11, v13  }
0xfd: {  	v9 =	vmul.f32 v9, v8;
	v18 =	vld.idx.msk [tilespmem:v4+s18+$0x0], $0xffff  }
0xfe: {  	v7 =	vmul.f32 v5, v7;
	v14 =	vmul.f32 v14, v17;
	v10 =	vadd.f32 v11, v10  }
0xff: {  	v32 =	vld.idx.msk [tilespmem:v3+s29+$0x0], $0xffff  }
0x100: {  	v19 =	vmul.f32 v12, v9;
	v33 =	vmul.f32 v16, v7;
	v10 =	vadd.f32 v14, v10  }
0x101: {  	v6 =	vmul.f32 v6, v8;
	v4 =	vld.idx.msk [tilespmem:v4+s12+$0x0], $0xffff  }
0x102: {  	v35 =	vmul.f32 v9, v5;
	v3 =	vld.idx.msk [tilespmem:v3+s22+$0x0], $0xffff;
	v37 =	vmul.f32 v18, v19;
	v36 =	vadd.f32 v33, v10  }
0x103: {  	v34 =	vadd.s32 $0x1, v1;
	v38 =	vsub.s32 $0x5, v1  }
0x104: {  	v12 =	vmul.f32 v12, v6;
	v40 =	vmul.f32 v32, v35;
	v9 =	vadd.f32 v37, v36  }
0x105: {  	v39 =	vand.u32 $0xFFFFFFF8, v34;
	v42 =	vand.u32 $0xFFFFFFF8, v38;
	v5 =	vmul.f32 v5, v6  }
0x106: {  	v44 =	vand.u32 $0x7, v34;
	v4 =	vmul.f32 v4, v12;
	v6 =	vadd.f32 v40, v9  }
0x107: {  	v41 =	vadd.s32 v2, v39;
	v43 =	vadd.s32 v2, v42;
	v3 =	vmul.f32 v3, v5  }
0x108: {  	v14 =	vand.u32 $0x7, v38;
	v4 =	vadd.f32 v4, v6;
	v6 =	vor.u32 v44, v41  }
0x109: {  	s24 =	sand.u32 $0x1800, s21;
	v9 =	vor.u32 v14, v43  }
0x10a: {  	s10 =	sand.u32 $0x70, s21;
	s13 =	sshrl.u32 s24, $0x2;
	v3 =	vadd.f32 v3, v4  }
0x10b: {  	s23 =	sor.u32 s10, s13  }
0x10c: {  	[tilespmem:s23+$0xA000] =	vst v3  }
0x10d: {  	v3 =	vld.idx.msk [tilespmem:v6+s11+$0x0], $0xffff  }
0x10e: {  	v4 =	vld.idx.msk [tilespmem:v9+s19+$0x0], $0xffff;
	_ =	sdelay $0x1  }
0x10f: {  	v10 =	vld.idx.msk [tilespmem:v6+s28+$0x0], $0xffff;
	_ =	sdelay $0x1  }
0x110: {  	v45 =	vld.idx.msk [tilespmem:v9+s2+$0x0], $0xffff  }
0x111: {  	v3 =	vmul.f32 v3, v15;
	v4 =	vmul.f32 v4, v13  }
0x112: {  	v46 =	vld.idx.msk [tilespmem:v6+s18+$0x0], $0xffff  }
0x113: {  	v3 =	vadd.f32 v4, v3;
	v4 =	vmul.f32 v10, v17  }
0x114: {  	v47 =	vld.idx.msk [tilespmem:v9+s29+$0x0], $0xffff  }
0x115: {  	v3 =	vadd.f32 v4, v3;
	v4 =	vmul.f32 v45, v7  }
0x116: {  	v6 =	vld.idx.msk [tilespmem:v6+s12+$0x0], $0xffff  }
0x117: {  	v3 =	vadd.f32 v4, v3;
	v4 =	vmul.f32 v46, v19  }
0x118: {  	v9 =	vld.idx.msk [tilespmem:v9+s22+$0x0], $0xffff  }
0x119: {  	v48 =	vadd.s32 $0x2, v1;
	v3 =	vadd.f32 v4, v3;
	v4 =	vmul.f32 v47, v35  }
0x11a: {  	v50 =	vsub.s32 $0x6, v1;
	v49 =	vand.u32 $0xFFFFFFF8, v48;
	v11 =	vand.u32 $0x7, v48  }
0x11b: {  	v14 =	vadd.s32 v2, v49;
	v3 =	vadd.f32 v4, v3;
	v4 =	vmul.f32 v6, v12  }
0x11c: {  	v51 =	vand.u32 $0xFFFFFFF8, v50;
	v52 =	vor.u32 v11, v14;
	v10 =	vand.u32 $0x7, v50  }
0x11d: {  	v6 =	vadd.s32 v2, v51;
	v3 =	vadd.f32 v4, v3;
	v4 =	vmul.f32 v9, v5  }
0x11e: {  	v6 =	vor.u32 v10, v6  }
0x11f: {  	v3 =	vadd.f32 v4, v3;
	_ =	sdelay $0x1  }
0x120: {  	[tilespmem:s23+$0xA080] =	vst v3  }
0x121: {  	v3 =	vld.idx.msk [tilespmem:v52+s11+$0x0], $0xffff  }
0x122: {  	v4 =	vld.idx.msk [tilespmem:v6+s19+$0x0], $0xffff;
	_ =	sdelay $0x1  }
0x123: {  	v53 =	vld.idx.msk [tilespmem:v52+s28+$0x0], $0xffff;
	_ =	sdelay $0x1  }
0x124: {  	v54 =	vld.idx.msk [tilespmem:v6+s2+$0x0], $0xffff  }
0x125: {  	v3 =	vmul.f32 v3, v15;
	v4 =	vmul.f32 v4, v13  }
0x126: {  	v14 =	vld.idx.msk [tilespmem:v52+s18+$0x0], $0xffff  }
0x127: {  	v3 =	vadd.f32 v4, v3;
	v4 =	vmul.f32 v53, v17  }
0x128: {  	v55 =	vld.idx.msk [tilespmem:v6+s29+$0x0], $0xffff  }
0x129: {  	v3 =	vadd.f32 v4, v3;
	v4 =	vmul.f32 v54, v7  }
0x12a: {  	v9 =	vld.idx.msk [tilespmem:v52+s12+$0x0], $0xffff  }
0x12b: {  	v3 =	vadd.f32 v4, v3;
	v4 =	vmul.f32 v14, v19  }
0x12c: {  	v56 =	vadd.s32 $0x3, v1;
	v6 =	vld.idx.msk [tilespmem:v6+s22+$0x0], $0xffff  }
0x12d: {  	v1 =	vsub.s32 $0x7, v1;
	v3 =	vadd.f32 v4, v3;
	v4 =	vmul.f32 v55, v35  }
0x12e: {  	v57 =	vand.u32 $0xFFFFFFF8, v56;
	v59 =	vand.u32 $0xFFFFFFF8, v1  }
0x12f: {  	v60 =	vand.u32 $0x7, v56;
	v3 =	vadd.f32 v4, v3;
	v4 =	vmul.f32 v9, v12  }
0x130: {  	v1 =	vand.u32 $0x7, v1;
	v58 =	vadd.s32 v2, v57;
	v2 =	vadd.s32 v2, v59  }
0x131: {  	v3 =	vadd.f32 v4, v3;
	v4 =	vmul.f32 v6, v5;
	v6 =	vor.u32 v60, v58  }
0x132: {  	v1 =	vor.u32 v1, v2  }
0x133: {  	v2 =	vadd.f32 v4, v3;
	_ =	sdelay $0x1  }
0x134: {  	[tilespmem:s23+$0xA100] =	vst v2  }
0x135: {  	v2 =	vld.idx.msk [tilespmem:v6+s11+$0x0], $0xffff  }
0x136: {  	v3 =	vld.idx.msk [tilespmem:v1+s19+$0x0], $0xffff;
	_ =	sdelay $0x1  }
0x137: {  	v4 =	vld.idx.msk [tilespmem:v6+s28+$0x0], $0xffff;
	_ =	sdelay $0x1  }
0x138: {  	v61 =	vld.idx.msk [tilespmem:v1+s2+$0x0], $0xffff  }
0x139: {  	v2 =	vmul.f32 v2, v15;
	v3 =	vmul.f32 v3, v13  }
0x13a: {  	v10 =	vld.idx.msk [tilespmem:v6+s18+$0x0], $0xffff  }
0x13b: {  	v62 =	vld.idx.msk [tilespmem:v1+s29+$0x0], $0xffff;
	v4 =	vmul.f32 v4, v17;
	v2 =	vadd.f32 v3, v2  }
0x13c: {  	v6 =	vld.idx.msk [tilespmem:v6+s12+$0x0], $0xffff  }
0x13d: {  	v63 =	vld.idx.msk [tilespmem:v1+s22+$0x0], $0xffff;
	v1 =	vmul.f32 v61, v7;
	v2 =	vadd.f32 v4, v2;
	_ =	sdelay $0x1  }
0x13e: {  	v4 =	vmul.f32 v10, v19;
	v7 =	vadd.f32 v1, v2  }
0x13f: {  	s21 =	simm.s32 $0x1E10;
	s14 =	simm.s32 $0x1C10  }
0x140: {  	s15 =	simm.s32 $0x10;
	s16 =	simm.s32 $0x1C10;
	s17 =	simm.s32 $0x1E10;
	v3 =	vmul.f32 v62, v35;
	v4 =	vadd.f32 v4, v7  }
0x141: {  	s20 =	simm.s32 $0x200;
	s10 =	simm.s32 $0x100;
	s13 =	simm.s32 $0x10;
	v1 =	vmul.f32 v6, v12;
	v2 =	vmul.f32 v63, v5;
	v5 =	vmov s15  }
.LBB2_5:
0x142: {  	v5 =	vshll.u32 v5, $0x3;
	s15 =	sadd.s32 $0x10, s15;
	s16 =	sadd.s32 $0x10, s16;
	s17 =	sadd.s32 $0x10, s17;
	v3 =	vadd.f32 v3, v4  }
0x143: {  	p0 =	sne.s32 s20, $0x1F00;
	s24 =	smov.u32 s20;
	s20 =	sadd.s32 $0x100, s20  }
0x144: {  	v4 =	vor.u32 v0, v5;
	v1 =	vadd.f32 v1, v3;
	_ =	sdelay $0x1  }
0x145: {  	v1 =	vadd.f32 v2, v1;
	_ =	sdelay $0x1  }
0x146: {  	[tilespmem:s23+$0xA180] =	vst v1  }
0x147: {  	v1 =	vld [tilespmem:s21+$0x0];
	s21 =	smov.u32 s17;
	_ =	sdelay $0x4  }
0x148: {  	v2 =	vsub.s32 $0x4, v1;
	v3 =	vand.u32 $0xFFFFFFF8, v1;
	v5 =	vand.u32 $0x7, v1  }
0x149: {  	v6 =	vld [tilespmem:s14+$0xFFFFFE00];
	v3 =	vadd.s32 v4, v3;
	v7 =	vand.u32 $0xFFFFFFF8, v2;
	v2 =	vand.u32 $0x7, v2  }
0x14a: {  	v13 =	vadd.s32 $0x1, v1;
	v9 =	vld [tilespmem:s14+$0xFFFFFC00];
	v10 =	vor.u32 v5, v3;
	v3 =	vadd.s32 v4, v7  }
0x14b: {  	v15 =	vsub.s32 $0x5, v1;
	v14 =	vor.u32 v2, v3;
	v2 =	vand.u32 $0xFFFFFFF8, v13  }
0x14c: {  	v18 =	vadd.s32 $0x2, v1;
	v16 =	vld [tilespmem:s14+$0x0];
	v17 =	vadd.s32 v4, v2;
	v2 =	vand.u32 $0xFFFFFFF8, v15;
	s14 =	smov.u32 s16  }
0x14d: {  	v20 =	vsub.s32 $0x6, v1;
	v19 =	vadd.s32 v4, v2;
	v2 =	vand.u32 $0xFFFFFFF8, v18  }
0x14e: {  	v5 =	vadd.s32 $0x3, v1;
	v21 =	vadd.s32 v4, v2;
	v2 =	vand.u32 $0xFFFFFFF8, v20  }
0x14f: {  	v7 =	vsub.f32 $1.000000000e+00, v6;
	v3 =	vsub.f32 $1.000000000e+00, v9;
	v22 =	vmul.f32 v6, v9;
	v23 =	vld.idx.msk [tilespmem:v10+s11+$0x0], $0xffff  }
0x150: {  	v8 =	vsub.s32 $0x7, v1;
	v1 =	vand.u32 $0xFFFFFFF8, v5;
	v25 =	vadd.s32 v4, v2;
	v24 =	vld.idx.msk [tilespmem:v14+s19+$0x0], $0xffff  }
0x151: {  	v26 =	vsub.f32 $1.000000000e+00, v16;
	v2 =	vmul.f32 v7, v3;
	v6 =	vmul.f32 v6, v3;
	v27 =	vld.idx.msk [tilespmem:v10+s28+$0x0], $0xffff  }
0x152: {  	v11 =	vadd.s32 v4, v1;
	v7 =	vmul.f32 v7, v9;
	v3 =	vand.u32 $0xFFFFFFF8, v8  }
0x153: {  	v12 =	vadd.s32 v4, v3;
	v1 =	vmul.f32 v26, v2  }
0x154: {  	v3 =	vmul.f32 v2, v16;
	v9 =	vld.idx.msk [tilespmem:v14+s2+$0x0], $0xffff  }
0x155: {  	v2 =	vmul.f32 v26, v6;
	v23 =	vmul.f32 v23, v1  }
0x156: {  	v24 =	vmul.f32 v24, v3;
	v28 =	vld.idx.msk [tilespmem:v10+s18+$0x0], $0xffff  }
0x157: {  	v27 =	vmul.f32 v27, v2  }
0x158: {  	v4 =	vmul.f32 v16, v6;
	v23 =	vadd.f32 v24, v23;
	v24 =	vld.idx.msk [tilespmem:v14+s29+$0x0], $0xffff;
	_ =	sdelay $0x1  }
0x159: {  	v6 =	vmul.f32 v26, v7;
	v23 =	vadd.f32 v27, v23;
	v9 =	vmul.f32 v9, v4;
	v27 =	vld.idx.msk [tilespmem:v10+s12+$0x0], $0xffff;
	_ =	sdelay $0x1  }
0x15a: {  	v7 =	vmul.f32 v7, v16;
	v10 =	vadd.f32 v9, v23;
	v23 =	vmul.f32 v28, v6;
	v14 =	vld.idx.msk [tilespmem:v14+s22+$0x0], $0xffff;
	_ =	sdelay $0x1  }
0x15b: {  	v9 =	vmul.f32 v26, v22;
	v23 =	vadd.f32 v23, v10;
	v24 =	vmul.f32 v24, v7;
	_ =	sdelay $0x1  }
0x15c: {  	v10 =	vmul.f32 v16, v22;
	v16 =	vadd.f32 v24, v23;
	v22 =	vmul.f32 v27, v9  }
0x15d: {  	v13 =	vand.u32 $0x7, v13;
	v15 =	vand.u32 $0x7, v15  }
0x15e: {  	v13 =	vor.u32 v13, v17;
	v16 =	vadd.f32 v22, v16;
	v14 =	vmul.f32 v14, v10  }
0x15f: {  	s23 =	sand.u32 $0x1800, s10;
	s10 =	smov.u32 s24;
	v15 =	vor.u32 v15, v19  }
0x160: {  	s24 =	sand.u32 $0x70, s13;
	s13 =	smov.u32 s15;
	s23 =	sshrl.u32 s23, $0x2;
	v14 =	vadd.f32 v14, v16  }
0x161: {  	s23 =	sor.u32 s24, s23  }
0x162: {  	[tilespmem:s23+$0xA000] =	vst v14  }
0x163: {  	v14 =	vld.idx.msk [tilespmem:v13+s11+$0x0], $0xffff  }
0x164: {  	v16 =	vld.idx.msk [tilespmem:v15+s19+$0x0], $0xffff  }
0x165: {  	v17 =	vld.idx.msk [tilespmem:v13+s28+$0x0], $0xffff;
	_ =	sdelay $0x2  }
0x166: {  	v19 =	vld.idx.msk [tilespmem:v15+s2+$0x0], $0xffff;
	_ =	sdelay $0x1  }
0x167: {  	v14 =	vmul.f32 v14, v1;
	v16 =	vmul.f32 v16, v3;
	v22 =	vld.idx.msk [tilespmem:v13+s18+$0x0], $0xffff;
	_ =	sdelay $0x1  }
0x168: {  	v14 =	vadd.f32 v16, v14;
	v16 =	vmul.f32 v17, v2;
	v17 =	vld.idx.msk [tilespmem:v15+s29+$0x0], $0xffff;
	_ =	sdelay $0x1  }
0x169: {  	v14 =	vadd.f32 v16, v14;
	v16 =	vmul.f32 v19, v4;
	v13 =	vld.idx.msk [tilespmem:v13+s12+$0x0], $0xffff;
	_ =	sdelay $0x1  }
0x16a: {  	v14 =	vadd.f32 v16, v14;
	v16 =	vmul.f32 v22, v6;
	v15 =	vld.idx.msk [tilespmem:v15+s22+$0x0], $0xffff;
	_ =	sdelay $0x1  }
0x16b: {  	v14 =	vadd.f32 v16, v14;
	v16 =	vmul.f32 v17, v7;
	_ =	sdelay $0x1  }
0x16c: {  	v14 =	vadd.f32 v16, v14;
	v13 =	vmul.f32 v13, v9  }
0x16d: {  	v17 =	vand.u32 $0x7, v20;
	v16 =	vand.u32 $0x7, v18  }
0x16e: {  	v13 =	vadd.f32 v13, v14;
	v14 =	vmul.f32 v15, v10;
	v15 =	vor.u32 v16, v21  }
0x16f: {  	v16 =	vor.u32 v17, v25  }
0x170: {  	v13 =	vadd.f32 v14, v13;
	_ =	sdelay $0x1  }
0x171: {  	[tilespmem:s23+$0xA080] =	vst v13  }
0x172: {  	v13 =	vld.idx.msk [tilespmem:v15+s11+$0x0], $0xffff  }
0x173: {  	v14 =	vld.idx.msk [tilespmem:v16+s19+$0x0], $0xffff;
	_ =	sdelay $0x1  }
0x174: {  	v17 =	vld.idx.msk [tilespmem:v15+s28+$0x0], $0xffff;
	_ =	sdelay $0x1  }
0x175: {  	v18 =	vld.idx.msk [tilespmem:v16+s2+$0x0], $0xffff;
	_ =	sdelay $0x1  }
0x176: {  	v13 =	vmul.f32 v13, v1;
	v14 =	vmul.f32 v14, v3;
	v19 =	vld.idx.msk [tilespmem:v15+s18+$0x0], $0xffff;
	_ =	sdelay $0x1  }
0x177: {  	v13 =	vadd.f32 v14, v13;
	v14 =	vmul.f32 v17, v2;
	v17 =	vld.idx.msk [tilespmem:v16+s29+$0x0], $0xffff;
	_ =	sdelay $0x1  }
0x178: {  	v13 =	vadd.f32 v14, v13;
	v14 =	vmul.f32 v18, v4;
	v15 =	vld.idx.msk [tilespmem:v15+s12+$0x0], $0xffff;
	_ =	sdelay $0x1  }
0x179: {  	v13 =	vadd.f32 v14, v13;
	v14 =	vmul.f32 v19, v6;
	v16 =	vld.idx.msk [tilespmem:v16+s22+$0x0], $0xffff;
	_ =	sdelay $0x1  }
0x17a: {  	v13 =	vadd.f32 v14, v13;
	v14 =	vmul.f32 v17, v7;
	_ =	sdelay $0x1  }
0x17b: {  	v13 =	vadd.f32 v14, v13;
	v14 =	vmul.f32 v15, v9  }
0x17c: {  	v5 =	vand.u32 $0x7, v5;
	v8 =	vand.u32 $0x7, v8  }
0x17d: {  	v5 =	vor.u32 v5, v11;
	v13 =	vadd.f32 v14, v13;
	v14 =	vmul.f32 v16, v10  }
0x17e: {  	v8 =	vor.u32 v8, v12  }
0x17f: {  	v11 =	vadd.f32 v14, v13;
	_ =	sdelay $0x1  }
0x180: {  	[tilespmem:s23+$0xA100] =	vst v11  }
0x181: {  	v11 =	vld.idx.msk [tilespmem:v5+s11+$0x0], $0xffff  }
0x182: {  	v12 =	vld.idx.msk [tilespmem:v8+s19+$0x0], $0xffff  }
0x183: {  	v13 =	vld.idx.msk [tilespmem:v5+s28+$0x0], $0xffff  }
0x184: {  	v14 =	vld.idx.msk [tilespmem:v8+s2+$0x0], $0xffff  }
0x185: {  	v15 =	vld.idx.msk [tilespmem:v5+s18+$0x0], $0xffff  }
0x186: {  	v16 =	vld.idx.msk [tilespmem:v8+s29+$0x0], $0xffff  }
0x187: {  	v1 =	vmul.f32 v11, v1;
	v5 =	vld.idx.msk [tilespmem:v5+s12+$0x0], $0xffff  }
0x188: {  	v3 =	vmul.f32 v12, v3;
	v8 =	vld.idx.msk [tilespmem:v8+s22+$0x0], $0xffff  }
0x189: {  	v2 =	vmul.f32 v13, v2  }
0x18a: {  	v1 =	vadd.f32 v3, v1;
	v4 =	vmul.f32 v14, v4  }
0x18b: {  	v6 =	vmul.f32 v15, v6  }
0x18c: {  	v2 =	vadd.f32 v2, v1;
	v3 =	vmul.f32 v16, v7  }
.Ltmp1:
0x18d: {  	v1 =	vmul.f32 v5, v9;
	(pc) =	sbr.rel @p0 .LBB2_5-.Ltmp1, $3  }
0x18e: {  	v4 =	vadd.f32 v4, v2;
	v2 =	vmul.f32 v8, v10;
	_ =	sdelay $0x1  }
0x18f: {  	v4 =	vadd.f32 v6, v4  }
0x190: {  	v5 =	vmov s15  }
0x191: {  	v3 =	vadd.f32 v3, v4;
	_ =	sdelay $0x1  }
0x192: {  	v1 =	vadd.f32 v1, v3;
	_ =	sdelay $0x1  }
0x193: {  	v1 =	vadd.f32 v2, v1;
	_ =	sdelay $0x1  }
0x194: {  	[tilespmem:s23+$0xA180] =	vst v1  }
0x195: {  	v1 =	vld [tilespmem:s21+$0x0];
	_ =	sdelay $0x3  }
0x196: {  	v2 =	vshll.u32 v5, $0x3  }
0x197: {  	v2 =	vor.u32 v0, v2;
	v3 =	vsub.s32 $0x4, v1;
	v52 =	vand.u32 $0xFFFFFFF8, v1  }
0x198: {  	v6 =	vld [tilespmem:s14+$0xFFFFFE00];
	v53 =	vand.u32 $0x7, v1;
	v4 =	vadd.s32 v2, v52;
	v7 =	vand.u32 $0xFFFFFFF8, v3  }
0x199: {  	v8 =	vld [tilespmem:s14+$0xFFFFFC00];
	v3 =	vand.u32 $0x7, v3;
	v4 =	vor.u32 v53, v4;
	v54 =	vadd.s32 v2, v7  }
0x19a: {  	v3 =	vor.u32 v3, v54  }
0x19b: {  	v55 =	vld [tilespmem:s14+$0x0];
	_ =	sdelay $0x2  }
0x19c: {  	v56 =	vsub.f32 $1.000000000e+00, v8;
	v9 =	vsub.f32 $1.000000000e+00, v6;
	v10 =	vld.idx.msk [tilespmem:v4+s11+$0x0], $0xffff  }
0x19d: {  	v11 =	vld.idx.msk [tilespmem:v3+s19+$0x0], $0xffff  }
0x19e: {  	v12 =	vsub.f32 $1.000000000e+00, v55;
	v13 =	vmul.f32 v9, v56  }
0x19f: {  	v7 =	vmul.f32 v6, v56;
	v14 =	vld.idx.msk [tilespmem:v4+s28+$0x0], $0xffff  }
0x1a0: {  	v15 =	vmul.f32 v12, v13;
	v13 =	vmul.f32 v13, v55  }
0x1a1: {  	v17 =	vmul.f32 v12, v7;
	v16 =	vld.idx.msk [tilespmem:v3+s2+$0x0], $0xffff  }
0x1a2: {  	v10 =	vmul.f32 v10, v15;
	v11 =	vmul.f32 v11, v13  }
0x1a3: {  	v9 =	vmul.f32 v9, v8;
	v18 =	vld.idx.msk [tilespmem:v4+s18+$0x0], $0xffff  }
0x1a4: {  	v7 =	vmul.f32 v55, v7;
	v14 =	vmul.f32 v14, v17;
	v10 =	vadd.f32 v11, v10  }
0x1a5: {  	v57 =	vld.idx.msk [tilespmem:v3+s29+$0x0], $0xffff  }
0x1a6: {  	v19 =	vmul.f32 v12, v9;
	v58 =	vmul.f32 v16, v7;
	v10 =	vadd.f32 v14, v10  }
0x1a7: {  	v59 =	vadd.s32 $0x1, v1;
	v6 =	vmul.f32 v6, v8;
	v4 =	vld.idx.msk [tilespmem:v4+s12+$0x0], $0xffff  }
0x1a8: {  	v8 =	vmul.f32 v9, v55;
	v61 =	vmul.f32 v18, v19;
	v60 =	vadd.f32 v58, v10  }
0x1a9: {  	v62 =	vsub.s32 $0x5, v1;
	v63 =	vand.u32 $0xFFFFFFF8, v59;
	v3 =	vld.idx.msk [tilespmem:v3+s22+$0x0], $0xffff  }
0x1aa: {  	v12 =	vmul.f32 v12, v6;
	v21 =	vmul.f32 v57, v8;
	v9 =	vadd.f32 v61, v60  }
0x1ab: {  	v23 =	vand.u32 $0xFFFFFFF8, v62;
	v26 =	vand.u32 $0x7, v59;
	v22 =	vadd.s32 v2, v63  }
0x1ac: {  	v5 =	vmul.f32 v55, v6;
	v4 =	vmul.f32 v4, v12;
	v24 =	vadd.f32 v21, v9  }
0x1ad: {  	v25 =	vadd.s32 v2, v23;
	v27 =	vor.u32 v26, v22  }
0x1ae: {  	v3 =	vmul.f32 v3, v5;
	v14 =	vand.u32 $0x7, v62;
	v4 =	vadd.f32 v4, v24  }
0x1af: {  	s10 =	sand.u32 $0x1800, s10;
	v9 =	vor.u32 v14, v25  }
0x1b0: {  	s13 =	sand.u32 $0x70, s13;
	s10 =	sshrl.u32 s10, $0x2;
	v3 =	vadd.f32 v3, v4  }
0x1b1: {  	s10 =	sor.u32 s13, s10  }
0x1b2: {  	[tilespmem:s10+$0xA000] =	vst v3  }
0x1b3: {  	v3 =	vld.idx.msk [tilespmem:v27+s11+$0x0], $0xffff  }
0x1b4: {  	v28 =	vld.idx.msk [tilespmem:v9+s19+$0x0], $0xffff;
	_ =	sdelay $0x1  }
0x1b5: {  	v10 =	vld.idx.msk [tilespmem:v27+s28+$0x0], $0xffff;
	_ =	sdelay $0x1  }
0x1b6: {  	v29 =	vld.idx.msk [tilespmem:v9+s2+$0x0], $0xffff  }
0x1b7: {  	v3 =	vmul.f32 v3, v15;
	v4 =	vmul.f32 v28, v13  }
0x1b8: {  	v30 =	vld.idx.msk [tilespmem:v27+s18+$0x0], $0xffff  }
0x1b9: {  	v31 =	vmul.f32 v10, v17;
	v3 =	vadd.f32 v4, v3  }
0x1ba: {  	v32 =	vld.idx.msk [tilespmem:v9+s29+$0x0], $0xffff  }
0x1bb: {  	v33 =	vmul.f32 v29, v7;
	v3 =	vadd.f32 v31, v3  }
0x1bc: {  	v6 =	vld.idx.msk [tilespmem:v27+s12+$0x0], $0xffff  }
0x1bd: {  	v34 =	vmul.f32 v30, v19;
	v3 =	vadd.f32 v33, v3  }
0x1be: {  	v35 =	vadd.s32 $0x2, v1;
	v9 =	vld.idx.msk [tilespmem:v9+s22+$0x0], $0xffff  }
0x1bf: {  	v38 =	vsub.s32 $0x6, v1;
	v37 =	vmul.f32 v32, v8;
	v3 =	vadd.f32 v34, v3  }
0x1c0: {  	v36 =	vand.u32 $0xFFFFFFF8, v35;
	v39 =	vand.u32 $0xFFFFFFF8, v38;
	v11 =	vand.u32 $0x7, v35  }
0x1c1: {  	v14 =	vadd.s32 v2, v36;
	v40 =	vmul.f32 v6, v12;
	v3 =	vadd.f32 v37, v3  }
0x1c2: {  	v41 =	vadd.s32 v2, v39;
	v43 =	vor.u32 v11, v14  }
0x1c3: {  	v10 =	vand.u32 $0x7, v38;
	v42 =	vmul.f32 v9, v5;
	v3 =	vadd.f32 v40, v3  }
0x1c4: {  	v6 =	vor.u32 v10, v41  }
0x1c5: {  	v3 =	vadd.f32 v42, v3;
	_ =	sdelay $0x1  }
0x1c6: {  	[tilespmem:s10+$0xA080] =	vst v3  }
0x1c7: {  	v3 =	vld.idx.msk [tilespmem:v43+s11+$0x0], $0xffff  }
0x1c8: {  	v44 =	vld.idx.msk [tilespmem:v6+s19+$0x0], $0xffff;
	_ =	sdelay $0x1  }
0x1c9: {  	v45 =	vld.idx.msk [tilespmem:v43+s28+$0x0], $0xffff;
	_ =	sdelay $0x1  }
0x1ca: {  	v46 =	vld.idx.msk [tilespmem:v6+s2+$0x0], $0xffff  }
0x1cb: {  	v3 =	vmul.f32 v3, v15;
	v4 =	vmul.f32 v44, v13  }
0x1cc: {  	v14 =	vld.idx.msk [tilespmem:v43+s18+$0x0], $0xffff  }
0x1cd: {  	v47 =	vmul.f32 v45, v17;
	v3 =	vadd.f32 v4, v3  }
0x1ce: {  	v48 =	vld.idx.msk [tilespmem:v6+s29+$0x0], $0xffff  }
0x1cf: {  	v49 =	vmul.f32 v46, v7;
	v3 =	vadd.f32 v47, v3  }
0x1d0: {  	v9 =	vld.idx.msk [tilespmem:v43+s12+$0x0], $0xffff  }
0x1d1: {  	v50 =	vmul.f32 v14, v19;
	v3 =	vadd.f32 v49, v3  }
0x1d2: {  	v51 =	vadd.s32 $0x3, v1;
	v6 =	vld.idx.msk [tilespmem:v6+s22+$0x0], $0xffff  }
0x1d3: {  	v52 =	vand.u32 $0xFFFFFFF8, v51;
	v53 =	vmul.f32 v48, v8;
	v3 =	vadd.f32 v50, v3  }
0x1d4: {  	v1 =	vsub.s32 $0x7, v1;
	v54 =	vadd.s32 v2, v52  }
0x1d5: {  	v57 =	vand.u32 $0x7, v51;
	v56 =	vmul.f32 v9, v12;
	v3 =	vadd.f32 v53, v3  }
0x1d6: {  	v55 =	vand.u32 $0xFFFFFFF8, v1;
	v1 =	vand.u32 $0x7, v1;
	v59 =	vor.u32 v57, v54  }
0x1d7: {  	v2 =	vadd.s32 v2, v55;
	v58 =	vmul.f32 v6, v5;
	v3 =	vadd.f32 v56, v3  }
0x1d8: {  	v1 =	vor.u32 v1, v2  }
0x1d9: {  	v2 =	vadd.f32 v58, v3;
	_ =	sdelay $0x1  }
0x1da: {  	[tilespmem:s10+$0xA100] =	vst v2  }
0x1db: {  	v2 =	vld.idx.msk [tilespmem:v59+s11+$0x0], $0xffff  }
0x1dc: {  	v3 =	vld.idx.msk [tilespmem:v1+s19+$0x0], $0xffff;
	_ =	sdelay $0x1  }
0x1dd: {  	v60 =	vld.idx.msk [tilespmem:v59+s28+$0x0], $0xffff;
	_ =	sdelay $0x1  }
0x1de: {  	v61 =	vld.idx.msk [tilespmem:v1+s2+$0x0], $0xffff  }
0x1df: {  	v2 =	vmul.f32 v2, v15;
	v3 =	vmul.f32 v3, v13  }
0x1e0: {  	v10 =	vld.idx.msk [tilespmem:v59+s18+$0x0], $0xffff  }
0x1e1: {  	v4 =	vmul.f32 v60, v17;
	v2 =	vadd.f32 v3, v2  }
0x1e2: {  	v3 =	vld.idx.msk [tilespmem:v1+s29+$0x0], $0xffff  }
0x1e3: {  	v7 =	vmul.f32 v61, v7;
	v2 =	vadd.f32 v4, v2  }
0x1e4: {  	v62 =	vld.idx.msk [tilespmem:v59+s12+$0x0], $0xffff  }
0x1e5: {  	v63 =	vmul.f32 v10, v19;
	v2 =	vadd.f32 v7, v2  }
0x1e6: {  	v1 =	vld.idx.msk [tilespmem:v1+s22+$0x0], $0xffff  }
0x1e7: {  	v3 =	vmul.f32 v3, v8;
	v2 =	vadd.f32 v63, v2;
	_ =	sdelay $0x1  }
0x1e8: {  	v4 =	vmul.f32 v62, v12;
	v2 =	vadd.f32 v3, v2;
	_ =	sdelay $0x1  }
0x1e9: {  	v1 =	vmul.f32 v1, v5;
	v2 =	vadd.f32 v4, v2;
	_ =	sdelay $0x1  }
0x1ea: {  	s7 =	sadd.s32 $0x1, s7;
	v1 =	vadd.f32 v1, v2  }
0x1eb: {  	p0 =	sne.s32 s7, $0x80;
	s23 =	rddreg [dreg:$0x1]  }
.Ltmp2:
0x1ec: {  	s24 =	simm.s32 $0x0;
	s1 =	sadd.s32 s23, s1;
	[tilespmem:s10+$0xA180] =	vst v1;
	(pc) =	sbr.rel @p0 .LBB2_2-.Ltmp2, $4  }
0x1ed: {  	[hbm4b:s1+s24] =	stream.linear.scatter [tilespmem:s3], [sflag:$0x2], $0x800, $0x38;
	[tilespmem:$0xA800] =	vst v63  }
0x1ee: {  	_ =	swait.ge [sflag:s8], $0x800  }
0x1ef: {  	[sflag:s8] =	ssyncset.done $0x0  }
0x1f0: {  	[sflag:s8] =	ssyncadd.s32 $0xFFFFF800  }
0x1f1: {  	s7 =	rddreg [dreg:$0x4]  }
0x1f2: {  	s1 =	rddreg [dreg:$0x3];
	s7 =	sadd.s32 $0x1, s7  }
0x1f3: {  	p0 =	sne.s32 s7, s1  }
.Ltmp3:
0x1f4: {  	_ = 	snop;
	(pc) =	sbr.rel @p0 .LBB2_1-.Ltmp3, $1  }
0x1f5: {  	_ =	sdelay $0x3  }
0x1f6: {  	_ =	sfence.sel $0x180000  }
0x1f7: {  	[bflag:$0x0] =	sbarrier.arrive $0xFFFF  }
0x1f8: {  	_ =	strace $0x9000004A  }
0x1f9: {  	s0 =	stileid.u32;
	[bflag:$0x2] =	sbarrier.arrive $0xFFFF  }
0x1fa: {  	p0 =	sne.s32 s0, $0x0;
	s0 =	rddreg [dreg:$0x2]  }
0x1fb: {  	s0 =	sadd.s32 @!p0 $0x100000, s0  }
0x1fc: {  	[sflag:s0] =	ssyncadd.tile.s32 @!p0 $0x1;
	_ =	shalt  }
.Lfunc_end2:
_tile_overlayer_lowered:
.L_overlay_start_2:
0x1fd: {  	(tag) =	ssettag $0x2  }
0x1fe: {  	s0 =	rddreg [dreg:$0x0];
	s2 =	stileid.u32  }
0x1ff: {  	s1 =	rddreg [dreg:$0x1];
	p0 =	sne.s32 s2, $0x0  }
0x200: {  	s3 =	rddreg [dreg:$0x2];
	[bflag:$0x3] =	sbarrier.arrive $0xFFFF;
	s2 =	simm.s32 @!p0 $0x1C02  }
0x201: {  	[timem:s3], [sflag:s2] =	dma.local @!p0 [hbm:s0], s1  }
0x202: {  	s0 =	simm.s32 @!p0 $0x2  }
0x203: {  	_ =	swait.ge @!p0 [sflag:s0], s1  }
0x204: {  	s1 =	ssub.s32 @!p0 $0x0, s1;
	[sflag:s0] =	ssyncset.done @!p0 $0x0  }
0x205: {  	[sflag:s0] =	ssyncadd.s32 @!p0 s1  }
0x206: {  	[bflag:$0x3] =	sbarrier.arrive $0xFFFF  }
0x207: {  	_ =	shalt  }

</sc_bundles>
